<compile_context>
chip_gen: v7x
topology: tpu7x:2x2x1
jax: 0.10.2.dev20260603
libtpu: 0.0.44.dev20260713+nightly
codegen_flags: <defaults>
</compile_context>

<pallas_src>
import functools

import jax
import jax.numpy as jnp
from jax import lax
from jax.experimental import pallas as pl
from jax.experimental.pallas import tpu as pltpu
from jax.experimental.pallas import tpu_sc as plsc

N = 10000
D = 128
HALF = 64
E = 320000
NC = 2
NS = 16
LANES = 16
N_PAD = 10240
RPS = N_PAD // NS
CHUNK = 80

_MESH = plsc.VectorSubcoreMesh(core_axis_name="core", subcore_axis_name="subcore")

_F32 = jnp.float32


@functools.partial(
    pl.kernel,
    out_type=jax.ShapeDtypeStruct((NC * 2 * N_PAD, LANES), _F32),
    mesh=_MESH,
    scratch_types=[
        pltpu.VMEM((3, CHUNK), jnp.int32),
        pltpu.VMEM((CHUNK, LANES), _F32),
        pltpu.VMEM_SHARED((N_PAD, LANES), _F32),
        pltpu.VMEM_SHARED((N_PAD, LANES), _F32),
    ],
)
def _deg_kernel(rcw_hbm, z16_hbm, out_hbm, iv3, mv, acc_o, acc_i):
    c = lax.axis_index("core")
    s = lax.axis_index("subcore")
    wid = c * NS + s
    iota = lax.broadcasted_iota(jnp.int32, (LANES,), 0)

    pltpu.sync_copy(z16_hbm, acc_o.at[pl.ds(s * RPS, RPS)])
    pltpu.sync_copy(z16_hbm, acc_i.at[pl.ds(s * RPS, RPS)])
    plsc.subcore_barrier()

    nchw = E // (NC * NS) // CHUNK
    base_c = wid * nchw

    @pl.loop(0, nchw)
    def _(i):
        pltpu.sync_copy(rcw_hbm.at[base_c + i], iv3)
        for g in range(CHUNK // LANES):
            w16 = lax.bitcast_convert_type(iv3[2, pl.ds(g * LANES, LANES)], _F32)
            for b in range(LANES):
                mv[g * LANES + b, :] = jnp.where(iota == b, w16, 0.0)
        pltpu.sync_copy(mv, acc_o.at[iv3.at[0]], add=True)
        pltpu.sync_copy(mv, acc_i.at[iv3.at[1]], add=True)

    plsc.subcore_barrier()
    pltpu.sync_copy(acc_o.at[pl.ds(s * RPS, RPS)],
                    out_hbm.at[pl.ds((c * 2) * N_PAD + s * RPS, RPS)])
    pltpu.sync_copy(acc_i.at[pl.ds(s * RPS, RPS)],
                    out_hbm.at[pl.ds((c * 2 + 1) * N_PAD + s * RPS, RPS)])


NCH = E // NS // CHUNK
NCHC = E // CHUNK
SUPER = 50
NSUP = NCH // SUPER


@functools.partial(
    pl.kernel,
    out_type=jax.ShapeDtypeStruct((NC, N_PAD, D), _F32),
    mesh=_MESH,
    scratch_types=[
        pltpu.VMEM((SUPER, 2, CHUNK), jnp.int32),
        pltpu.VMEM((CHUNK, D), _F32),
        pltpu.VMEM((CHUNK, D), _F32),
        pltpu.VMEM_SHARED((N_PAD, D), _F32),
        pltpu.SemaphoreType.DMA,
        pltpu.SemaphoreType.DMA,
        pltpu.SemaphoreType.DMA,
        pltpu.SemaphoreType.DMA,
    ],
)
def _hop_kernel(y_hbm, ric_hbm, z128_hbm, t_hbm,
                iva, gb0, gb1, acc, sg0, sg1, ss0, ss1):
    c = lax.axis_index("core")
    s = lax.axis_index("subcore")
    gb = (gb0, gb1)
    sg = (sg0, sg1)
    ss = (ss0, ss1)

    pltpu.sync_copy(z128_hbm, acc.at[pl.ds(s * RPS, RPS)])
    plsc.subcore_barrier()

    def gather(j, b):
        pltpu.async_copy(y_hbm.at[iva.at[j, 0]], gb[b], sg[b])

    def wait_gather(b):
        pltpu.make_async_copy(y_hbm.at[iva.at[0, 0]], gb[b], sg[b]).wait()

    def scatter(j, b):
        pltpu.async_copy(gb[b], acc.at[iva.at[j, 1]], ss[b], add=True)

    def wait_scatter(b):
        pltpu.make_async_copy(gb[b], acc.at[iva.at[0, 1]], ss[b]).wait()

    base_cid = c * NCHC + s * NCH

    @pl.loop(0, NSUP)
    def _(sp):
        pltpu.sync_copy(ric_hbm.at[pl.ds(base_cid + sp * SUPER, SUPER)], iva)
        gather(0, 0)
        gather(1, 1)
        wait_gather(0)
        scatter(0, 0)

        @pl.loop(0, (SUPER - 2) // 2)
        def _(u):
            j0 = 2 * u + 2
            for db in range(2):
                j = j0 + db
                b = db
                wait_scatter(b)
                gather(j, b)
                wait_gather(1 - b)
                scatter(j - 1, 1 - b)

        wait_gather(1)
        scatter(SUPER - 1, 1)
        wait_scatter(0)
        wait_scatter(1)

    plsc.subcore_barrier()
    pltpu.sync_copy(acc.at[pl.ds(s * RPS, RPS)], t_hbm.at[c, pl.ds(s * RPS, RPS)])


_BN = 1000


def _scale1_body(ds_ref, x_ref, yc_ref, dvo_ref, dvi_ref):
    ds = ds_ref[...]
    deg_o = jnp.sum(ds[:, 0], axis=(0, 2))
    deg_i = jnp.sum(ds[:, 1], axis=(0, 2))
    dinv_o = 1.0 / deg_o
    dinv_i = 1.0 / deg_i
    x = x_ref[...]
    yo = x * dinv_o[:, None]
    yi = x * dinv_i[:, None]
    yc_ref[0] = jnp.concatenate([yo[:, :HALF], yi[:, :HALF]], axis=1)
    yc_ref[1] = jnp.concatenate([yo[:, HALF:], yi[:, HALF:]], axis=1)
    dvo_ref[...] = dinv_o[:, None]
    dvi_ref[...] = dinv_i[:, None]


_scale1 = pl.pallas_call(
    _scale1_body,
    grid=(N // _BN,),
    in_specs=[
        pl.BlockSpec((NC, 2, _BN, LANES), lambda i: (0, 0, i, 0)),
        pl.BlockSpec((_BN, D), lambda i: (i, 0)),
    ],
    out_specs=[
        pl.BlockSpec((NC, _BN, D), lambda i: (0, i, 0)),
        pl.BlockSpec((_BN, 1), lambda i: (i, 0)),
        pl.BlockSpec((_BN, 1), lambda i: (i, 0)),
    ],
    out_shape=[
        jax.ShapeDtypeStruct((NC, N, D), _F32),
        jax.ShapeDtypeStruct((N, 1), _F32),
        jax.ShapeDtypeStruct((N, 1), _F32),
    ],
)


def _scale2_body(t_ref, dvo_ref, dvi_ref, yc_ref):
    dinv_o = dvo_ref[...]
    dinv_i = dvi_ref[...]
    for cc in range(NC):
        t = t_ref[cc]
        yc_ref[cc] = jnp.concatenate(
            [t[:, :HALF] * dinv_o, t[:, HALF:] * dinv_i], axis=1)


_scale2 = pl.pallas_call(
    _scale2_body,
    grid=(N // _BN,),
    in_specs=[
        pl.BlockSpec((NC, _BN, D), lambda i: (0, i, 0)),
        pl.BlockSpec((_BN, 1), lambda i: (i, 0)),
        pl.BlockSpec((_BN, 1), lambda i: (i, 0)),
    ],
    out_specs=pl.BlockSpec((NC, _BN, D), lambda i: (0, i, 0)),
    out_shape=jax.ShapeDtypeStruct((NC, N, D), _F32),
)


def _final_body(x_ref, t1_ref, p2_ref, wx_ref, wh_ref, b_ref, out_ref):
    dn = (((1,), (0,)), ((), ()))
    hi = lax.Precision.DEFAULT
    o = lax.dot_general(x_ref[...], wx_ref[...], dn, precision=hi)
    for a, ref in enumerate((t1_ref, p2_ref)):
        for cc in range(NC):
            t = ref[cc]
            o += lax.dot_general(t[:, :HALF], wh_ref[a, cc, 0], dn, precision=hi)
            o += lax.dot_general(t[:, HALF:], wh_ref[a, cc, 1], dn, precision=hi)
    o += b_ref[...]
    z = jax.nn.sigmoid(o[:, :D])
    ht = jnp.tanh(o[:, D:])
    out_ref[...] = (1.0 - z) * ht


_final = pl.pallas_call(
    _final_body,
    grid=(N // _BN,),
    in_specs=[
        pl.BlockSpec((_BN, D), lambda i: (i, 0)),
        pl.BlockSpec((NC, _BN, D), lambda i: (0, i, 0)),
        pl.BlockSpec((NC, _BN, D), lambda i: (0, i, 0)),
        pl.BlockSpec((D, 2 * D), lambda i: (0, 0)),
        pl.BlockSpec((2, NC, 2, HALF, 2 * D), lambda i: (0, 0, 0, 0, 0)),
        pl.BlockSpec((1, 2 * D), lambda i: (0, 0)),
    ],
    out_specs=pl.BlockSpec((_BN, D), lambda i: (i, 0)),
    out_shape=jax.ShapeDtypeStruct((N, D), _F32),
)


def kernel(X, edge_index, edge_weight, W_z, b_z, W_r, b_r, W_h, b_h):
    row = edge_index[0].astype(jnp.int32)
    col = edge_index[1].astype(jnp.int32)
    w = edge_weight.astype(_F32)
    z16 = jnp.zeros((RPS, LANES), _F32)
    z128 = jnp.zeros((RPS, D), _F32)

    rows_c = row.reshape(NCHC, 1, CHUNK)
    cols_c = col.reshape(NCHC, 1, CHUNK)
    ric = jnp.concatenate([
        jnp.concatenate([rows_c, cols_c], axis=1),
        jnp.concatenate([rows_c + N, cols_c], axis=1),
    ], axis=0)

    wbits_c = lax.bitcast_convert_type(w, jnp.int32).reshape(NCHC, 1, CHUNK)
    rcw = jnp.concatenate([rows_c, cols_c, wbits_c], axis=1)
    ds = _deg_kernel(rcw, z16).reshape(NC, 2, N_PAD, LANES)
    y1, dvo, dvi = _scale1(ds, X)
    t1 = _hop_kernel(y1.reshape(NC * N, D), ric, z128)
    y2 = _scale2(t1, dvo, dvi)
    p2 = _hop_kernel(y2.reshape(NC * N, D), ric, z128)

    def eff(Wg):
        Wk = Wg[:, :, :D, :]
        wa = Wk[0, 0] + Wk[1, 0] - Wk[0, 2] - Wk[1, 2]
        return wa, Wk[0, 1], Wk[1, 1], 2.0 * Wk[0, 2], 2.0 * Wk[1, 2]

    az = eff(W_z)
    ah = eff(W_h)
    wx = jnp.concatenate([az[0], ah[0]], axis=1)
    wh_rows = []
    for a in range(2):
        core_rows = []
        for cc in range(NC):
            kind_rows = []
            for k in range(2):
                wcat = jnp.concatenate(
                    [az[1 + 2 * a + k], ah[1 + 2 * a + k]], axis=1)
                kind_rows.append(wcat[cc * HALF:(cc + 1) * HALF])
            core_rows.append(jnp.stack(kind_rows))
        wh_rows.append(jnp.stack(core_rows))
    wh = jnp.stack(wh_rows)
    b2 = jnp.concatenate([b_z, b_h]).reshape(1, 2 * D)

    return _final(X, t1, p2, wx, wh, b2)

# --- scband reference (transcript-rebuilt; emitter-appended) ---
"""Pipeline reference for scband-dcrnn-10582799417871 (READ-ONLY COPY).

The authoritative reference and input builder live on the scoring server;
editing this copy changes nothing except your own understanding.
"""

import jax, jax.numpy as jnp
import numpy as np

N = 10000
E = 320000
D_IN = 128
D_OUT = 128
K = 3


def _glorot(key, shape):
    stdv = np.sqrt(6.0 / (shape[-2] + shape[-1]))
    return jax.random.uniform(key, shape, dtype=jnp.float32, minval=-stdv, maxval=stdv)


def setup_inputs(seed: int = 0) -> dict:
    key = jax.random.key(seed)
    ks = jax.random.split(key, 8)
    X = jax.random.normal(ks[0], (N, D_IN), dtype=jnp.float32)
    edge_index = jax.random.randint(ks[1], (2, E), 0, N, dtype=jnp.int64)
    edge_weight = jax.random.uniform(ks[2], (E,), dtype=jnp.float32)
    d_cat = D_IN + D_OUT
    W_z = _glorot(ks[3], (2, K, d_cat, D_OUT))
    W_r = _glorot(ks[4], (2, K, d_cat, D_OUT))
    W_h = _glorot(ks[5], (2, K, d_cat, D_OUT))
    b_z = jnp.zeros((D_OUT,), dtype=jnp.float32)
    b_r = jnp.zeros((D_OUT,), dtype=jnp.float32)
    b_h = jnp.zeros((D_OUT,), dtype=jnp.float32)
    return {"X": X, "edge_index": edge_index, "edge_weight": edge_weight,
            "W_z": W_z, "b_z": b_z, "W_r": W_r, "b_r": b_r, "W_h": W_h, "b_h": b_h}


def _dconv(x, edge_index, edge_weight, weight, bias):
    n = x.shape[0]
    row = edge_index[0]
    col = edge_index[1]
    # degrees from weighted adjacency (equivalent to to_dense_adj + matmul with ones)
    deg_out = jax.ops.segment_sum(edge_weight, row, num_segments=n)
    deg_in = jax.ops.segment_sum(edge_weight, col, num_segments=n)
    deg_out_inv = 1.0 / deg_out
    deg_in_inv = 1.0 / deg_in
    # NOTE: original code indexes deg_in_inv by row as well (faithful reproduction)
    norm_out = deg_out_inv[row]
    norm_in = deg_in_inv[row]

    def propagate(h, norm):
        msg = norm[:, None] * h[row]
        return jax.ops.segment_sum(msg, col, num_segments=n)

    Tx_0 = x
    Tx_1 = x
    out = jnp.matmul(Tx_0, weight[0][0]) + jnp.matmul(Tx_0, weight[1][0])
    Tx_1_o = None
    Tx_1_i = None
    if weight.shape[1] > 1:
        Tx_1_o = propagate(x, norm_out)
        Tx_1_i = propagate(x, norm_in)
        out = out + jnp.matmul(Tx_1_o, weight[0][1]) + jnp.matmul(Tx_1_i, weight[1][1])
    for k in range(2, weight.shape[1]):
        Tx_2_o = propagate(Tx_1_o, norm_out)
        Tx_2_o = 2.0 * Tx_2_o - Tx_0
        Tx_2_i = propagate(Tx_1_i, norm_in)
        Tx_2_i = 2.0 * Tx_2_i - Tx_0
        out = out + jnp.matmul(Tx_2_o, weight[0][k]) + jnp.matmul(Tx_2_i, weight[1][k])
        Tx_0, Tx_1_o, Tx_1_i = Tx_1, Tx_2_o, Tx_2_i
    if bias is not None:
        out = out + bias
    return out


def reference(X, edge_index, edge_weight, W_z, b_z, W_r, b_r, W_h, b_h):
    H = jnp.zeros((X.shape[0], D_OUT), dtype=X.dtype)
    Z = jax.nn.sigmoid(_dconv(jnp.concatenate([X, H], axis=1), edge_index, edge_weight, W_z, b_z))
    R = jax.nn.sigmoid(_dconv(jnp.concatenate([X, H], axis=1), edge_index, edge_weight, W_r, b_r))
    H_tilde = jnp.tanh(_dconv(jnp.concatenate([X, H * R], axis=1), edge_index, edge_weight, W_h, b_h))
    H = Z * H + (1.0 - Z) * H_tilde
    return H

if __name__ == "__main__":
    import jax
    _d = setup_inputs()
    print(jax.jit(kernel)(*tuple(_d.values())))

</pallas_src>

<mosaic_0001>
#map = affine_map<(d0, d1) -> (0, 0, 0)>
#map1 = affine_map<(d0, d1) -> (0, 0)>
module attributes {stable_mosaic.version = 14 : i64} {
  func.func @_deg_kernel(%arg0: i32, %arg1: i32, %arg2: memref<4000x3x80xi32, #tpu.memory_space<hbm>>, %arg3: memref<640x16xf32, #tpu.memory_space<hbm>>, %arg4: memref<40960x16xf32, #tpu.memory_space<hbm>>, %arg5: memref<3x80xi32, #tpu.memory_space<vmem>>, %arg6: memref<80x16xf32, #tpu.memory_space<vmem>>, %arg7: memref<10240x16xf32, #tpu.memory_space<vmem_shared>>, %arg8: memref<10240x16xf32, #tpu.memory_space<vmem_shared>>) attributes {dimension_semantics = [#tpu.dimension_semantics<core_parallel>, #tpu.dimension_semantics<subcore_parallel>], iteration_bounds = array<i64: 2, 16>, scalar_prefetch = 0 : i64, scratch_operands = 4 : i64, tpu.core_type = #tpu.core_type<sc_vector_subcore>, window_params = [{transform_indices = #map}, {transform_indices = #map1}, {transform_indices = #map1}]} {
    %mul3A = arith.constant 16 : i32
    %mul3A_0 = arith.muli %arg0, %mul3A : i32
    %add3A = arith.addi %mul3A_0, %arg1 : i32
    %iota3A = tpu.iota {dimensions = array<i32: 0>} : vector<16xi32>
    %mul3A_1 = arith.constant 640 : i32
    %mul3A_2 = arith.muli %arg1, %mul3A_1 : i32
    "tpu.region"() ({
      %run_scoped3A = tpu.sem_alloc : memref<!tpu.dma_semaphore, #tpu.memory_space<semaphore_mem>>
      %dma_start3A = arith.constant 0 : i32
      %dma_start3A_32 = tpu.memref_slice %arg7[%mul3A_2, %dma_start3A] : memref<10240x16xf32, #tpu.memory_space<vmem_shared>> -> memref<640x16xf32, #tpu.memory_space<vmem_shared>>
      tpu.enqueue_dma source(%arg3 : memref<640x16xf32, #tpu.memory_space<hbm>>) target(%dma_start3A_32 : memref<640x16xf32, #tpu.memory_space<vmem_shared>>) target_semaphore(%run_scoped3A : memref<!tpu.dma_semaphore, #tpu.memory_space<semaphore_mem>>)
      %dma_wait3A = arith.constant 0 : i32
      %dma_wait3A_33 = tpu.memref_slice %arg7[%mul3A_2, %dma_wait3A] : memref<10240x16xf32, #tpu.memory_space<vmem_shared>> -> memref<640x16xf32, #tpu.memory_space<vmem_shared>>
      tpu.wait_dma2 semaphore(%run_scoped3A : memref<!tpu.dma_semaphore, #tpu.memory_space<semaphore_mem>>) src(%arg3 : memref<640x16xf32, #tpu.memory_space<hbm>>) dst(%dma_wait3A_33 : memref<640x16xf32, #tpu.memory_space<vmem_shared>>)
      tpu.yield
    }) : () -> ()
    %mul3A_3 = arith.constant 640 : i32
    %mul3A_4 = arith.muli %arg1, %mul3A_3 : i32
    "tpu.region"() ({
      %run_scoped3A = tpu.sem_alloc : memref<!tpu.dma_semaphore, #tpu.memory_space<semaphore_mem>>
      %dma_start3A = arith.constant 0 : i32
      %dma_start3A_32 = tpu.memref_slice %arg8[%mul3A_4, %dma_start3A] : memref<10240x16xf32, #tpu.memory_space<vmem_shared>> -> memref<640x16xf32, #tpu.memory_space<vmem_shared>>
      tpu.enqueue_dma source(%arg3 : memref<640x16xf32, #tpu.memory_space<hbm>>) target(%dma_start3A_32 : memref<640x16xf32, #tpu.memory_space<vmem_shared>>) target_semaphore(%run_scoped3A : memref<!tpu.dma_semaphore, #tpu.memory_space<semaphore_mem>>)
      %dma_wait3A = arith.constant 0 : i32
      %dma_wait3A_33 = tpu.memref_slice %arg8[%mul3A_4, %dma_wait3A] : memref<10240x16xf32, #tpu.memory_space<vmem_shared>> -> memref<640x16xf32, #tpu.memory_space<vmem_shared>>
      tpu.wait_dma2 semaphore(%run_scoped3A : memref<!tpu.dma_semaphore, #tpu.memory_space<semaphore_mem>>) src(%arg3 : memref<640x16xf32, #tpu.memory_space<hbm>>) dst(%dma_wait3A_33 : memref<640x16xf32, #tpu.memory_space<vmem_shared>>)
      tpu.yield
    }) : () -> ()
    %barrier3A = arith.constant 0 : index
    tpu.barrier barrier_id(%barrier3A)
    %mul3A_5 = arith.constant 125 : i32
    %mul3A_6 = arith.muli %add3A, %mul3A_5 : i32
    %scan3A = arith.constant 0 : i32
    %scan3A_7 = arith.constant 125 : i32
    %scan3A_8 = arith.addi %scan3A, %scan3A_7 : i32
    %scan3A_9 = arith.constant 1 : i32
    scf.for %scan3A_32 = %scan3A to %scan3A_8 step %scan3A_9  : i32 {
      %mul3A_33 = arith.constant 1 : i32
      %mul3A_34 = arith.muli %scan3A_32, %mul3A_33 : i32
      %add3A_35 = arith.constant 0 : i32
      %add3A_36 = arith.addi %add3A_35, %mul3A_34 : i32
      %add3A_37 = arith.addi %mul3A_6, %add3A_36 : i32
      "tpu.region"() ({
        %run_scoped3A_1022 = tpu.sem_alloc : memref<!tpu.dma_semaphore, #tpu.memory_space<semaphore_mem>>
        %dma_start3A = arith.constant 0 : i32
        %dma_start3A_1023 = arith.constant 0 : i32
        %dma_start3A_1024 = tpu.memref_slice %arg2[%add3A_37, %dma_start3A, %dma_start3A_1023] : memref<4000x3x80xi32, #tpu.memory_space<hbm>> -> memref<1x3x80xi32, #tpu.memory_space<hbm>>
        %dma_start3A_1025 = tpu.memref_squeeze %dma_start3A_1024 : memref<1x3x80xi32, #tpu.memory_space<hbm>> -> memref<3x80xi32, #tpu.memory_space<hbm>>
        %dma_start3A_1026 = arith.constant 0 : i32
        %dma_start3A_1027 = arith.constant 0 : i32
        %dma_start3A_1028 = tpu.memref_slice %arg2[%add3A_37, %dma_start3A_1026, %dma_start3A_1027] : memref<4000x3x80xi32, #tpu.memory_space<hbm>> -> memref<1x3x80xi32, #tpu.memory_space<hbm>>
        %dma_start3A_1029 = tpu.memref_squeeze %dma_start3A_1028 : memref<1x3x80xi32, #tpu.memory_space<hbm>> -> memref<3x80xi32, #tpu.memory_space<hbm>>
        tpu.enqueue_dma source(%dma_start3A_1029 : memref<3x80xi32, #tpu.memory_space<hbm>>) target(%arg5 : memref<3x80xi32, #tpu.memory_space<vmem>>) target_semaphore(%run_scoped3A_1022 : memref<!tpu.dma_semaphore, #tpu.memory_space<semaphore_mem>>)
        %dma_wait3A = arith.constant 0 : i32
        %dma_wait3A_1030 = arith.constant 0 : i32
        %dma_wait3A_1031 = tpu.memref_slice %arg2[%add3A_37, %dma_wait3A, %dma_wait3A_1030] : memref<4000x3x80xi32, #tpu.memory_space<hbm>> -> memref<1x3x80xi32, #tpu.memory_space<hbm>>
        %dma_wait3A_1032 = tpu.memref_squeeze %dma_wait3A_1031 : memref<1x3x80xi32, #tpu.memory_space<hbm>> -> memref<3x80xi32, #tpu.memory_space<hbm>>
        %dma_wait3A_1033 = arith.constant 0 : i32
        %dma_wait3A_1034 = arith.constant 0 : i32
        %dma_wait3A_1035 = tpu.memref_slice %arg2[%add3A_37, %dma_wait3A_1033, %dma_wait3A_1034] : memref<4000x3x80xi32, #tpu.memory_space<hbm>> -> memref<1x3x80xi32, #tpu.memory_space<hbm>>
        %dma_wait3A_1036 = tpu.memref_squeeze %dma_wait3A_1035 : memref<1x3x80xi32, #tpu.memory_space<hbm>> -> memref<3x80xi32, #tpu.memory_space<hbm>>
        tpu.wait_dma2 semaphore(%run_scoped3A_1022 : memref<!tpu.dma_semaphore, #tpu.memory_space<semaphore_mem>>) src(%dma_wait3A_1036 : memref<3x80xi32, #tpu.memory_space<hbm>>) dst(%arg5 : memref<3x80xi32, #tpu.memory_space<vmem>>)
        tpu.yield
      }) : () -> ()
      %get3A = arith.constant 2 : i32
      %get3A_38 = arith.index_cast %get3A : i32 to index
      %get3A_39 = arith.constant 0 : index
      %get3A_40 = tpu.vector_load %arg5[%get3A_38, %get3A_39] {strides = array<i32>} : memref<3x80xi32, #tpu.memory_space<vmem>>, vector<1x16xi32>,
      %get3A_41 = vector.shape_cast %get3A_40 : vector<1x16xi32> to vector<16xi32>
      %bitcast_convert_type3A = tpu.bitcast %get3A_41 : vector<16xi32> -> vector<16xf32>
      %eq3A = arith.constant 0 : i32
      %eq3A_42 = vector.broadcast %eq3A : i32 to vector<16xi32>
      %eq3A_43 = arith.cmpi eq, %iota3A, %eq3A_42 : vector<16xi32>
      %jit3A = arith.constant 0.000000e+00 : f32
      %broadcast_in_dim3A = vector.broadcast %jit3A : f32 to vector<16xf32>
      %select_n3A = arith.select %eq3A_43, %bitcast_convert_type3A, %broadcast_in_dim3A : vector<16xi1>, vector<16xf32>
      %swap3A = arith.constant 0 : i32
      %swap3A_44 = arith.index_cast %swap3A : i32 to index
      %swap3A_45 = arith.constant 0 : index
      %swap3A_46 = tpu.vector_load %arg6[%swap3A_44, %swap3A_45] {strides = array<i32>} : memref<80x16xf32, #tpu.memory_space<vmem>>, vector<1x16xf32>,
      %swap3A_47 = vector.shape_cast %swap3A_46 : vector<1x16xf32> to vector<16xf32>
      %swap3A_48 = vector.shape_cast %select_n3A : vector<16xf32> to vector<1x16xf32>
      tpu.vector_store %arg6[%swap3A_44, %swap3A_45], %swap3A_48 {strides = array<i32>} : memref<80x16xf32, #tpu.memory_space<vmem>>, vector<1x16xf32>,
      %eq3A_49 = arith.constant 1 : i32
      %eq3A_50 = vector.broadcast %eq3A_49 : i32 to vector<16xi32>
      %eq3A_51 = arith.cmpi eq, %iota3A, %eq3A_50 : vector<16xi32>
      %jit3A_52 = arith.constant 0.000000e+00 : f32
      %broadcast_in_dim3A_53 = vector.broadcast %jit3A_52 : f32 to vector<16xf32>
      %select_n3A_54 = arith.select %eq3A_51, %bitcast_convert_type3A, %broadcast_in_dim3A_53 : vector<16xi1>, vector<16xf32>
      %swap3A_55 = arith.constant 1 : i32
      %swap3A_56 = arith.index_cast %swap3A_55 : i32 to index
      %swap3A_57 = arith.constant 0 : index
      %swap3A_58 = tpu.vector_load %arg6[%swap3A_56, %swap3A_57] {strides = array<i32>} : memref<80x16xf32, #tpu.memory_space<vmem>>, vector<1x16xf32>,
      %swap3A_59 = vector.shape_cast %swap3A_58 : vector<1x16xf32> to vector<16xf32>
      %swap3A_60 = vector.shape_cast %select_n3A_54 : vector<16xf32> to vector<1x16xf32>
      tpu.vector_store %arg6[%swap3A_56, %swap3A_57], %swap3A_60 {strides = array<i32>} : memref<80x16xf32, #tpu.memory_space<vmem>>, vector<1x16xf32>,
      %eq3A_61 = arith.constant 2 : i32
      %eq3A_62 = vector.broadcast %eq3A_61 : i32 to vector<16xi32>
      %eq3A_63 = arith.cmpi eq, %iota3A, %eq3A_62 : vector<16xi32>
      %jit3A_64 = arith.constant 0.000000e+00 : f32
      %broadcast_in_dim3A_65 = vector.broadcast %jit3A_64 : f32 to vector<16xf32>
      %select_n3A_66 = arith.select %eq3A_63, %bitcast_convert_type3A, %broadcast_in_dim3A_65 : vector<16xi1>, vector<16xf32>
      %swap3A_67 = arith.constant 2 : i32
      %swap3A_68 = arith.index_cast %swap3A_67 : i32 to index
      %swap3A_69 = arith.constant 0 : index
      %swap3A_70 = tpu.vector_load %arg6[%swap3A_68, %swap3A_69] {strides = array<i32>} : memref<80x16xf32, #tpu.memory_space<vmem>>, vector<1x16xf32>,
      %swap3A_71 = vector.shape_cast %swap3A_70 : vector<1x16xf32> to vector<16xf32>
      %swap3A_72 = vector.shape_cast %select_n3A_66 : vector<16xf32> to vector<1x16xf32>
      tpu.vector_store %arg6[%swap3A_68, %swap3A_69], %swap3A_72 {strides = array<i32>} : memref<80x16xf32, #tpu.memory_space<vmem>>, vector<1x16xf32>,
      %eq3A_73 = arith.constant 3 : i32
      %eq3A_74 = vector.broadcast %eq3A_73 : i32 to vector<16xi32>
      %eq3A_75 = arith.cmpi eq, %iota3A, %eq3A_74 : vector<16xi32>
      %jit3A_76 = arith.constant 0.000000e+00 : f32
      %broadcast_in_dim3A_77 = vector.broadcast %jit3A_76 : f32 to vector<16xf32>
      %select_n3A_78 = arith.select %eq3A_75, %bitcast_convert_type3A, %broadcast_in_dim3A_77 : vector<16xi1>, vector<16xf32>
      %swap3A_79 = arith.constant 3 : i32
      %swap3A_80 = arith.index_cast %swap3A_79 : i32 to index
      %swap3A_81 = arith.constant 0 : index
      %swap3A_82 = tpu.vector_load %arg6[%swap3A_80, %swap3A_81] {strides = array<i32>} : memref<80x16xf32, #tpu.memory_space<vmem>>, vector<1x16xf32>,
      %swap3A_83 = vector.shape_cast %swap3A_82 : vector<1x16xf32> to vector<16xf32>
      %swap3A_84 = vector.shape_cast %select_n3A_78 : vector<16xf32> to vector<1x16xf32>
      tpu.vector_store %arg6[%swap3A_80, %swap3A_81], %swap3A_84 {strides = array<i32>} : memref<80x16xf32, #tpu.memory_space<vmem>>, vector<1x16xf32>,
      %eq3A_85 = arith.constant 4 : i32
      %eq3A_86 = vector.broadcast %eq3A_85 : i32 to vector<16xi32>
      %eq3A_87 = arith.cmpi eq, %iota3A, %eq3A_86 : vector<16xi32>
      %jit3A_88 = arith.constant 0.000000e+00 : f32
      %broadcast_in_dim3A_89 = vector.broadcast %jit3A_88 : f32 to vector<16xf32>
      %select_n3A_90 = arith.select %eq3A_87, %bitcast_convert_type3A, %broadcast_in_dim3A_89 : vector<16xi1>, vector<16xf32>
      %swap3A_91 = arith.constant 4 : i32
      %swap3A_92 = arith.index_cast %swap3A_91 : i32 to index
      %swap3A_93 = arith.constant 0 : index
      %swap3A_94 = tpu.vector_load %arg6[%swap3A_92, %swap3A_93] {strides = array<i32>} : memref<80x16xf32, #tpu.memory_space<vmem>>, vector<1x16xf32>,
      %swap3A_95 = vector.shape_cast %swap3A_94 : vector<1x16xf32> to vector<16xf32>
      %swap3A_96 = vector.shape_cast %select_n3A_90 : vector<16xf32> to vector<1x16xf32>
      tpu.vector_store %arg6[%swap3A_92, %swap3A_93], %swap3A_96 {strides = array<i32>} : memref<80x16xf32, #tpu.memory_space<vmem>>, vector<1x16xf32>,
      %eq3A_97 = arith.constant 5 : i32
      %eq3A_98 = vector.broadcast %eq3A_97 : i32 to vector<16xi32>
      %eq3A_99 = arith.cmpi eq, %iota3A, %eq3A_98 : vector<16xi32>
      %jit3A_100 = arith.constant 0.000000e+00 : f32
      %broadcast_in_dim3A_101 = vector.broadcast %jit3A_100 : f32 to vector<16xf32>
      %select_n3A_102 = arith.select %eq3A_99, %bitcast_convert_type3A, %broadcast_in_dim3A_101 : vector<16xi1>, vector<16xf32>
      %swap3A_103 = arith.constant 5 : i32
      %swap3A_104 = arith.index_cast %swap3A_103 : i32 to index
      %swap3A_105 = arith.constant 0 : index
      %swap3A_106 = tpu.vector_load %arg6[%swap3A_104, %swap3A_105] {strides = array<i32>} : memref<80x16xf32, #tpu.memory_space<vmem>>, vector<1x16xf32>,
      %swap3A_107 = vector.shape_cast %swap3A_106 : vector<1x16xf32> to vector<16xf32>
      %swap3A_108 = vector.shape_cast %select_n3A_102 : vector<16xf32> to vector<1x16xf32>
      tpu.vector_store %arg6[%swap3A_104, %swap3A_105], %swap3A_108 {strides = array<i32>} : memref<80x16xf32, #tpu.memory_space<vmem>>, vector<1x16xf32>,
      %eq3A_109 = arith.constant 6 : i32
      %eq3A_110 = vector.broadcast %eq3A_109 : i32 to vector<16xi32>
      %eq3A_111 = arith.cmpi eq, %iota3A, %eq3A_110 : vector<16xi32>
      %jit3A_112 = arith.constant 0.000000e+00 : f32
      %broadcast_in_dim3A_113 = vector.broadcast %jit3A_112 : f32 to vector<16xf32>
      %select_n3A_114 = arith.select %eq3A_111, %bitcast_convert_type3A, %broadcast_in_dim3A_113 : vector<16xi1>, vector<16xf32>
      %swap3A_115 = arith.constant 6 : i32
      %swap3A_116 = arith.index_cast %swap3A_115 : i32 to index
      %swap3A_117 = arith.constant 0 : index
      %swap3A_118 = tpu.vector_load %arg6[%swap3A_116, %swap3A_117] {strides = array<i32>} : memref<80x16xf32, #tpu.memory_space<vmem>>, vector<1x16xf32>,
      %swap3A_119 = vector.shape_cast %swap3A_118 : vector<1x16xf32> to vector<16xf32>
      %swap3A_120 = vector.shape_cast %select_n3A_114 : vector<16xf32> to vector<1x16xf32>
      tpu.vector_store %arg6[%swap3A_116, %swap3A_117], %swap3A_120 {strides = array<i32>} : memref<80x16xf32, #tpu.memory_space<vmem>>, vector<1x16xf32>,
      %eq3A_121 = arith.constant 7 : i32
      %eq3A_122 = vector.broadcast %eq3A_121 : i32 to vector<16xi32>
      %eq3A_123 = arith.cmpi eq, %iota3A, %eq3A_122 : vector<16xi32>
      %jit3A_124 = arith.constant 0.000000e+00 : f32
      %broadcast_in_dim3A_125 = vector.broadcast %jit3A_124 : f32 to vector<16xf32>
      %select_n3A_126 = arith.select %eq3A_123, %bitcast_convert_type3A, %broadcast_in_dim3A_125 : vector<16xi1>, vector<16xf32>
      %swap3A_127 = arith.constant 7 : i32
      %swap3A_128 = arith.index_cast %swap3A_127 : i32 to index
      %swap3A_129 = arith.constant 0 : index
      %swap3A_130 = tpu.vector_load %arg6[%swap3A_128, %swap3A_129] {strides = array<i32>} : memref<80x16xf32, #tpu.memory_space<vmem>>, vector<1x16xf32>,
      %swap3A_131 = vector.shape_cast %swap3A_130 : vector<1x16xf32> to vector<16xf32>
      %swap3A_132 = vector.shape_cast %select_n3A_126 : vector<16xf32> to vector<1x16xf32>
      tpu.vector_store %arg6[%swap3A_128, %swap3A_129], %swap3A_132 {strides = array<i32>} : memref<80x16xf32, #tpu.memory_space<vmem>>, vector<1x16xf32>,
      %eq3A_133 = arith.constant 8 : i32
      %eq3A_134 = vector.broadcast %eq3A_133 : i32 to vector<16xi32>
      %eq3A_135 = arith.cmpi eq, %iota3A, %eq3A_134 : vector<16xi32>
      %jit3A_136 = arith.constant 0.000000e+00 : f32
      %broadcast_in_dim3A_137 = vector.broadcast %jit3A_136 : f32 to vector<16xf32>
      %select_n3A_138 = arith.select %eq3A_135, %bitcast_convert_type3A, %broadcast_in_dim3A_137 : vector<16xi1>, vector<16xf32>
      %swap3A_139 = arith.constant 8 : i32
      %swap3A_140 = arith.index_cast %swap3A_139 : i32 to index
      %swap3A_141 = arith.constant 0 : index
      %swap3A_142 = tpu.vector_load %arg6[%swap3A_140, %swap3A_141] {strides = array<i32>} : memref<80x16xf32, #tpu.memory_space<vmem>>, vector<1x16xf32>,
      %swap3A_143 = vector.shape_cast %swap3A_142 : vector<1x16xf32> to vector<16xf32>
      %swap3A_144 = vector.shape_cast %select_n3A_138 : vector<16xf32> to vector<1x16xf32>
      tpu.vector_store %arg6[%swap3A_140, %swap3A_141], %swap3A_144 {strides = array<i32>} : memref<80x16xf32, #tpu.memory_space<vmem>>, vector<1x16xf32>,
      %eq3A_145 = arith.constant 9 : i32
      %eq3A_146 = vector.broadcast %eq3A_145 : i32 to vector<16xi32>
      %eq3A_147 = arith.cmpi eq, %iota3A, %eq3A_146 : vector<16xi32>
      %jit3A_148 = arith.constant 0.000000e+00 : f32
      %broadcast_in_dim3A_149 = vector.broadcast %jit3A_148 : f32 to vector<16xf32>
      %select_n3A_150 = arith.select %eq3A_147, %bitcast_convert_type3A, %broadcast_in_dim3A_149 : vector<16xi1>, vector<16xf32>
      %swap3A_151 = arith.constant 9 : i32
      %swap3A_152 = arith.index_cast %swap3A_151 : i32 to index
      %swap3A_153 = arith.constant 0 : index
      %swap3A_154 = tpu.vector_load %arg6[%swap3A_152, %swap3A_153] {strides = array<i32>} : memref<80x16xf32, #tpu.memory_space<vmem>>, vector<1x16xf32>,
      %swap3A_155 = vector.shape_cast %swap3A_154 : vector<1x16xf32> to vector<16xf32>
      %swap3A_156 = vector.shape_cast %select_n3A_150 : vector<16xf32> to vector<1x16xf32>
      tpu.vector_store %arg6[%swap3A_152, %swap3A_153], %swap3A_156 {strides = array<i32>} : memref<80x16xf32, #tpu.memory_space<vmem>>, vector<1x16xf32>,
      %eq3A_157 = arith.constant 10 : i32
      %eq3A_158 = vector.broadcast %eq3A_157 : i32 to vector<16xi32>
      %eq3A_159 = arith.cmpi eq, %iota3A, %eq3A_158 : vector<16xi32>
      %jit3A_160 = arith.constant 0.000000e+00 : f32
      %broadcast_in_dim3A_161 = vector.broadcast %jit3A_160 : f32 to vector<16xf32>
      %select_n3A_162 = arith.select %eq3A_159, %bitcast_convert_type3A, %broadcast_in_dim3A_161 : vector<16xi1>, vector<16xf32>
      %swap3A_163 = arith.constant 10 : i32
      %swap3A_164 = arith.index_cast %swap3A_163 : i32 to index
      %swap3A_165 = arith.constant 0 : index
      %swap3A_166 = tpu.vector_load %arg6[%swap3A_164, %swap3A_165] {strides = array<i32>} : memref<80x16xf32, #tpu.memory_space<vmem>>, vector<1x16xf32>,
      %swap3A_167 = vector.shape_cast %swap3A_166 : vector<1x16xf32> to vector<16xf32>
      %swap3A_168 = vector.shape_cast %select_n3A_162 : vector<16xf32> to vector<1x16xf32>
      tpu.vector_store %arg6[%swap3A_164, %swap3A_165], %swap3A_168 {strides = array<i32>} : memref<80x16xf32, #tpu.memory_space<vmem>>, vector<1x16xf32>,
      %eq3A_169 = arith.constant 11 : i32
      %eq3A_170 = vector.broadcast %eq3A_169 : i32 to vector<16xi32>
      %eq3A_171 = arith.cmpi eq, %iota3A, %eq3A_170 : vector<16xi32>
      %jit3A_172 = arith.constant 0.000000e+00 : f32
      %broadcast_in_dim3A_173 = vector.broadcast %jit3A_172 : f32 to vector<16xf32>
      %select_n3A_174 = arith.select %eq3A_171, %bitcast_convert_type3A, %broadcast_in_dim3A_173 : vector<16xi1>, vector<16xf32>
      %swap3A_175 = arith.constant 11 : i32
      %swap3A_176 = arith.index_cast %swap3A_175 : i32 to index
      %swap3A_177 = arith.constant 0 : index
      %swap3A_178 = tpu.vector_load %arg6[%swap3A_176, %swap3A_177] {strides = array<i32>} : memref<80x16xf32, #tpu.memory_space<vmem>>, vector<1x16xf32>,
      %swap3A_179 = vector.shape_cast %swap3A_178 : vector<1x16xf32> to vector<16xf32>
      %swap3A_180 = vector.shape_cast %select_n3A_174 : vector<16xf32> to vector<1x16xf32>
      tpu.vector_store %arg6[%swap3A_176, %swap3A_177], %swap3A_180 {strides = array<i32>} : memref<80x16xf32, #tpu.memory_space<vmem>>, vector<1x16xf32>,
      %eq3A_181 = arith.constant 12 : i32
      %eq3A_182 = vector.broadcast %eq3A_181 : i32 to vector<16xi32>
      %eq3A_183 = arith.cmpi eq, %iota3A, %eq3A_182 : vector<16xi32>
      %jit3A_184 = arith.constant 0.000000e+00 : f32
      %broadcast_in_dim3A_185 = vector.broadcast %jit3A_184 : f32 to vector<16xf32>
      %select_n3A_186 = arith.select %eq3A_183, %bitcast_convert_type3A, %broadcast_in_dim3A_185 : vector<16xi1>, vector<16xf32>
      %swap3A_187 = arith.constant 12 : i32
      %swap3A_188 = arith.index_cast %swap3A_187 : i32 to index
      %swap3A_189 = arith.constant 0 : index
      %swap3A_190 = tpu.vector_load %arg6[%swap3A_188, %swap3A_189] {strides = array<i32>} : memref<80x16xf32, #tpu.memory_space<vmem>>, vector<1x16xf32>,
      %swap3A_191 = vector.shape_cast %swap3A_190 : vector<1x16xf32> to vector<16xf32>
      %swap3A_192 = vector.shape_cast %select_n3A_186 : vector<16xf32> to vector<1x16xf32>
      tpu.vector_store %arg6[%swap3A_188, %swap3A_189], %swap3A_192 {strides = array<i32>} : memref<80x16xf32, #tpu.memory_space<vmem>>, vector<1x16xf32>,
      %eq3A_193 = arith.constant 13 : i32
      %eq3A_194 = vector.broadcast %eq3A_193 : i32 to vector<16xi32>
      %eq3A_195 = arith.cmpi eq, %iota3A, %eq3A_194 : vector<16xi32>
      %jit3A_196 = arith.constant 0.000000e+00 : f32
      %broadcast_in_dim3A_197 = vector.broadcast %jit3A_196 : f32 to vector<16xf32>
      %select_n3A_198 = arith.select %eq3A_195, %bitcast_convert_type3A, %broadcast_in_dim3A_197 : vector<16xi1>, vector<16xf32>
      %swap3A_199 = arith.constant 13 : i32
      %swap3A_200 = arith.index_cast %swap3A_199 : i32 to index
      %swap3A_201 = arith.constant 0 : index
      %swap3A_202 = tpu.vector_load %arg6[%swap3A_200, %swap3A_201] {strides = array<i32>} : memref<80x16xf32, #tpu.memory_space<vmem>>, vector<1x16xf32>,
      %swap3A_203 = vector.shape_cast %swap3A_202 : vector<1x16xf32> to vector<16xf32>
      %swap3A_204 = vector.shape_cast %select_n3A_198 : vector<16xf32> to vector<1x16xf32>
      tpu.vector_store %arg6[%swap3A_200, %swap3A_201], %swap3A_204 {strides = array<i32>} : memref<80x16xf32, #tpu.memory_space<vmem>>, vector<1x16xf32>,
      %eq3A_205 = arith.constant 14 : i32
      %eq3A_206 = vector.broadcast %eq3A_205 : i32 to vector<16xi32>
      %eq3A_207 = arith.cmpi eq, %iota3A, %eq3A_206 : vector<16xi32>
      %jit3A_208 = arith.constant 0.000000e+00 : f32
      %broadcast_in_dim3A_209 = vector.broadcast %jit3A_208 : f32 to vector<16xf32>
      %select_n3A_210 = arith.select %eq3A_207, %bitcast_convert_type3A, %broadcast_in_dim3A_209 : vector<16xi1>, vector<16xf32>
      %swap3A_211 = arith.constant 14 : i32
      %swap3A_212 = arith.index_cast %swap3A_211 : i32 to index
      %swap3A_213 = arith.constant 0 : index
      %swap3A_214 = tpu.vector_load %arg6[%swap3A_212, %swap3A_213] {strides = array<i32>} : memref<80x16xf32, #tpu.memory_space<vmem>>, vector<1x16xf32>,
      %swap3A_215 = vector.shape_cast %swap3A_214 : vector<1x16xf32> to vector<16xf32>
      %swap3A_216 = vector.shape_cast %select_n3A_210 : vector<16xf32> to vector<1x16xf32>
      tpu.vector_store %arg6[%swap3A_212, %swap3A_213], %swap3A_216 {strides = array<i32>} : memref<80x16xf32, #tpu.memory_space<vmem>>, vector<1x16xf32>,
      %eq3A_217 = arith.constant 15 : i32
      %eq3A_218 = vector.broadcast %eq3A_217 : i32 to vector<16xi32>
      %eq3A_219 = arith.cmpi eq, %iota3A, %eq3A_218 : vector<16xi32>
      %jit3A_220 = arith.constant 0.000000e+00 : f32
      %broadcast_in_dim3A_221 = vector.broadcast %jit3A_220 : f32 to vector<16xf32>
      %select_n3A_222 = arith.select %eq3A_219, %bitcast_convert_type3A, %broadcast_in_dim3A_221 : vector<16xi1>, vector<16xf32>
      %swap3A_223 = arith.constant 15 : i32
      %swap3A_224 = arith.index_cast %swap3A_223 : i32 to index
      %swap3A_225 = arith.constant 0 : index
      %swap3A_226 = tpu.vector_load %arg6[%swap3A_224, %swap3A_225] {strides = array<i32>} : memref<80x16xf32, #tpu.memory_space<vmem>>, vector<1x16xf32>,
      %swap3A_227 = vector.shape_cast %swap3A_226 : vector<1x16xf32> to vector<16xf32>
      %swap3A_228 = vector.shape_cast %select_n3A_222 : vector<16xf32> to vector<1x16xf32>
      tpu.vector_store %arg6[%swap3A_224, %swap3A_225], %swap3A_228 {strides = array<i32>} : memref<80x16xf32, #tpu.memory_space<vmem>>, vector<1x16xf32>,
      %get3A_229 = arith.constant 2 : i32
      %get3A_230 = arith.index_cast %get3A_229 : i32 to index
      %get3A_231 = arith.constant 16 : index
      %get3A_232 = tpu.vector_load %arg5[%get3A_230, %get3A_231] {strides = array<i32>} : memref<3x80xi32, #tpu.memory_space<vmem>>, vector<1x16xi32>,
      %get3A_233 = vector.shape_cast %get3A_232 : vector<1x16xi32> to vector<16xi32>
      %bitcast_convert_type3A_234 = tpu.bitcast %get3A_233 : vector<16xi32> -> vector<16xf32>
      %eq3A_235 = arith.constant 0 : i32
      %eq3A_236 = vector.broadcast %eq3A_235 : i32 to vector<16xi32>
      %eq3A_237 = arith.cmpi eq, %iota3A, %eq3A_236 : vector<16xi32>
      %jit3A_238 = arith.constant 0.000000e+00 : f32
      %broadcast_in_dim3A_239 = vector.broadcast %jit3A_238 : f32 to vector<16xf32>
      %select_n3A_240 = arith.select %eq3A_237, %bitcast_convert_type3A_234, %broadcast_in_dim3A_239 : vector<16xi1>, vector<16xf32>
      %swap3A_241 = arith.constant 16 : i32
      %swap3A_242 = arith.index_cast %swap3A_241 : i32 to index
      %swap3A_243 = arith.constant 0 : index
      %swap3A_244 = tpu.vector_load %arg6[%swap3A_242, %swap3A_243] {strides = array<i32>} : memref<80x16xf32, #tpu.memory_space<vmem>>, vector<1x16xf32>,
      %swap3A_245 = vector.shape_cast %swap3A_244 : vector<1x16xf32> to vector<16xf32>
      %swap3A_246 = vector.shape_cast %select_n3A_240 : vector<16xf32> to vector<1x16xf32>
      tpu.vector_store %arg6[%swap3A_242, %swap3A_243], %swap3A_246 {strides = array<i32>} : memref<80x16xf32, #tpu.memory_space<vmem>>, vector<1x16xf32>,
      %eq3A_247 = arith.constant 1 : i32
      %eq3A_248 = vector.broadcast %eq3A_247 : i32 to vector<16xi32>
      %eq3A_249 = arith.cmpi eq, %iota3A, %eq3A_248 : vector<16xi32>
      %jit3A_250 = arith.constant 0.000000e+00 : f32
      %broadcast_in_dim3A_251 = vector.broadcast %jit3A_250 : f32 to vector<16xf32>
      %select_n3A_252 = arith.select %eq3A_249, %bitcast_convert_type3A_234, %broadcast_in_dim3A_251 : vector<16xi1>, vector<16xf32>
      %swap3A_253 = arith.constant 17 : i32
      %swap3A_254 = arith.index_cast %swap3A_253 : i32 to index
      %swap3A_255 = arith.constant 0 : index
      %swap3A_256 = tpu.vector_load %arg6[%swap3A_254, %swap3A_255] {strides = array<i32>} : memref<80x16xf32, #tpu.memory_space<vmem>>, vector<1x16xf32>,
      %swap3A_257 = vector.shape_cast %swap3A_256 : vector<1x16xf32> to vector<16xf32>
      %swap3A_258 = vector.shape_cast %select_n3A_252 : vector<16xf32> to vector<1x16xf32>
      tpu.vector_store %arg6[%swap3A_254, %swap3A_255], %swap3A_258 {strides = array<i32>} : memref<80x16xf32, #tpu.memory_space<vmem>>, vector<1x16xf32>,
      %eq3A_259 = arith.constant 2 : i32
      %eq3A_260 = vector.broadcast %eq3A_259 : i32 to vector<16xi32>
      %eq3A_261 = arith.cmpi eq, %iota3A, %eq3A_260 : vector<16xi32>
      %jit3A_262 = arith.constant 0.000000e+00 : f32
      %broadcast_in_dim3A_263 = vector.broadcast %jit3A_262 : f32 to vector<16xf32>
      %select_n3A_264 = arith.select %eq3A_261, %bitcast_convert_type3A_234, %broadcast_in_dim3A_263 : vector<16xi1>, vector<16xf32>
      %swap3A_265 = arith.constant 18 : i32
      %swap3A_266 = arith.index_cast %swap3A_265 : i32 to index
      %swap3A_267 = arith.constant 0 : index
      %swap3A_268 = tpu.vector_load %arg6[%swap3A_266, %swap3A_267] {strides = array<i32>} : memref<80x16xf32, #tpu.memory_space<vmem>>, vector<1x16xf32>,
      %swap3A_269 = vector.shape_cast %swap3A_268 : vector<1x16xf32> to vector<16xf32>
      %swap3A_270 = vector.shape_cast %select_n3A_264 : vector<16xf32> to vector<1x16xf32>
      tpu.vector_store %arg6[%swap3A_266, %swap3A_267], %swap3A_270 {strides = array<i32>} : memref<80x16xf32, #tpu.memory_space<vmem>>, vector<1x16xf32>,
      %eq3A_271 = arith.constant 3 : i32
      %eq3A_272 = vector.broadcast %eq3A_271 : i32 to vector<16xi32>
      %eq3A_273 = arith.cmpi eq, %iota3A, %eq3A_272 : vector<16xi32>
      %jit3A_274 = arith.constant 0.000000e+00 : f32
      %broadcast_in_dim3A_275 = vector.broadcast %jit3A_274 : f32 to vector<16xf32>
      %select_n3A_276 = arith.select %eq3A_273, %bitcast_convert_type3A_234, %broadcast_in_dim3A_275 : vector<16xi1>, vector<16xf32>
      %swap3A_277 = arith.constant 19 : i32
      %swap3A_278 = arith.index_cast %swap3A_277 : i32 to index
      %swap3A_279 = arith.constant 0 : index
      %swap3A_280 = tpu.vector_load %arg6[%swap3A_278, %swap3A_279] {strides = array<i32>} : memref<80x16xf32, #tpu.memory_space<vmem>>, vector<1x16xf32>,
      %swap3A_281 = vector.shape_cast %swap3A_280 : vector<1x16xf32> to vector<16xf32>
      %swap3A_282 = vector.shape_cast %select_n3A_276 : vector<16xf32> to vector<1x16xf32>
      tpu.vector_store %arg6[%swap3A_278, %swap3A_279], %swap3A_282 {strides = array<i32>} : memref<80x16xf32, #tpu.memory_space<vmem>>, vector<1x16xf32>,
      %eq3A_283 = arith.constant 4 : i32
      %eq3A_284 = vector.broadcast %eq3A_283 : i32 to vector<16xi32>
      %eq3A_285 = arith.cmpi eq, %iota3A, %eq3A_284 : vector<16xi32>
      %jit3A_286 = arith.constant 0.000000e+00 : f32
      %broadcast_in_dim3A_287 = vector.broadcast %jit3A_286 : f32 to vector<16xf32>
      %select_n3A_288 = arith.select %eq3A_285, %bitcast_convert_type3A_234, %broadcast_in_dim3A_287 : vector<16xi1>, vector<16xf32>
      %swap3A_289 = arith.constant 20 : i32
      %swap3A_290 = arith.index_cast %swap3A_289 : i32 to index
      %swap3A_291 = arith.constant 0 : index
      %swap3A_292 = tpu.vector_load %arg6[%swap3A_290, %swap3A_291] {strides = array<i32>} : memref<80x16xf32, #tpu.memory_space<vmem>>, vector<1x16xf32>,
      %swap3A_293 = vector.shape_cast %swap3A_292 : vector<1x16xf32> to vector<16xf32>
      %swap3A_294 = vector.shape_cast %select_n3A_288 : vector<16xf32> to vector<1x16xf32>
      tpu.vector_store %arg6[%swap3A_290, %swap3A_291], %swap3A_294 {strides = array<i32>} : memref<80x16xf32, #tpu.memory_space<vmem>>, vector<1x16xf32>,
      %eq3A_295 = arith.constant 5 : i32
      %eq3A_296 = vector.broadcast %eq3A_295 : i32 to vector<16xi32>
      %eq3A_297 = arith.cmpi eq, %iota3A, %eq3A_296 : vector<16xi32>
      %jit3A_298 = arith.constant 0.000000e+00 : f32
      %broadcast_in_dim3A_299 = vector.broadcast %jit3A_298 : f32 to vector<16xf32>
      %select_n3A_300 = arith.select %eq3A_297, %bitcast_convert_type3A_234, %broadcast_in_dim3A_299 : vector<16xi1>, vector<16xf32>
      %swap3A_301 = arith.constant 21 : i32
      %swap3A_302 = arith.index_cast %swap3A_301 : i32 to index
      %swap3A_303 = arith.constant 0 : index
      %swap3A_304 = tpu.vector_load %arg6[%swap3A_302, %swap3A_303] {strides = array<i32>} : memref<80x16xf32, #tpu.memory_space<vmem>>, vector<1x16xf32>,
      %swap3A_305 = vector.shape_cast %swap3A_304 : vector<1x16xf32> to vector<16xf32>
      %swap3A_306 = vector.shape_cast %select_n3A_300 : vector<16xf32> to vector<1x16xf32>
      tpu.vector_store %arg6[%swap3A_302, %swap3A_303], %swap3A_306 {strides = array<i32>} : memref<80x16xf32, #tpu.memory_space<vmem>>, vector<1x16xf32>,
      %eq3A_307 = arith.constant 6 : i32
      %eq3A_308 = vector.broadcast %eq3A_307 : i32 to vector<16xi32>
      %eq3A_309 = arith.cmpi eq, %iota3A, %eq3A_308 : vector<16xi32>
      %jit3A_310 = arith.constant 0.000000e+00 : f32
      %broadcast_in_dim3A_311 = vector.broadcast %jit3A_310 : f32 to vector<16xf32>
      %select_n3A_312 = arith.select %eq3A_309, %bitcast_convert_type3A_234, %broadcast_in_dim3A_311 : vector<16xi1>, vector<16xf32>
      %swap3A_313 = arith.constant 22 : i32
      %swap3A_314 = arith.index_cast %swap3A_313 : i32 to index
      %swap3A_315 = arith.constant 0 : index
      %swap3A_316 = tpu.vector_load %arg6[%swap3A_314, %swap3A_315] {strides = array<i32>} : memref<80x16xf32, #tpu.memory_space<vmem>>, vector<1x16xf32>,
      %swap3A_317 = vector.shape_cast %swap3A_316 : vector<1x16xf32> to vector<16xf32>
      %swap3A_318 = vector.shape_cast %select_n3A_312 : vector<16xf32> to vector<1x16xf32>
      tpu.vector_store %arg6[%swap3A_314, %swap3A_315], %swap3A_318 {strides = array<i32>} : memref<80x16xf32, #tpu.memory_space<vmem>>, vector<1x16xf32>,
      %eq3A_319 = arith.constant 7 : i32
      %eq3A_320 = vector.broadcast %eq3A_319 : i32 to vector<16xi32>
      %eq3A_321 = arith.cmpi eq, %iota3A, %eq3A_320 : vector<16xi32>
      %jit3A_322 = arith.constant 0.000000e+00 : f32
      %broadcast_in_dim3A_323 = vector.broadcast %jit3A_322 : f32 to vector<16xf32>
      %select_n3A_324 = arith.select %eq3A_321, %bitcast_convert_type3A_234, %broadcast_in_dim3A_323 : vector<16xi1>, vector<16xf32>
      %swap3A_325 = arith.constant 23 : i32
      %swap3A_326 = arith.index_cast %swap3A_325 : i32 to index
      %swap3A_327 = arith.constant 0 : index
      %swap3A_328 = tpu.vector_load %arg6[%swap3A_326, %swap3A_327] {strides = array<i32>} : memref<80x16xf32, #tpu.memory_space<vmem>>, vector<1x16xf32>,
      %swap3A_329 = vector.shape_cast %swap3A_328 : vector<1x16xf32> to vector<16xf32>
      %swap3A_330 = vector.shape_cast %select_n3A_324 : vector<16xf32> to vector<1x16xf32>
      tpu.vector_store %arg6[%swap3A_326, %swap3A_327], %swap3A_330 {strides = array<i32>} : memref<80x16xf32, #tpu.memory_space<vmem>>, vector<1x16xf32>,
      %eq3A_331 = arith.constant 8 : i32
      %eq3A_332 = vector.broadcast %eq3A_331 : i32 to vector<16xi32>
      %eq3A_333 = arith.cmpi eq, %iota3A, %eq3A_332 : vector<16xi32>
      %jit3A_334 = arith.constant 0.000000e+00 : f32
      %broadcast_in_dim3A_335 = vector.broadcast %jit3A_334 : f32 to vector<16xf32>
      %select_n3A_336 = arith.select %eq3A_333, %bitcast_convert_type3A_234, %broadcast_in_dim3A_335 : vector<16xi1>, vector<16xf32>
      %swap3A_337 = arith.constant 24 : i32
      %swap3A_338 = arith.index_cast %swap3A_337 : i32 to index
      %swap3A_339 = arith.constant 0 : index
      %swap3A_340 = tpu.vector_load %arg6[%swap3A_338, %swap3A_339] {strides = array<i32>} : memref<80x16xf32, #tpu.memory_space<vmem>>, vector<1x16xf32>,
      %swap3A_341 = vector.shape_cast %swap3A_340 : vector<1x16xf32> to vector<16xf32>
      %swap3A_342 = vector.shape_cast %select_n3A_336 : vector<16xf32> to vector<1x16xf32>
      tpu.vector_store %arg6[%swap3A_338, %swap3A_339], %swap3A_342 {strides = array<i32>} : memref<80x16xf32, #tpu.memory_space<vmem>>, vector<1x16xf32>,
      %eq3A_343 = arith.constant 9 : i32
      %eq3A_344 = vector.broadcast %eq3A_343 : i32 to vector<16xi32>
      %eq3A_345 = arith.cmpi eq, %iota3A, %eq3A_344 : vector<16xi32>
      %jit3A_346 = arith.constant 0.000000e+00 : f32
      %broadcast_in_dim3A_347 = vector.broadcast %jit3A_346 : f32 to vector<16xf32>
      %select_n3A_348 = arith.select %eq3A_345, %bitcast_convert_type3A_234, %broadcast_in_dim3A_347 : vector<16xi1>, vector<16xf32>
      %swap3A_349 = arith.constant 25 : i32
      %swap3A_350 = arith.index_cast %swap3A_349 : i32 to index
      %swap3A_351 = arith.constant 0 : index
      %swap3A_352 = tpu.vector_load %arg6[%swap3A_350, %swap3A_351] {strides = array<i32>} : memref<80x16xf32, #tpu.memory_space<vmem>>, vector<1x16xf32>,
      %swap3A_353 = vector.shape_cast %swap3A_352 : vector<1x16xf32> to vector<16xf32>
      %swap3A_354 = vector.shape_cast %select_n3A_348 : vector<16xf32> to vector<1x16xf32>
      tpu.vector_store %arg6[%swap3A_350, %swap3A_351], %swap3A_354 {strides = array<i32>} : memref<80x16xf32, #tpu.memory_space<vmem>>, vector<1x16xf32>,
      %eq3A_355 = arith.constant 10 : i32
      %eq3A_356 = vector.broadcast %eq3A_355 : i32 to vector<16xi32>
      %eq3A_357 = arith.cmpi eq, %iota3A, %eq3A_356 : vector<16xi32>
      %jit3A_358 = arith.constant 0.000000e+00 : f32
      %broadcast_in_dim3A_359 = vector.broadcast %jit3A_358 : f32 to vector<16xf32>
      %select_n3A_360 = arith.select %eq3A_357, %bitcast_convert_type3A_234, %broadcast_in_dim3A_359 : vector<16xi1>, vector<16xf32>
      %swap3A_361 = arith.constant 26 : i32
      %swap3A_362 = arith.index_cast %swap3A_361 : i32 to index
      %swap3A_363 = arith.constant 0 : index
      %swap3A_364 = tpu.vector_load %arg6[%swap3A_362, %swap3A_363] {strides = array<i32>} : memref<80x16xf32, #tpu.memory_space<vmem>>, vector<1x16xf32>,
      %swap3A_365 = vector.shape_cast %swap3A_364 : vector<1x16xf32> to vector<16xf32>
      %swap3A_366 = vector.shape_cast %select_n3A_360 : vector<16xf32> to vector<1x16xf32>
      tpu.vector_store %arg6[%swap3A_362, %swap3A_363], %swap3A_366 {strides = array<i32>} : memref<80x16xf32, #tpu.memory_space<vmem>>, vector<1x16xf32>,
      %eq3A_367 = arith.constant 11 : i32
      %eq3A_368 = vector.broadcast %eq3A_367 : i32 to vector<16xi32>
      %eq3A_369 = arith.cmpi eq, %iota3A, %eq3A_368 : vector<16xi32>
      %jit3A_370 = arith.constant 0.000000e+00 : f32
      %broadcast_in_dim3A_371 = vector.broadcast %jit3A_370 : f32 to vector<16xf32>
      %select_n3A_372 = arith.select %eq3A_369, %bitcast_convert_type3A_234, %broadcast_in_dim3A_371 : vector<16xi1>, vector<16xf32>
      %swap3A_373 = arith.constant 27 : i32
      %swap3A_374 = arith.index_cast %swap3A_373 : i32 to index
      %swap3A_375 = arith.constant 0 : index
      %swap3A_376 = tpu.vector_load %arg6[%swap3A_374, %swap3A_375] {strides = array<i32>} : memref<80x16xf32, #tpu.memory_space<vmem>>, vector<1x16xf32>,
      %swap3A_377 = vector.shape_cast %swap3A_376 : vector<1x16xf32> to vector<16xf32>
      %swap3A_378 = vector.shape_cast %select_n3A_372 : vector<16xf32> to vector<1x16xf32>
      tpu.vector_store %arg6[%swap3A_374, %swap3A_375], %swap3A_378 {strides = array<i32>} : memref<80x16xf32, #tpu.memory_space<vmem>>, vector<1x16xf32>,
      %eq3A_379 = arith.constant 12 : i32
      %eq3A_380 = vector.broadcast %eq3A_379 : i32 to vector<16xi32>
      %eq3A_381 = arith.cmpi eq, %iota3A, %eq3A_380 : vector<16xi32>
      %jit3A_382 = arith.constant 0.000000e+00 : f32
      %broadcast_in_dim3A_383 = vector.broadcast %jit3A_382 : f32 to vector<16xf32>
      %select_n3A_384 = arith.select %eq3A_381, %bitcast_convert_type3A_234, %broadcast_in_dim3A_383 : vector<16xi1>, vector<16xf32>
      %swap3A_385 = arith.constant 28 : i32
      %swap3A_386 = arith.index_cast %swap3A_385 : i32 to index
      %swap3A_387 = arith.constant 0 : index
      %swap3A_388 = tpu.vector_load %arg6[%swap3A_386, %swap3A_387] {strides = array<i32>} : memref<80x16xf32, #tpu.memory_space<vmem>>, vector<1x16xf32>,
      %swap3A_389 = vector.shape_cast %swap3A_388 : vector<1x16xf32> to vector<16xf32>
      %swap3A_390 = vector.shape_cast %select_n3A_384 : vector<16xf32> to vector<1x16xf32>
      tpu.vector_store %arg6[%swap3A_386, %swap3A_387], %swap3A_390 {strides = array<i32>} : memref<80x16xf32, #tpu.memory_space<vmem>>, vector<1x16xf32>,
      %eq3A_391 = arith.constant 13 : i32
      %eq3A_392 = vector.broadcast %eq3A_391 : i32 to vector<16xi32>
      %eq3A_393 = arith.cmpi eq, %iota3A, %eq3A_392 : vector<16xi32>
      %jit3A_394 = arith.constant 0.000000e+00 : f32
      %broadcast_in_dim3A_395 = vector.broadcast %jit3A_394 : f32 to vector<16xf32>
      %select_n3A_396 = arith.select %eq3A_393, %bitcast_convert_type3A_234, %broadcast_in_dim3A_395 : vector<16xi1>, vector<16xf32>
      %swap3A_397 = arith.constant 29 : i32
      %swap3A_398 = arith.index_cast %swap3A_397 : i32 to index
      %swap3A_399 = arith.constant 0 : index
      %swap3A_400 = tpu.vector_load %arg6[%swap3A_398, %swap3A_399] {strides = array<i32>} : memref<80x16xf32, #tpu.memory_space<vmem>>, vector<1x16xf32>,
      %swap3A_401 = vector.shape_cast %swap3A_400 : vector<1x16xf32> to vector<16xf32>
      %swap3A_402 = vector.shape_cast %select_n3A_396 : vector<16xf32> to vector<1x16xf32>
      tpu.vector_store %arg6[%swap3A_398, %swap3A_399], %swap3A_402 {strides = array<i32>} : memref<80x16xf32, #tpu.memory_space<vmem>>, vector<1x16xf32>,
      %eq3A_403 = arith.constant 14 : i32
      %eq3A_404 = vector.broadcast %eq3A_403 : i32 to vector<16xi32>
      %eq3A_405 = arith.cmpi eq, %iota3A, %eq3A_404 : vector<16xi32>
      %jit3A_406 = arith.constant 0.000000e+00 : f32
      %broadcast_in_dim3A_407 = vector.broadcast %jit3A_406 : f32 to vector<16xf32>
      %select_n3A_408 = arith.select %eq3A_405, %bitcast_convert_type3A_234, %broadcast_in_dim3A_407 : vector<16xi1>, vector<16xf32>
      %swap3A_409 = arith.constant 30 : i32
      %swap3A_410 = arith.index_cast %swap3A_409 : i32 to index
      %swap3A_411 = arith.constant 0 : index
      %swap3A_412 = tpu.vector_load %arg6[%swap3A_410, %swap3A_411] {strides = array<i32>} : memref<80x16xf32, #tpu.memory_space<vmem>>, vector<1x16xf32>,
      %swap3A_413 = vector.shape_cast %swap3A_412 : vector<1x16xf32> to vector<16xf32>
      %swap3A_414 = vector.shape_cast %select_n3A_408 : vector<16xf32> to vector<1x16xf32>
      tpu.vector_store %arg6[%swap3A_410, %swap3A_411], %swap3A_414 {strides = array<i32>} : memref<80x16xf32, #tpu.memory_space<vmem>>, vector<1x16xf32>,
      %eq3A_415 = arith.constant 15 : i32
      %eq3A_416 = vector.broadcast %eq3A_415 : i32 to vector<16xi32>
      %eq3A_417 = arith.cmpi eq, %iota3A, %eq3A_416 : vector<16xi32>
      %jit3A_418 = arith.constant 0.000000e+00 : f32
      %broadcast_in_dim3A_419 = vector.broadcast %jit3A_418 : f32 to vector<16xf32>
      %select_n3A_420 = arith.select %eq3A_417, %bitcast_convert_type3A_234, %broadcast_in_dim3A_419 : vector<16xi1>, vector<16xf32>
      %swap3A_421 = arith.constant 31 : i32
      %swap3A_422 = arith.index_cast %swap3A_421 : i32 to index
      %swap3A_423 = arith.constant 0 : index
      %swap3A_424 = tpu.vector_load %arg6[%swap3A_422, %swap3A_423] {strides = array<i32>} : memref<80x16xf32, #tpu.memory_space<vmem>>, vector<1x16xf32>,
      %swap3A_425 = vector.shape_cast %swap3A_424 : vector<1x16xf32> to vector<16xf32>
      %swap3A_426 = vector.shape_cast %select_n3A_420 : vector<16xf32> to vector<1x16xf32>
      tpu.vector_store %arg6[%swap3A_422, %swap3A_423], %swap3A_426 {strides = array<i32>} : memref<80x16xf32, #tpu.memory_space<vmem>>, vector<1x16xf32>,
      %get3A_427 = arith.constant 2 : i32
      %get3A_428 = arith.index_cast %get3A_427 : i32 to index
      %get3A_429 = arith.constant 32 : index
      %get3A_430 = tpu.vector_load %arg5[%get3A_428, %get3A_429] {strides = array<i32>} : memref<3x80xi32, #tpu.memory_space<vmem>>, vector<1x16xi32>,
      %get3A_431 = vector.shape_cast %get3A_430 : vector<1x16xi32> to vector<16xi32>
      %bitcast_convert_type3A_432 = tpu.bitcast %get3A_431 : vector<16xi32> -> vector<16xf32>
      %eq3A_433 = arith.constant 0 : i32
      %eq3A_434 = vector.broadcast %eq3A_433 : i32 to vector<16xi32>
      %eq3A_435 = arith.cmpi eq, %iota3A, %eq3A_434 : vector<16xi32>
      %jit3A_436 = arith.constant 0.000000e+00 : f32
      %broadcast_in_dim3A_437 = vector.broadcast %jit3A_436 : f32 to vector<16xf32>
      %select_n3A_438 = arith.select %eq3A_435, %bitcast_convert_type3A_432, %broadcast_in_dim3A_437 : vector<16xi1>, vector<16xf32>
      %swap3A_439 = arith.constant 32 : i32
      %swap3A_440 = arith.index_cast %swap3A_439 : i32 to index
      %swap3A_441 = arith.constant 0 : index
      %swap3A_442 = tpu.vector_load %arg6[%swap3A_440, %swap3A_441] {strides = array<i32>} : memref<80x16xf32, #tpu.memory_space<vmem>>, vector<1x16xf32>,
      %swap3A_443 = vector.shape_cast %swap3A_442 : vector<1x16xf32> to vector<16xf32>
      %swap3A_444 = vector.shape_cast %select_n3A_438 : vector<16xf32> to vector<1x16xf32>
      tpu.vector_store %arg6[%swap3A_440, %swap3A_441], %swap3A_444 {strides = array<i32>} : memref<80x16xf32, #tpu.memory_space<vmem>>, vector<1x16xf32>,
      %eq3A_445 = arith.constant 1 : i32
      %eq3A_446 = vector.broadcast %eq3A_445 : i32 to vector<16xi32>
      %eq3A_447 = arith.cmpi eq, %iota3A, %eq3A_446 : vector<16xi32>
      %jit3A_448 = arith.constant 0.000000e+00 : f32
      %broadcast_in_dim3A_449 = vector.broadcast %jit3A_448 : f32 to vector<16xf32>
      %select_n3A_450 = arith.select %eq3A_447, %bitcast_convert_type3A_432, %broadcast_in_dim3A_449 : vector<16xi1>, vector<16xf32>
      %swap3A_451 = arith.constant 33 : i32
      %swap3A_452 = arith.index_cast %swap3A_451 : i32 to index
      %swap3A_453 = arith.constant 0 : index
      %swap3A_454 = tpu.vector_load %arg6[%swap3A_452, %swap3A_453] {strides = array<i32>} : memref<80x16xf32, #tpu.memory_space<vmem>>, vector<1x16xf32>,
      %swap3A_455 = vector.shape_cast %swap3A_454 : vector<1x16xf32> to vector<16xf32>
      %swap3A_456 = vector.shape_cast %select_n3A_450 : vector<16xf32> to vector<1x16xf32>
      tpu.vector_store %arg6[%swap3A_452, %swap3A_453], %swap3A_456 {strides = array<i32>} : memref<80x16xf32, #tpu.memory_space<vmem>>, vector<1x16xf32>,
      %eq3A_457 = arith.constant 2 : i32
      %eq3A_458 = vector.broadcast %eq3A_457 : i32 to vector<16xi32>
      %eq3A_459 = arith.cmpi eq, %iota3A, %eq3A_458 : vector<16xi32>
      %jit3A_460 = arith.constant 0.000000e+00 : f32
      %broadcast_in_dim3A_461 = vector.broadcast %jit3A_460 : f32 to vector<16xf32>
      %select_n3A_462 = arith.select %eq3A_459, %bitcast_convert_type3A_432, %broadcast_in_dim3A_461 : vector<16xi1>, vector<16xf32>
      %swap3A_463 = arith.constant 34 : i32
      %swap3A_464 = arith.index_cast %swap3A_463 : i32 to index
      %swap3A_465 = arith.constant 0 : index
      %swap3A_466 = tpu.vector_load %arg6[%swap3A_464, %swap3A_465] {strides = array<i32>} : memref<80x16xf32, #tpu.memory_space<vmem>>, vector<1x16xf32>,
      %swap3A_467 = vector.shape_cast %swap3A_466 : vector<1x16xf32> to vector<16xf32>
      %swap3A_468 = vector.shape_cast %select_n3A_462 : vector<16xf32> to vector<1x16xf32>
      tpu.vector_store %arg6[%swap3A_464, %swap3A_465], %swap3A_468 {strides = array<i32>} : memref<80x16xf32, #tpu.memory_space<vmem>>, vector<1x16xf32>,
      %eq3A_469 = arith.constant 3 : i32
      %eq3A_470 = vector.broadcast %eq3A_469 : i32 to vector<16xi32>
      %eq3A_471 = arith.cmpi eq, %iota3A, %eq3A_470 : vector<16xi32>
      %jit3A_472 = arith.constant 0.000000e+00 : f32
      %broadcast_in_dim3A_473 = vector.broadcast %jit3A_472 : f32 to vector<16xf32>
      %select_n3A_474 = arith.select %eq3A_471, %bitcast_convert_type3A_432, %broadcast_in_dim3A_473 : vector<16xi1>, vector<16xf32>
      %swap3A_475 = arith.constant 35 : i32
      %swap3A_476 = arith.index_cast %swap3A_475 : i32 to index
      %swap3A_477 = arith.constant 0 : index
      %swap3A_478 = tpu.vector_load %arg6[%swap3A_476, %swap3A_477] {strides = array<i32>} : memref<80x16xf32, #tpu.memory_space<vmem>>, vector<1x16xf32>,
      %swap3A_479 = vector.shape_cast %swap3A_478 : vector<1x16xf32> to vector<16xf32>
      %swap3A_480 = vector.shape_cast %select_n3A_474 : vector<16xf32> to vector<1x16xf32>
      tpu.vector_store %arg6[%swap3A_476, %swap3A_477], %swap3A_480 {strides = array<i32>} : memref<80x16xf32, #tpu.memory_space<vmem>>, vector<1x16xf32>,
      %eq3A_481 = arith.constant 4 : i32
      %eq3A_482 = vector.broadcast %eq3A_481 : i32 to vector<16xi32>
      %eq3A_483 = arith.cmpi eq, %iota3A, %eq3A_482 : vector<16xi32>
      %jit3A_484 = arith.constant 0.000000e+00 : f32
      %broadcast_in_dim3A_485 = vector.broadcast %jit3A_484 : f32 to vector<16xf32>
      %select_n3A_486 = arith.select %eq3A_483, %bitcast_convert_type3A_432, %broadcast_in_dim3A_485 : vector<16xi1>, vector<16xf32>
      %swap3A_487 = arith.constant 36 : i32
      %swap3A_488 = arith.index_cast %swap3A_487 : i32 to index
      %swap3A_489 = arith.constant 0 : index
      %swap3A_490 = tpu.vector_load %arg6[%swap3A_488, %swap3A_489] {strides = array<i32>} : memref<80x16xf32, #tpu.memory_space<vmem>>, vector<1x16xf32>,
      %swap3A_491 = vector.shape_cast %swap3A_490 : vector<1x16xf32> to vector<16xf32>
      %swap3A_492 = vector.shape_cast %select_n3A_486 : vector<16xf32> to vector<1x16xf32>
      tpu.vector_store %arg6[%swap3A_488, %swap3A_489], %swap3A_492 {strides = array<i32>} : memref<80x16xf32, #tpu.memory_space<vmem>>, vector<1x16xf32>,
      %eq3A_493 = arith.constant 5 : i32
      %eq3A_494 = vector.broadcast %eq3A_493 : i32 to vector<16xi32>
      %eq3A_495 = arith.cmpi eq, %iota3A, %eq3A_494 : vector<16xi32>
      %jit3A_496 = arith.constant 0.000000e+00 : f32
      %broadcast_in_dim3A_497 = vector.broadcast %jit3A_496 : f32 to vector<16xf32>
      %select_n3A_498 = arith.select %eq3A_495, %bitcast_convert_type3A_432, %broadcast_in_dim3A_497 : vector<16xi1>, vector<16xf32>
      %swap3A_499 = arith.constant 37 : i32
      %swap3A_500 = arith.index_cast %swap3A_499 : i32 to index
      %swap3A_501 = arith.constant 0 : index
      %swap3A_502 = tpu.vector_load %arg6[%swap3A_500, %swap3A_501] {strides = array<i32>} : memref<80x16xf32, #tpu.memory_space<vmem>>, vector<1x16xf32>,
      %swap3A_503 = vector.shape_cast %swap3A_502 : vector<1x16xf32> to vector<16xf32>
      %swap3A_504 = vector.shape_cast %select_n3A_498 : vector<16xf32> to vector<1x16xf32>
      tpu.vector_store %arg6[%swap3A_500, %swap3A_501], %swap3A_504 {strides = array<i32>} : memref<80x16xf32, #tpu.memory_space<vmem>>, vector<1x16xf32>,
      %eq3A_505 = arith.constant 6 : i32
      %eq3A_506 = vector.broadcast %eq3A_505 : i32 to vector<16xi32>
      %eq3A_507 = arith.cmpi eq, %iota3A, %eq3A_506 : vector<16xi32>
      %jit3A_508 = arith.constant 0.000000e+00 : f32
      %broadcast_in_dim3A_509 = vector.broadcast %jit3A_508 : f32 to vector<16xf32>
      %select_n3A_510 = arith.select %eq3A_507, %bitcast_convert_type3A_432, %broadcast_in_dim3A_509 : vector<16xi1>, vector<16xf32>
      %swap3A_511 = arith.constant 38 : i32
      %swap3A_512 = arith.index_cast %swap3A_511 : i32 to index
      %swap3A_513 = arith.constant 0 : index
      %swap3A_514 = tpu.vector_load %arg6[%swap3A_512, %swap3A_513] {strides = array<i32>} : memref<80x16xf32, #tpu.memory_space<vmem>>, vector<1x16xf32>,
      %swap3A_515 = vector.shape_cast %swap3A_514 : vector<1x16xf32> to vector<16xf32>
      %swap3A_516 = vector.shape_cast %select_n3A_510 : vector<16xf32> to vector<1x16xf32>
      tpu.vector_store %arg6[%swap3A_512, %swap3A_513], %swap3A_516 {strides = array<i32>} : memref<80x16xf32, #tpu.memory_space<vmem>>, vector<1x16xf32>,
      %eq3A_517 = arith.constant 7 : i32
      %eq3A_518 = vector.broadcast %eq3A_517 : i32 to vector<16xi32>
      %eq3A_519 = arith.cmpi eq, %iota3A, %eq3A_518 : vector<16xi32>
      %jit3A_520 = arith.constant 0.000000e+00 : f32
      %broadcast_in_dim3A_521 = vector.broadcast %jit3A_520 : f32 to vector<16xf32>
      %select_n3A_522 = arith.select %eq3A_519, %bitcast_convert_type3A_432, %broadcast_in_dim3A_521 : vector<16xi1>, vector<16xf32>
      %swap3A_523 = arith.constant 39 : i32
      %swap3A_524 = arith.index_cast %swap3A_523 : i32 to index
      %swap3A_525 = arith.constant 0 : index
      %swap3A_526 = tpu.vector_load %arg6[%swap3A_524, %swap3A_525] {strides = array<i32>} : memref<80x16xf32, #tpu.memory_space<vmem>>, vector<1x16xf32>,
      %swap3A_527 = vector.shape_cast %swap3A_526 : vector<1x16xf32> to vector<16xf32>
      %swap3A_528 = vector.shape_cast %select_n3A_522 : vector<16xf32> to vector<1x16xf32>
      tpu.vector_store %arg6[%swap3A_524, %swap3A_525], %swap3A_528 {strides = array<i32>} : memref<80x16xf32, #tpu.memory_space<vmem>>, vector<1x16xf32>,
      %eq3A_529 = arith.constant 8 : i32
      %eq3A_530 = vector.broadcast %eq3A_529 : i32 to vector<16xi32>
      %eq3A_531 = arith.cmpi eq, %iota3A, %eq3A_530 : vector<16xi32>
      %jit3A_532 = arith.constant 0.000000e+00 : f32
      %broadcast_in_dim3A_533 = vector.broadcast %jit3A_532 : f32 to vector<16xf32>
      %select_n3A_534 = arith.select %eq3A_531, %bitcast_convert_type3A_432, %broadcast_in_dim3A_533 : vector<16xi1>, vector<16xf32>
      %swap3A_535 = arith.constant 40 : i32
      %swap3A_536 = arith.index_cast %swap3A_535 : i32 to index
      %swap3A_537 = arith.constant 0 : index
      %swap3A_538 = tpu.vector_load %arg6[%swap3A_536, %swap3A_537] {strides = array<i32>} : memref<80x16xf32, #tpu.memory_space<vmem>>, vector<1x16xf32>,
      %swap3A_539 = vector.shape_cast %swap3A_538 : vector<1x16xf32> to vector<16xf32>
      %swap3A_540 = vector.shape_cast %select_n3A_534 : vector<16xf32> to vector<1x16xf32>
      tpu.vector_store %arg6[%swap3A_536, %swap3A_537], %swap3A_540 {strides = array<i32>} : memref<80x16xf32, #tpu.memory_space<vmem>>, vector<1x16xf32>,
      %eq3A_541 = arith.constant 9 : i32
      %eq3A_542 = vector.broadcast %eq3A_541 : i32 to vector<16xi32>
      %eq3A_543 = arith.cmpi eq, %iota3A, %eq3A_542 : vector<16xi32>
      %jit3A_544 = arith.constant 0.000000e+00 : f32
      %broadcast_in_dim3A_545 = vector.broadcast %jit3A_544 : f32 to vector<16xf32>
      %select_n3A_546 = arith.select %eq3A_543, %bitcast_convert_type3A_432, %broadcast_in_dim3A_545 : vector<16xi1>, vector<16xf32>
      %swap3A_547 = arith.constant 41 : i32
      %swap3A_548 = arith.index_cast %swap3A_547 : i32 to index
      %swap3A_549 = arith.constant 0 : index
      %swap3A_550 = tpu.vector_load %arg6[%swap3A_548, %swap3A_549] {strides = array<i32>} : memref<80x16xf32, #tpu.memory_space<vmem>>, vector<1x16xf32>,
      %swap3A_551 = vector.shape_cast %swap3A_550 : vector<1x16xf32> to vector<16xf32>
      %swap3A_552 = vector.shape_cast %select_n3A_546 : vector<16xf32> to vector<1x16xf32>
      tpu.vector_store %arg6[%swap3A_548, %swap3A_549], %swap3A_552 {strides = array<i32>} : memref<80x16xf32, #tpu.memory_space<vmem>>, vector<1x16xf32>,
      %eq3A_553 = arith.constant 10 : i32
      %eq3A_554 = vector.broadcast %eq3A_553 : i32 to vector<16xi32>
      %eq3A_555 = arith.cmpi eq, %iota3A, %eq3A_554 : vector<16xi32>
      %jit3A_556 = arith.constant 0.000000e+00 : f32
      %broadcast_in_dim3A_557 = vector.broadcast %jit3A_556 : f32 to vector<16xf32>
      %select_n3A_558 = arith.select %eq3A_555, %bitcast_convert_type3A_432, %broadcast_in_dim3A_557 : vector<16xi1>, vector<16xf32>
      %swap3A_559 = arith.constant 42 : i32
      %swap3A_560 = arith.index_cast %swap3A_559 : i32 to index
      %swap3A_561 = arith.constant 0 : index
      %swap3A_562 = tpu.vector_load %arg6[%swap3A_560, %swap3A_561] {strides = array<i32>} : memref<80x16xf32, #tpu.memory_space<vmem>>, vector<1x16xf32>,
      %swap3A_563 = vector.shape_cast %swap3A_562 : vector<1x16xf32> to vector<16xf32>
      %swap3A_564 = vector.shape_cast %select_n3A_558 : vector<16xf32> to vector<1x16xf32>
      tpu.vector_store %arg6[%swap3A_560, %swap3A_561], %swap3A_564 {strides = array<i32>} : memref<80x16xf32, #tpu.memory_space<vmem>>, vector<1x16xf32>,
      %eq3A_565 = arith.constant 11 : i32
      %eq3A_566 = vector.broadcast %eq3A_565 : i32 to vector<16xi32>
      %eq3A_567 = arith.cmpi eq, %iota3A, %eq3A_566 : vector<16xi32>
      %jit3A_568 = arith.constant 0.000000e+00 : f32
      %broadcast_in_dim3A_569 = vector.broadcast %jit3A_568 : f32 to vector<16xf32>
      %select_n3A_570 = arith.select %eq3A_567, %bitcast_convert_type3A_432, %broadcast_in_dim3A_569 : vector<16xi1>, vector<16xf32>
      %swap3A_571 = arith.constant 43 : i32
      %swap3A_572 = arith.index_cast %swap3A_571 : i32 to index
      %swap3A_573 = arith.constant 0 : index
      %swap3A_574 = tpu.vector_load %arg6[%swap3A_572, %swap3A_573] {strides = array<i32>} : memref<80x16xf32, #tpu.memory_space<vmem>>, vector<1x16xf32>,
      %swap3A_575 = vector.shape_cast %swap3A_574 : vector<1x16xf32> to vector<16xf32>
      %swap3A_576 = vector.shape_cast %select_n3A_570 : vector<16xf32> to vector<1x16xf32>
      tpu.vector_store %arg6[%swap3A_572, %swap3A_573], %swap3A_576 {strides = array<i32>} : memref<80x16xf32, #tpu.memory_space<vmem>>, vector<1x16xf32>,
      %eq3A_577 = arith.constant 12 : i32
      %eq3A_578 = vector.broadcast %eq3A_577 : i32 to vector<16xi32>
      %eq3A_579 = arith.cmpi eq, %iota3A, %eq3A_578 : vector<16xi32>
      %jit3A_580 = arith.constant 0.000000e+00 : f32
      %broadcast_in_dim3A_581 = vector.broadcast %jit3A_580 : f32 to vector<16xf32>
      %select_n3A_582 = arith.select %eq3A_579, %bitcast_convert_type3A_432, %broadcast_in_dim3A_581 : vector<16xi1>, vector<16xf32>
      %swap3A_583 = arith.constant 44 : i32
      %swap3A_584 = arith.index_cast %swap3A_583 : i32 to index
      %swap3A_585 = arith.constant 0 : index
      %swap3A_586 = tpu.vector_load %arg6[%swap3A_584, %swap3A_585] {strides = array<i32>} : memref<80x16xf32, #tpu.memory_space<vmem>>, vector<1x16xf32>,
      %swap3A_587 = vector.shape_cast %swap3A_586 : vector<1x16xf32> to vector<16xf32>
      %swap3A_588 = vector.shape_cast %select_n3A_582 : vector<16xf32> to vector<1x16xf32>
      tpu.vector_store %arg6[%swap3A_584, %swap3A_585], %swap3A_588 {strides = array<i32>} : memref<80x16xf32, #tpu.memory_space<vmem>>, vector<1x16xf32>,
      %eq3A_589 = arith.constant 13 : i32
      %eq3A_590 = vector.broadcast %eq3A_589 : i32 to vector<16xi32>
      %eq3A_591 = arith.cmpi eq, %iota3A, %eq3A_590 : vector<16xi32>
      %jit3A_592 = arith.constant 0.000000e+00 : f32
      %broadcast_in_dim3A_593 = vector.broadcast %jit3A_592 : f32 to vector<16xf32>
      %select_n3A_594 = arith.select %eq3A_591, %bitcast_convert_type3A_432, %broadcast_in_dim3A_593 : vector<16xi1>, vector<16xf32>
      %swap3A_595 = arith.constant 45 : i32
      %swap3A_596 = arith.index_cast %swap3A_595 : i32 to index
      %swap3A_597 = arith.constant 0 : index
      %swap3A_598 = tpu.vector_load %arg6[%swap3A_596, %swap3A_597] {strides = array<i32>} : memref<80x16xf32, #tpu.memory_space<vmem>>, vector<1x16xf32>,
      %swap3A_599 = vector.shape_cast %swap3A_598 : vector<1x16xf32> to vector<16xf32>
      %swap3A_600 = vector.shape_cast %select_n3A_594 : vector<16xf32> to vector<1x16xf32>
      tpu.vector_store %arg6[%swap3A_596, %swap3A_597], %swap3A_600 {strides = array<i32>} : memref<80x16xf32, #tpu.memory_space<vmem>>, vector<1x16xf32>,
      %eq3A_601 = arith.constant 14 : i32
      %eq3A_602 = vector.broadcast %eq3A_601 : i32 to vector<16xi32>
      %eq3A_603 = arith.cmpi eq, %iota3A, %eq3A_602 : vector<16xi32>
      %jit3A_604 = arith.constant 0.000000e+00 : f32
      %broadcast_in_dim3A_605 = vector.broadcast %jit3A_604 : f32 to vector<16xf32>
      %select_n3A_606 = arith.select %eq3A_603, %bitcast_convert_type3A_432, %broadcast_in_dim3A_605 : vector<16xi1>, vector<16xf32>
      %swap3A_607 = arith.constant 46 : i32
      %swap3A_608 = arith.index_cast %swap3A_607 : i32 to index
      %swap3A_609 = arith.constant 0 : index
      %swap3A_610 = tpu.vector_load %arg6[%swap3A_608, %swap3A_609] {strides = array<i32>} : memref<80x16xf32, #tpu.memory_space<vmem>>, vector<1x16xf32>,
      %swap3A_611 = vector.shape_cast %swap3A_610 : vector<1x16xf32> to vector<16xf32>
      %swap3A_612 = vector.shape_cast %select_n3A_606 : vector<16xf32> to vector<1x16xf32>
      tpu.vector_store %arg6[%swap3A_608, %swap3A_609], %swap3A_612 {strides = array<i32>} : memref<80x16xf32, #tpu.memory_space<vmem>>, vector<1x16xf32>,
      %eq3A_613 = arith.constant 15 : i32
      %eq3A_614 = vector.broadcast %eq3A_613 : i32 to vector<16xi32>
      %eq3A_615 = arith.cmpi eq, %iota3A, %eq3A_614 : vector<16xi32>
      %jit3A_616 = arith.constant 0.000000e+00 : f32
      %broadcast_in_dim3A_617 = vector.broadcast %jit3A_616 : f32 to vector<16xf32>
      %select_n3A_618 = arith.select %eq3A_615, %bitcast_convert_type3A_432, %broadcast_in_dim3A_617 : vector<16xi1>, vector<16xf32>
      %swap3A_619 = arith.constant 47 : i32
      %swap3A_620 = arith.index_cast %swap3A_619 : i32 to index
      %swap3A_621 = arith.constant 0 : index
      %swap3A_622 = tpu.vector_load %arg6[%swap3A_620, %swap3A_621] {strides = array<i32>} : memref<80x16xf32, #tpu.memory_space<vmem>>, vector<1x16xf32>,
      %swap3A_623 = vector.shape_cast %swap3A_622 : vector<1x16xf32> to vector<16xf32>
      %swap3A_624 = vector.shape_cast %select_n3A_618 : vector<16xf32> to vector<1x16xf32>
      tpu.vector_store %arg6[%swap3A_620, %swap3A_621], %swap3A_624 {strides = array<i32>} : memref<80x16xf32, #tpu.memory_space<vmem>>, vector<1x16xf32>,
      %get3A_625 = arith.constant 2 : i32
      %get3A_626 = arith.index_cast %get3A_625 : i32 to index
      %get3A_627 = arith.constant 48 : index
      %get3A_628 = tpu.vector_load %arg5[%get3A_626, %get3A_627] {strides = array<i32>} : memref<3x80xi32, #tpu.memory_space<vmem>>, vector<1x16xi32>,
      %get3A_629 = vector.shape_cast %get3A_628 : vector<1x16xi32> to vector<16xi32>
      %bitcast_convert_type3A_630 = tpu.bitcast %get3A_629 : vector<16xi32> -> vector<16xf32>
      %eq3A_631 = arith.constant 0 : i32
      %eq3A_632 = vector.broadcast %eq3A_631 : i32 to vector<16xi32>
      %eq3A_633 = arith.cmpi eq, %iota3A, %eq3A_632 : vector<16xi32>
      %jit3A_634 = arith.constant 0.000000e+00 : f32
      %broadcast_in_dim3A_635 = vector.broadcast %jit3A_634 : f32 to vector<16xf32>
      %select_n3A_636 = arith.select %eq3A_633, %bitcast_convert_type3A_630, %broadcast_in_dim3A_635 : vector<16xi1>, vector<16xf32>
      %swap3A_637 = arith.constant 48 : i32
      %swap3A_638 = arith.index_cast %swap3A_637 : i32 to index
      %swap3A_639 = arith.constant 0 : index
      %swap3A_640 = tpu.vector_load %arg6[%swap3A_638, %swap3A_639] {strides = array<i32>} : memref<80x16xf32, #tpu.memory_space<vmem>>, vector<1x16xf32>,
      %swap3A_641 = vector.shape_cast %swap3A_640 : vector<1x16xf32> to vector<16xf32>
      %swap3A_642 = vector.shape_cast %select_n3A_636 : vector<16xf32> to vector<1x16xf32>
      tpu.vector_store %arg6[%swap3A_638, %swap3A_639], %swap3A_642 {strides = array<i32>} : memref<80x16xf32, #tpu.memory_space<vmem>>, vector<1x16xf32>,
      %eq3A_643 = arith.constant 1 : i32
      %eq3A_644 = vector.broadcast %eq3A_643 : i32 to vector<16xi32>
      %eq3A_645 = arith.cmpi eq, %iota3A, %eq3A_644 : vector<16xi32>
      %jit3A_646 = arith.constant 0.000000e+00 : f32
      %broadcast_in_dim3A_647 = vector.broadcast %jit3A_646 : f32 to vector<16xf32>
      %select_n3A_648 = arith.select %eq3A_645, %bitcast_convert_type3A_630, %broadcast_in_dim3A_647 : vector<16xi1>, vector<16xf32>
      %swap3A_649 = arith.constant 49 : i32
      %swap3A_650 = arith.index_cast %swap3A_649 : i32 to index
      %swap3A_651 = arith.constant 0 : index
      %swap3A_652 = tpu.vector_load %arg6[%swap3A_650, %swap3A_651] {strides = array<i32>} : memref<80x16xf32, #tpu.memory_space<vmem>>, vector<1x16xf32>,
      %swap3A_653 = vector.shape_cast %swap3A_652 : vector<1x16xf32> to vector<16xf32>
      %swap3A_654 = vector.shape_cast %select_n3A_648 : vector<16xf32> to vector<1x16xf32>
      tpu.vector_store %arg6[%swap3A_650, %swap3A_651], %swap3A_654 {strides = array<i32>} : memref<80x16xf32, #tpu.memory_space<vmem>>, vector<1x16xf32>,
      %eq3A_655 = arith.constant 2 : i32
      %eq3A_656 = vector.broadcast %eq3A_655 : i32 to vector<16xi32>
      %eq3A_657 = arith.cmpi eq, %iota3A, %eq3A_656 : vector<16xi32>
      %jit3A_658 = arith.constant 0.000000e+00 : f32
      %broadcast_in_dim3A_659 = vector.broadcast %jit3A_658 : f32 to vector<16xf32>
      %select_n3A_660 = arith.select %eq3A_657, %bitcast_convert_type3A_630, %broadcast_in_dim3A_659 : vector<16xi1>, vector<16xf32>
      %swap3A_661 = arith.constant 50 : i32
      %swap3A_662 = arith.index_cast %swap3A_661 : i32 to index
      %swap3A_663 = arith.constant 0 : index
      %swap3A_664 = tpu.vector_load %arg6[%swap3A_662, %swap3A_663] {strides = array<i32>} : memref<80x16xf32, #tpu.memory_space<vmem>>, vector<1x16xf32>,
      %swap3A_665 = vector.shape_cast %swap3A_664 : vector<1x16xf32> to vector<16xf32>
      %swap3A_666 = vector.shape_cast %select_n3A_660 : vector<16xf32> to vector<1x16xf32>
      tpu.vector_store %arg6[%swap3A_662, %swap3A_663], %swap3A_666 {strides = array<i32>} : memref<80x16xf32, #tpu.memory_space<vmem>>, vector<1x16xf32>,
      %eq3A_667 = arith.constant 3 : i32
      %eq3A_668 = vector.broadcast %eq3A_667 : i32 to vector<16xi32>
      %eq3A_669 = arith.cmpi eq, %iota3A, %eq3A_668 : vector<16xi32>
      %jit3A_670 = arith.constant 0.000000e+00 : f32
      %broadcast_in_dim3A_671 = vector.broadcast %jit3A_670 : f32 to vector<16xf32>
      %select_n3A_672 = arith.select %eq3A_669, %bitcast_convert_type3A_630, %broadcast_in_dim3A_671 : vector<16xi1>, vector<16xf32>
      %swap3A_673 = arith.constant 51 : i32
      %swap3A_674 = arith.index_cast %swap3A_673 : i32 to index
      %swap3A_675 = arith.constant 0 : index
      %swap3A_676 = tpu.vector_load %arg6[%swap3A_674, %swap3A_675] {strides = array<i32>} : memref<80x16xf32, #tpu.memory_space<vmem>>, vector<1x16xf32>,
      %swap3A_677 = vector.shape_cast %swap3A_676 : vector<1x16xf32> to vector<16xf32>
      %swap3A_678 = vector.shape_cast %select_n3A_672 : vector<16xf32> to vector<1x16xf32>
      tpu.vector_store %arg6[%swap3A_674, %swap3A_675], %swap3A_678 {strides = array<i32>} : memref<80x16xf32, #tpu.memory_space<vmem>>, vector<1x16xf32>,
      %eq3A_679 = arith.constant 4 : i32
      %eq3A_680 = vector.broadcast %eq3A_679 : i32 to vector<16xi32>
      %eq3A_681 = arith.cmpi eq, %iota3A, %eq3A_680 : vector<16xi32>
      %jit3A_682 = arith.constant 0.000000e+00 : f32
      %broadcast_in_dim3A_683 = vector.broadcast %jit3A_682 : f32 to vector<16xf32>
      %select_n3A_684 = arith.select %eq3A_681, %bitcast_convert_type3A_630, %broadcast_in_dim3A_683 : vector<16xi1>, vector<16xf32>
      %swap3A_685 = arith.constant 52 : i32
      %swap3A_686 = arith.index_cast %swap3A_685 : i32 to index
      %swap3A_687 = arith.constant 0 : index
      %swap3A_688 = tpu.vector_load %arg6[%swap3A_686, %swap3A_687] {strides = array<i32>} : memref<80x16xf32, #tpu.memory_space<vmem>>, vector<1x16xf32>,
      %swap3A_689 = vector.shape_cast %swap3A_688 : vector<1x16xf32> to vector<16xf32>
      %swap3A_690 = vector.shape_cast %select_n3A_684 : vector<16xf32> to vector<1x16xf32>
      tpu.vector_store %arg6[%swap3A_686, %swap3A_687], %swap3A_690 {strides = array<i32>} : memref<80x16xf32, #tpu.memory_space<vmem>>, vector<1x16xf32>,
      %eq3A_691 = arith.constant 5 : i32
      %eq3A_692 = vector.broadcast %eq3A_691 : i32 to vector<16xi32>
      %eq3A_693 = arith.cmpi eq, %iota3A, %eq3A_692 : vector<16xi32>
      %jit3A_694 = arith.constant 0.000000e+00 : f32
      %broadcast_in_dim3A_695 = vector.broadcast %jit3A_694 : f32 to vector<16xf32>
      %select_n3A_696 = arith.select %eq3A_693, %bitcast_convert_type3A_630, %broadcast_in_dim3A_695 : vector<16xi1>, vector<16xf32>
      %swap3A_697 = arith.constant 53 : i32
      %swap3A_698 = arith.index_cast %swap3A_697 : i32 to index
      %swap3A_699 = arith.constant 0 : index
      %swap3A_700 = tpu.vector_load %arg6[%swap3A_698, %swap3A_699] {strides = array<i32>} : memref<80x16xf32, #tpu.memory_space<vmem>>, vector<1x16xf32>,
      %swap3A_701 = vector.shape_cast %swap3A_700 : vector<1x16xf32> to vector<16xf32>
      %swap3A_702 = vector.shape_cast %select_n3A_696 : vector<16xf32> to vector<1x16xf32>
      tpu.vector_store %arg6[%swap3A_698, %swap3A_699], %swap3A_702 {strides = array<i32>} : memref<80x16xf32, #tpu.memory_space<vmem>>, vector<1x16xf32>,
      %eq3A_703 = arith.constant 6 : i32
      %eq3A_704 = vector.broadcast %eq3A_703 : i32 to vector<16xi32>
      %eq3A_705 = arith.cmpi eq, %iota3A, %eq3A_704 : vector<16xi32>
      %jit3A_706 = arith.constant 0.000000e+00 : f32
      %broadcast_in_dim3A_707 = vector.broadcast %jit3A_706 : f32 to vector<16xf32>
      %select_n3A_708 = arith.select %eq3A_705, %bitcast_convert_type3A_630, %broadcast_in_dim3A_707 : vector<16xi1>, vector<16xf32>
      %swap3A_709 = arith.constant 54 : i32
      %swap3A_710 = arith.index_cast %swap3A_709 : i32 to index
      %swap3A_711 = arith.constant 0 : index
      %swap3A_712 = tpu.vector_load %arg6[%swap3A_710, %swap3A_711] {strides = array<i32>} : memref<80x16xf32, #tpu.memory_space<vmem>>, vector<1x16xf32>,
      %swap3A_713 = vector.shape_cast %swap3A_712 : vector<1x16xf32> to vector<16xf32>
      %swap3A_714 = vector.shape_cast %select_n3A_708 : vector<16xf32> to vector<1x16xf32>
      tpu.vector_store %arg6[%swap3A_710, %swap3A_711], %swap3A_714 {strides = array<i32>} : memref<80x16xf32, #tpu.memory_space<vmem>>, vector<1x16xf32>,
      %eq3A_715 = arith.constant 7 : i32
      %eq3A_716 = vector.broadcast %eq3A_715 : i32 to vector<16xi32>
      %eq3A_717 = arith.cmpi eq, %iota3A, %eq3A_716 : vector<16xi32>
      %jit3A_718 = arith.constant 0.000000e+00 : f32
      %broadcast_in_dim3A_719 = vector.broadcast %jit3A_718 : f32 to vector<16xf32>
      %select_n3A_720 = arith.select %eq3A_717, %bitcast_convert_type3A_630, %broadcast_in_dim3A_719 : vector<16xi1>, vector<16xf32>
      %swap3A_721 = arith.constant 55 : i32
      %swap3A_722 = arith.index_cast %swap3A_721 : i32 to index
      %swap3A_723 = arith.constant 0 : index
      %swap3A_724 = tpu.vector_load %arg6[%swap3A_722, %swap3A_723] {strides = array<i32>} : memref<80x16xf32, #tpu.memory_space<vmem>>, vector<1x16xf32>,
      %swap3A_725 = vector.shape_cast %swap3A_724 : vector<1x16xf32> to vector<16xf32>
      %swap3A_726 = vector.shape_cast %select_n3A_720 : vector<16xf32> to vector<1x16xf32>
      tpu.vector_store %arg6[%swap3A_722, %swap3A_723], %swap3A_726 {strides = array<i32>} : memref<80x16xf32, #tpu.memory_space<vmem>>, vector<1x16xf32>,
      %eq3A_727 = arith.constant 8 : i32
      %eq3A_728 = vector.broadcast %eq3A_727 : i32 to vector<16xi32>
      %eq3A_729 = arith.cmpi eq, %iota3A, %eq3A_728 : vector<16xi32>
      %jit3A_730 = arith.constant 0.000000e+00 : f32
      %broadcast_in_dim3A_731 = vector.broadcast %jit3A_730 : f32 to vector<16xf32>
      %select_n3A_732 = arith.select %eq3A_729, %bitcast_convert_type3A_630, %broadcast_in_dim3A_731 : vector<16xi1>, vector<16xf32>
      %swap3A_733 = arith.constant 56 : i32
      %swap3A_734 = arith.index_cast %swap3A_733 : i32 to index
      %swap3A_735 = arith.constant 0 : index
      %swap3A_736 = tpu.vector_load %arg6[%swap3A_734, %swap3A_735] {strides = array<i32>} : memref<80x16xf32, #tpu.memory_space<vmem>>, vector<1x16xf32>,
      %swap3A_737 = vector.shape_cast %swap3A_736 : vector<1x16xf32> to vector<16xf32>
      %swap3A_738 = vector.shape_cast %select_n3A_732 : vector<16xf32> to vector<1x16xf32>
      tpu.vector_store %arg6[%swap3A_734, %swap3A_735], %swap3A_738 {strides = array<i32>} : memref<80x16xf32, #tpu.memory_space<vmem>>, vector<1x16xf32>,
      %eq3A_739 = arith.constant 9 : i32
      %eq3A_740 = vector.broadcast %eq3A_739 : i32 to vector<16xi32>
      %eq3A_741 = arith.cmpi eq, %iota3A, %eq3A_740 : vector<16xi32>
      %jit3A_742 = arith.constant 0.000000e+00 : f32
      %broadcast_in_dim3A_743 = vector.broadcast %jit3A_742 : f32 to vector<16xf32>
      %select_n3A_744 = arith.select %eq3A_741, %bitcast_convert_type3A_630, %broadcast_in_dim3A_743 : vector<16xi1>, vector<16xf32>
      %swap3A_745 = arith.constant 57 : i32
      %swap3A_746 = arith.index_cast %swap3A_745 : i32 to index
      %swap3A_747 = arith.constant 0 : index
      %swap3A_748 = tpu.vector_load %arg6[%swap3A_746, %swap3A_747] {strides = array<i32>} : memref<80x16xf32, #tpu.memory_space<vmem>>, vector<1x16xf32>,
      %swap3A_749 = vector.shape_cast %swap3A_748 : vector<1x16xf32> to vector<16xf32>
      %swap3A_750 = vector.shape_cast %select_n3A_744 : vector<16xf32> to vector<1x16xf32>
      tpu.vector_store %arg6[%swap3A_746, %swap3A_747], %swap3A_750 {strides = array<i32>} : memref<80x16xf32, #tpu.memory_space<vmem>>, vector<1x16xf32>,
      %eq3A_751 = arith.constant 10 : i32
      %eq3A_752 = vector.broadcast %eq3A_751 : i32 to vector<16xi32>
      %eq3A_753 = arith.cmpi eq, %iota3A, %eq3A_752 : vector<16xi32>
      %jit3A_754 = arith.constant 0.000000e+00 : f32
      %broadcast_in_dim3A_755 = vector.broadcast %jit3A_754 : f32 to vector<16xf32>
      %select_n3A_756 = arith.select %eq3A_753, %bitcast_convert_type3A_630, %broadcast_in_dim3A_755 : vector<16xi1>, vector<16xf32>
      %swap3A_757 = arith.constant 58 : i32
      %swap3A_758 = arith.index_cast %swap3A_757 : i32 to index
      %swap3A_759 = arith.constant 0 : index
      %swap3A_760 = tpu.vector_load %arg6[%swap3A_758, %swap3A_759] {strides = array<i32>} : memref<80x16xf32, #tpu.memory_space<vmem>>, vector<1x16xf32>,
      %swap3A_761 = vector.shape_cast %swap3A_760 : vector<1x16xf32> to vector<16xf32>
      %swap3A_762 = vector.shape_cast %select_n3A_756 : vector<16xf32> to vector<1x16xf32>
      tpu.vector_store %arg6[%swap3A_758, %swap3A_759], %swap3A_762 {strides = array<i32>} : memref<80x16xf32, #tpu.memory_space<vmem>>, vector<1x16xf32>,
      %eq3A_763 = arith.constant 11 : i32
      %eq3A_764 = vector.broadcast %eq3A_763 : i32 to vector<16xi32>
      %eq3A_765 = arith.cmpi eq, %iota3A, %eq3A_764 : vector<16xi32>
      %jit3A_766 = arith.constant 0.000000e+00 : f32
      %broadcast_in_dim3A_767 = vector.broadcast %jit3A_766 : f32 to vector<16xf32>
      %select_n3A_768 = arith.select %eq3A_765, %bitcast_convert_type3A_630, %broadcast_in_dim3A_767 : vector<16xi1>, vector<16xf32>
      %swap3A_769 = arith.constant 59 : i32
      %swap3A_770 = arith.index_cast %swap3A_769 : i32 to index
      %swap3A_771 = arith.constant 0 : index
      %swap3A_772 = tpu.vector_load %arg6[%swap3A_770, %swap3A_771] {strides = array<i32>} : memref<80x16xf32, #tpu.memory_space<vmem>>, vector<1x16xf32>,
      %swap3A_773 = vector.shape_cast %swap3A_772 : vector<1x16xf32> to vector<16xf32>
      %swap3A_774 = vector.shape_cast %select_n3A_768 : vector<16xf32> to vector<1x16xf32>
      tpu.vector_store %arg6[%swap3A_770, %swap3A_771], %swap3A_774 {strides = array<i32>} : memref<80x16xf32, #tpu.memory_space<vmem>>, vector<1x16xf32>,
      %eq3A_775 = arith.constant 12 : i32
      %eq3A_776 = vector.broadcast %eq3A_775 : i32 to vector<16xi32>
      %eq3A_777 = arith.cmpi eq, %iota3A, %eq3A_776 : vector<16xi32>
      %jit3A_778 = arith.constant 0.000000e+00 : f32
      %broadcast_in_dim3A_779 = vector.broadcast %jit3A_778 : f32 to vector<16xf32>
      %select_n3A_780 = arith.select %eq3A_777, %bitcast_convert_type3A_630, %broadcast_in_dim3A_779 : vector<16xi1>, vector<16xf32>
      %swap3A_781 = arith.constant 60 : i32
      %swap3A_782 = arith.index_cast %swap3A_781 : i32 to index
      %swap3A_783 = arith.constant 0 : index
      %swap3A_784 = tpu.vector_load %arg6[%swap3A_782, %swap3A_783] {strides = array<i32>} : memref<80x16xf32, #tpu.memory_space<vmem>>, vector<1x16xf32>,
      %swap3A_785 = vector.shape_cast %swap3A_784 : vector<1x16xf32> to vector<16xf32>
      %swap3A_786 = vector.shape_cast %select_n3A_780 : vector<16xf32> to vector<1x16xf32>
      tpu.vector_store %arg6[%swap3A_782, %swap3A_783], %swap3A_786 {strides = array<i32>} : memref<80x16xf32, #tpu.memory_space<vmem>>, vector<1x16xf32>,
      %eq3A_787 = arith.constant 13 : i32
      %eq3A_788 = vector.broadcast %eq3A_787 : i32 to vector<16xi32>
      %eq3A_789 = arith.cmpi eq, %iota3A, %eq3A_788 : vector<16xi32>
      %jit3A_790 = arith.constant 0.000000e+00 : f32
      %broadcast_in_dim3A_791 = vector.broadcast %jit3A_790 : f32 to vector<16xf32>
      %select_n3A_792 = arith.select %eq3A_789, %bitcast_convert_type3A_630, %broadcast_in_dim3A_791 : vector<16xi1>, vector<16xf32>
      %swap3A_793 = arith.constant 61 : i32
      %swap3A_794 = arith.index_cast %swap3A_793 : i32 to index
      %swap3A_795 = arith.constant 0 : index
      %swap3A_796 = tpu.vector_load %arg6[%swap3A_794, %swap3A_795] {strides = array<i32>} : memref<80x16xf32, #tpu.memory_space<vmem>>, vector<1x16xf32>,
      %swap3A_797 = vector.shape_cast %swap3A_796 : vector<1x16xf32> to vector<16xf32>
      %swap3A_798 = vector.shape_cast %select_n3A_792 : vector<16xf32> to vector<1x16xf32>
      tpu.vector_store %arg6[%swap3A_794, %swap3A_795], %swap3A_798 {strides = array<i32>} : memref<80x16xf32, #tpu.memory_space<vmem>>, vector<1x16xf32>,
      %eq3A_799 = arith.constant 14 : i32
      %eq3A_800 = vector.broadcast %eq3A_799 : i32 to vector<16xi32>
      %eq3A_801 = arith.cmpi eq, %iota3A, %eq3A_800 : vector<16xi32>
      %jit3A_802 = arith.constant 0.000000e+00 : f32
      %broadcast_in_dim3A_803 = vector.broadcast %jit3A_802 : f32 to vector<16xf32>
      %select_n3A_804 = arith.select %eq3A_801, %bitcast_convert_type3A_630, %broadcast_in_dim3A_803 : vector<16xi1>, vector<16xf32>
      %swap3A_805 = arith.constant 62 : i32
      %swap3A_806 = arith.index_cast %swap3A_805 : i32 to index
      %swap3A_807 = arith.constant 0 : index
      %swap3A_808 = tpu.vector_load %arg6[%swap3A_806, %swap3A_807] {strides = array<i32>} : memref<80x16xf32, #tpu.memory_space<vmem>>, vector<1x16xf32>,
      %swap3A_809 = vector.shape_cast %swap3A_808 : vector<1x16xf32> to vector<16xf32>
      %swap3A_810 = vector.shape_cast %select_n3A_804 : vector<16xf32> to vector<1x16xf32>
      tpu.vector_store %arg6[%swap3A_806, %swap3A_807], %swap3A_810 {strides = array<i32>} : memref<80x16xf32, #tpu.memory_space<vmem>>, vector<1x16xf32>,
      %eq3A_811 = arith.constant 15 : i32
      %eq3A_812 = vector.broadcast %eq3A_811 : i32 to vector<16xi32>
      %eq3A_813 = arith.cmpi eq, %iota3A, %eq3A_812 : vector<16xi32>
      %jit3A_814 = arith.constant 0.000000e+00 : f32
      %broadcast_in_dim3A_815 = vector.broadcast %jit3A_814 : f32 to vector<16xf32>
      %select_n3A_816 = arith.select %eq3A_813, %bitcast_convert_type3A_630, %broadcast_in_dim3A_815 : vector<16xi1>, vector<16xf32>
      %swap3A_817 = arith.constant 63 : i32
      %swap3A_818 = arith.index_cast %swap3A_817 : i32 to index
      %swap3A_819 = arith.constant 0 : index
      %swap3A_820 = tpu.vector_load %arg6[%swap3A_818, %swap3A_819] {strides = array<i32>} : memref<80x16xf32, #tpu.memory_space<vmem>>, vector<1x16xf32>,
      %swap3A_821 = vector.shape_cast %swap3A_820 : vector<1x16xf32> to vector<16xf32>
      %swap3A_822 = vector.shape_cast %select_n3A_816 : vector<16xf32> to vector<1x16xf32>
      tpu.vector_store %arg6[%swap3A_818, %swap3A_819], %swap3A_822 {strides = array<i32>} : memref<80x16xf32, #tpu.memory_space<vmem>>, vector<1x16xf32>,
      %get3A_823 = arith.constant 2 : i32
      %get3A_824 = arith.index_cast %get3A_823 : i32 to index
      %get3A_825 = arith.constant 64 : index
      %get3A_826 = tpu.vector_load %arg5[%get3A_824, %get3A_825] {strides = array<i32>} : memref<3x80xi32, #tpu.memory_space<vmem>>, vector<1x16xi32>,
      %get3A_827 = vector.shape_cast %get3A_826 : vector<1x16xi32> to vector<16xi32>
      %bitcast_convert_type3A_828 = tpu.bitcast %get3A_827 : vector<16xi32> -> vector<16xf32>
      %eq3A_829 = arith.constant 0 : i32
      %eq3A_830 = vector.broadcast %eq3A_829 : i32 to vector<16xi32>
      %eq3A_831 = arith.cmpi eq, %iota3A, %eq3A_830 : vector<16xi32>
      %jit3A_832 = arith.constant 0.000000e+00 : f32
      %broadcast_in_dim3A_833 = vector.broadcast %jit3A_832 : f32 to vector<16xf32>
      %select_n3A_834 = arith.select %eq3A_831, %bitcast_convert_type3A_828, %broadcast_in_dim3A_833 : vector<16xi1>, vector<16xf32>
      %swap3A_835 = arith.constant 64 : i32
      %swap3A_836 = arith.index_cast %swap3A_835 : i32 to index
      %swap3A_837 = arith.constant 0 : index
      %swap3A_838 = tpu.vector_load %arg6[%swap3A_836, %swap3A_837] {strides = array<i32>} : memref<80x16xf32, #tpu.memory_space<vmem>>, vector<1x16xf32>,
      %swap3A_839 = vector.shape_cast %swap3A_838 : vector<1x16xf32> to vector<16xf32>
      %swap3A_840 = vector.shape_cast %select_n3A_834 : vector<16xf32> to vector<1x16xf32>
      tpu.vector_store %arg6[%swap3A_836, %swap3A_837], %swap3A_840 {strides = array<i32>} : memref<80x16xf32, #tpu.memory_space<vmem>>, vector<1x16xf32>,
      %eq3A_841 = arith.constant 1 : i32
      %eq3A_842 = vector.broadcast %eq3A_841 : i32 to vector<16xi32>
      %eq3A_843 = arith.cmpi eq, %iota3A, %eq3A_842 : vector<16xi32>
      %jit3A_844 = arith.constant 0.000000e+00 : f32
      %broadcast_in_dim3A_845 = vector.broadcast %jit3A_844 : f32 to vector<16xf32>
      %select_n3A_846 = arith.select %eq3A_843, %bitcast_convert_type3A_828, %broadcast_in_dim3A_845 : vector<16xi1>, vector<16xf32>
      %swap3A_847 = arith.constant 65 : i32
      %swap3A_848 = arith.index_cast %swap3A_847 : i32 to index
      %swap3A_849 = arith.constant 0 : index
      %swap3A_850 = tpu.vector_load %arg6[%swap3A_848, %swap3A_849] {strides = array<i32>} : memref<80x16xf32, #tpu.memory_space<vmem>>, vector<1x16xf32>,
      %swap3A_851 = vector.shape_cast %swap3A_850 : vector<1x16xf32> to vector<16xf32>
      %swap3A_852 = vector.shape_cast %select_n3A_846 : vector<16xf32> to vector<1x16xf32>
      tpu.vector_store %arg6[%swap3A_848, %swap3A_849], %swap3A_852 {strides = array<i32>} : memref<80x16xf32, #tpu.memory_space<vmem>>, vector<1x16xf32>,
      %eq3A_853 = arith.constant 2 : i32
      %eq3A_854 = vector.broadcast %eq3A_853 : i32 to vector<16xi32>
      %eq3A_855 = arith.cmpi eq, %iota3A, %eq3A_854 : vector<16xi32>
      %jit3A_856 = arith.constant 0.000000e+00 : f32
      %broadcast_in_dim3A_857 = vector.broadcast %jit3A_856 : f32 to vector<16xf32>
      %select_n3A_858 = arith.select %eq3A_855, %bitcast_convert_type3A_828, %broadcast_in_dim3A_857 : vector<16xi1>, vector<16xf32>
      %swap3A_859 = arith.constant 66 : i32
      %swap3A_860 = arith.index_cast %swap3A_859 : i32 to index
      %swap3A_861 = arith.constant 0 : index
      %swap3A_862 = tpu.vector_load %arg6[%swap3A_860, %swap3A_861] {strides = array<i32>} : memref<80x16xf32, #tpu.memory_space<vmem>>, vector<1x16xf32>,
      %swap3A_863 = vector.shape_cast %swap3A_862 : vector<1x16xf32> to vector<16xf32>
      %swap3A_864 = vector.shape_cast %select_n3A_858 : vector<16xf32> to vector<1x16xf32>
      tpu.vector_store %arg6[%swap3A_860, %swap3A_861], %swap3A_864 {strides = array<i32>} : memref<80x16xf32, #tpu.memory_space<vmem>>, vector<1x16xf32>,
      %eq3A_865 = arith.constant 3 : i32
      %eq3A_866 = vector.broadcast %eq3A_865 : i32 to vector<16xi32>
      %eq3A_867 = arith.cmpi eq, %iota3A, %eq3A_866 : vector<16xi32>
      %jit3A_868 = arith.constant 0.000000e+00 : f32
      %broadcast_in_dim3A_869 = vector.broadcast %jit3A_868 : f32 to vector<16xf32>
      %select_n3A_870 = arith.select %eq3A_867, %bitcast_convert_type3A_828, %broadcast_in_dim3A_869 : vector<16xi1>, vector<16xf32>
      %swap3A_871 = arith.constant 67 : i32
      %swap3A_872 = arith.index_cast %swap3A_871 : i32 to index
      %swap3A_873 = arith.constant 0 : index
      %swap3A_874 = tpu.vector_load %arg6[%swap3A_872, %swap3A_873] {strides = array<i32>} : memref<80x16xf32, #tpu.memory_space<vmem>>, vector<1x16xf32>,
      %swap3A_875 = vector.shape_cast %swap3A_874 : vector<1x16xf32> to vector<16xf32>
      %swap3A_876 = vector.shape_cast %select_n3A_870 : vector<16xf32> to vector<1x16xf32>
      tpu.vector_store %arg6[%swap3A_872, %swap3A_873], %swap3A_876 {strides = array<i32>} : memref<80x16xf32, #tpu.memory_space<vmem>>, vector<1x16xf32>,
      %eq3A_877 = arith.constant 4 : i32
      %eq3A_878 = vector.broadcast %eq3A_877 : i32 to vector<16xi32>
      %eq3A_879 = arith.cmpi eq, %iota3A, %eq3A_878 : vector<16xi32>
      %jit3A_880 = arith.constant 0.000000e+00 : f32
      %broadcast_in_dim3A_881 = vector.broadcast %jit3A_880 : f32 to vector<16xf32>
      %select_n3A_882 = arith.select %eq3A_879, %bitcast_convert_type3A_828, %broadcast_in_dim3A_881 : vector<16xi1>, vector<16xf32>
      %swap3A_883 = arith.constant 68 : i32
      %swap3A_884 = arith.index_cast %swap3A_883 : i32 to index
      %swap3A_885 = arith.constant 0 : index
      %swap3A_886 = tpu.vector_load %arg6[%swap3A_884, %swap3A_885] {strides = array<i32>} : memref<80x16xf32, #tpu.memory_space<vmem>>, vector<1x16xf32>,
      %swap3A_887 = vector.shape_cast %swap3A_886 : vector<1x16xf32> to vector<16xf32>
      %swap3A_888 = vector.shape_cast %select_n3A_882 : vector<16xf32> to vector<1x16xf32>
      tpu.vector_store %arg6[%swap3A_884, %swap3A_885], %swap3A_888 {strides = array<i32>} : memref<80x16xf32, #tpu.memory_space<vmem>>, vector<1x16xf32>,
      %eq3A_889 = arith.constant 5 : i32
      %eq3A_890 = vector.broadcast %eq3A_889 : i32 to vector<16xi32>
      %eq3A_891 = arith.cmpi eq, %iota3A, %eq3A_890 : vector<16xi32>
      %jit3A_892 = arith.constant 0.000000e+00 : f32
      %broadcast_in_dim3A_893 = vector.broadcast %jit3A_892 : f32 to vector<16xf32>
      %select_n3A_894 = arith.select %eq3A_891, %bitcast_convert_type3A_828, %broadcast_in_dim3A_893 : vector<16xi1>, vector<16xf32>
      %swap3A_895 = arith.constant 69 : i32
      %swap3A_896 = arith.index_cast %swap3A_895 : i32 to index
      %swap3A_897 = arith.constant 0 : index
      %swap3A_898 = tpu.vector_load %arg6[%swap3A_896, %swap3A_897] {strides = array<i32>} : memref<80x16xf32, #tpu.memory_space<vmem>>, vector<1x16xf32>,
      %swap3A_899 = vector.shape_cast %swap3A_898 : vector<1x16xf32> to vector<16xf32>
      %swap3A_900 = vector.shape_cast %select_n3A_894 : vector<16xf32> to vector<1x16xf32>
      tpu.vector_store %arg6[%swap3A_896, %swap3A_897], %swap3A_900 {strides = array<i32>} : memref<80x16xf32, #tpu.memory_space<vmem>>, vector<1x16xf32>,
      %eq3A_901 = arith.constant 6 : i32
      %eq3A_902 = vector.broadcast %eq3A_901 : i32 to vector<16xi32>
      %eq3A_903 = arith.cmpi eq, %iota3A, %eq3A_902 : vector<16xi32>
      %jit3A_904 = arith.constant 0.000000e+00 : f32
      %broadcast_in_dim3A_905 = vector.broadcast %jit3A_904 : f32 to vector<16xf32>
      %select_n3A_906 = arith.select %eq3A_903, %bitcast_convert_type3A_828, %broadcast_in_dim3A_905 : vector<16xi1>, vector<16xf32>
      %swap3A_907 = arith.constant 70 : i32
      %swap3A_908 = arith.index_cast %swap3A_907 : i32 to index
      %swap3A_909 = arith.constant 0 : index
      %swap3A_910 = tpu.vector_load %arg6[%swap3A_908, %swap3A_909] {strides = array<i32>} : memref<80x16xf32, #tpu.memory_space<vmem>>, vector<1x16xf32>,
      %swap3A_911 = vector.shape_cast %swap3A_910 : vector<1x16xf32> to vector<16xf32>
      %swap3A_912 = vector.shape_cast %select_n3A_906 : vector<16xf32> to vector<1x16xf32>
      tpu.vector_store %arg6[%swap3A_908, %swap3A_909], %swap3A_912 {strides = array<i32>} : memref<80x16xf32, #tpu.memory_space<vmem>>, vector<1x16xf32>,
      %eq3A_913 = arith.constant 7 : i32
      %eq3A_914 = vector.broadcast %eq3A_913 : i32 to vector<16xi32>
      %eq3A_915 = arith.cmpi eq, %iota3A, %eq3A_914 : vector<16xi32>
      %jit3A_916 = arith.constant 0.000000e+00 : f32
      %broadcast_in_dim3A_917 = vector.broadcast %jit3A_916 : f32 to vector<16xf32>
      %select_n3A_918 = arith.select %eq3A_915, %bitcast_convert_type3A_828, %broadcast_in_dim3A_917 : vector<16xi1>, vector<16xf32>
      %swap3A_919 = arith.constant 71 : i32
      %swap3A_920 = arith.index_cast %swap3A_919 : i32 to index
      %swap3A_921 = arith.constant 0 : index
      %swap3A_922 = tpu.vector_load %arg6[%swap3A_920, %swap3A_921] {strides = array<i32>} : memref<80x16xf32, #tpu.memory_space<vmem>>, vector<1x16xf32>,
      %swap3A_923 = vector.shape_cast %swap3A_922 : vector<1x16xf32> to vector<16xf32>
      %swap3A_924 = vector.shape_cast %select_n3A_918 : vector<16xf32> to vector<1x16xf32>
      tpu.vector_store %arg6[%swap3A_920, %swap3A_921], %swap3A_924 {strides = array<i32>} : memref<80x16xf32, #tpu.memory_space<vmem>>, vector<1x16xf32>,
      %eq3A_925 = arith.constant 8 : i32
      %eq3A_926 = vector.broadcast %eq3A_925 : i32 to vector<16xi32>
      %eq3A_927 = arith.cmpi eq, %iota3A, %eq3A_926 : vector<16xi32>
      %jit3A_928 = arith.constant 0.000000e+00 : f32
      %broadcast_in_dim3A_929 = vector.broadcast %jit3A_928 : f32 to vector<16xf32>
      %select_n3A_930 = arith.select %eq3A_927, %bitcast_convert_type3A_828, %broadcast_in_dim3A_929 : vector<16xi1>, vector<16xf32>
      %swap3A_931 = arith.constant 72 : i32
      %swap3A_932 = arith.index_cast %swap3A_931 : i32 to index
      %swap3A_933 = arith.constant 0 : index
      %swap3A_934 = tpu.vector_load %arg6[%swap3A_932, %swap3A_933] {strides = array<i32>} : memref<80x16xf32, #tpu.memory_space<vmem>>, vector<1x16xf32>,
      %swap3A_935 = vector.shape_cast %swap3A_934 : vector<1x16xf32> to vector<16xf32>
      %swap3A_936 = vector.shape_cast %select_n3A_930 : vector<16xf32> to vector<1x16xf32>
      tpu.vector_store %arg6[%swap3A_932, %swap3A_933], %swap3A_936 {strides = array<i32>} : memref<80x16xf32, #tpu.memory_space<vmem>>, vector<1x16xf32>,
      %eq3A_937 = arith.constant 9 : i32
      %eq3A_938 = vector.broadcast %eq3A_937 : i32 to vector<16xi32>
      %eq3A_939 = arith.cmpi eq, %iota3A, %eq3A_938 : vector<16xi32>
      %jit3A_940 = arith.constant 0.000000e+00 : f32
      %broadcast_in_dim3A_941 = vector.broadcast %jit3A_940 : f32 to vector<16xf32>
      %select_n3A_942 = arith.select %eq3A_939, %bitcast_convert_type3A_828, %broadcast_in_dim3A_941 : vector<16xi1>, vector<16xf32>
      %swap3A_943 = arith.constant 73 : i32
      %swap3A_944 = arith.index_cast %swap3A_943 : i32 to index
      %swap3A_945 = arith.constant 0 : index
      %swap3A_946 = tpu.vector_load %arg6[%swap3A_944, %swap3A_945] {strides = array<i32>} : memref<80x16xf32, #tpu.memory_space<vmem>>, vector<1x16xf32>,
      %swap3A_947 = vector.shape_cast %swap3A_946 : vector<1x16xf32> to vector<16xf32>
      %swap3A_948 = vector.shape_cast %select_n3A_942 : vector<16xf32> to vector<1x16xf32>
      tpu.vector_store %arg6[%swap3A_944, %swap3A_945], %swap3A_948 {strides = array<i32>} : memref<80x16xf32, #tpu.memory_space<vmem>>, vector<1x16xf32>,
      %eq3A_949 = arith.constant 10 : i32
      %eq3A_950 = vector.broadcast %eq3A_949 : i32 to vector<16xi32>
      %eq3A_951 = arith.cmpi eq, %iota3A, %eq3A_950 : vector<16xi32>
      %jit3A_952 = arith.constant 0.000000e+00 : f32
      %broadcast_in_dim3A_953 = vector.broadcast %jit3A_952 : f32 to vector<16xf32>
      %select_n3A_954 = arith.select %eq3A_951, %bitcast_convert_type3A_828, %broadcast_in_dim3A_953 : vector<16xi1>, vector<16xf32>
      %swap3A_955 = arith.constant 74 : i32
      %swap3A_956 = arith.index_cast %swap3A_955 : i32 to index
      %swap3A_957 = arith.constant 0 : index
      %swap3A_958 = tpu.vector_load %arg6[%swap3A_956, %swap3A_957] {strides = array<i32>} : memref<80x16xf32, #tpu.memory_space<vmem>>, vector<1x16xf32>,
      %swap3A_959 = vector.shape_cast %swap3A_958 : vector<1x16xf32> to vector<16xf32>
      %swap3A_960 = vector.shape_cast %select_n3A_954 : vector<16xf32> to vector<1x16xf32>
      tpu.vector_store %arg6[%swap3A_956, %swap3A_957], %swap3A_960 {strides = array<i32>} : memref<80x16xf32, #tpu.memory_space<vmem>>, vector<1x16xf32>,
      %eq3A_961 = arith.constant 11 : i32
      %eq3A_962 = vector.broadcast %eq3A_961 : i32 to vector<16xi32>
      %eq3A_963 = arith.cmpi eq, %iota3A, %eq3A_962 : vector<16xi32>
      %jit3A_964 = arith.constant 0.000000e+00 : f32
      %broadcast_in_dim3A_965 = vector.broadcast %jit3A_964 : f32 to vector<16xf32>
      %select_n3A_966 = arith.select %eq3A_963, %bitcast_convert_type3A_828, %broadcast_in_dim3A_965 : vector<16xi1>, vector<16xf32>
      %swap3A_967 = arith.constant 75 : i32
      %swap3A_968 = arith.index_cast %swap3A_967 : i32 to index
      %swap3A_969 = arith.constant 0 : index
      %swap3A_970 = tpu.vector_load %arg6[%swap3A_968, %swap3A_969] {strides = array<i32>} : memref<80x16xf32, #tpu.memory_space<vmem>>, vector<1x16xf32>,
      %swap3A_971 = vector.shape_cast %swap3A_970 : vector<1x16xf32> to vector<16xf32>
      %swap3A_972 = vector.shape_cast %select_n3A_966 : vector<16xf32> to vector<1x16xf32>
      tpu.vector_store %arg6[%swap3A_968, %swap3A_969], %swap3A_972 {strides = array<i32>} : memref<80x16xf32, #tpu.memory_space<vmem>>, vector<1x16xf32>,
      %eq3A_973 = arith.constant 12 : i32
      %eq3A_974 = vector.broadcast %eq3A_973 : i32 to vector<16xi32>
      %eq3A_975 = arith.cmpi eq, %iota3A, %eq3A_974 : vector<16xi32>
      %jit3A_976 = arith.constant 0.000000e+00 : f32
      %broadcast_in_dim3A_977 = vector.broadcast %jit3A_976 : f32 to vector<16xf32>
      %select_n3A_978 = arith.select %eq3A_975, %bitcast_convert_type3A_828, %broadcast_in_dim3A_977 : vector<16xi1>, vector<16xf32>
      %swap3A_979 = arith.constant 76 : i32
      %swap3A_980 = arith.index_cast %swap3A_979 : i32 to index
      %swap3A_981 = arith.constant 0 : index
      %swap3A_982 = tpu.vector_load %arg6[%swap3A_980, %swap3A_981] {strides = array<i32>} : memref<80x16xf32, #tpu.memory_space<vmem>>, vector<1x16xf32>,
      %swap3A_983 = vector.shape_cast %swap3A_982 : vector<1x16xf32> to vector<16xf32>
      %swap3A_984 = vector.shape_cast %select_n3A_978 : vector<16xf32> to vector<1x16xf32>
      tpu.vector_store %arg6[%swap3A_980, %swap3A_981], %swap3A_984 {strides = array<i32>} : memref<80x16xf32, #tpu.memory_space<vmem>>, vector<1x16xf32>,
      %eq3A_985 = arith.constant 13 : i32
      %eq3A_986 = vector.broadcast %eq3A_985 : i32 to vector<16xi32>
      %eq3A_987 = arith.cmpi eq, %iota3A, %eq3A_986 : vector<16xi32>
      %jit3A_988 = arith.constant 0.000000e+00 : f32
      %broadcast_in_dim3A_989 = vector.broadcast %jit3A_988 : f32 to vector<16xf32>
      %select_n3A_990 = arith.select %eq3A_987, %bitcast_convert_type3A_828, %broadcast_in_dim3A_989 : vector<16xi1>, vector<16xf32>
      %swap3A_991 = arith.constant 77 : i32
      %swap3A_992 = arith.index_cast %swap3A_991 : i32 to index
      %swap3A_993 = arith.constant 0 : index
      %swap3A_994 = tpu.vector_load %arg6[%swap3A_992, %swap3A_993] {strides = array<i32>} : memref<80x16xf32, #tpu.memory_space<vmem>>, vector<1x16xf32>,
      %swap3A_995 = vector.shape_cast %swap3A_994 : vector<1x16xf32> to vector<16xf32>
      %swap3A_996 = vector.shape_cast %select_n3A_990 : vector<16xf32> to vector<1x16xf32>
      tpu.vector_store %arg6[%swap3A_992, %swap3A_993], %swap3A_996 {strides = array<i32>} : memref<80x16xf32, #tpu.memory_space<vmem>>, vector<1x16xf32>,
      %eq3A_997 = arith.constant 14 : i32
      %eq3A_998 = vector.broadcast %eq3A_997 : i32 to vector<16xi32>
      %eq3A_999 = arith.cmpi eq, %iota3A, %eq3A_998 : vector<16xi32>
      %jit3A_1000 = arith.constant 0.000000e+00 : f32
      %broadcast_in_dim3A_1001 = vector.broadcast %jit3A_1000 : f32 to vector<16xf32>
      %select_n3A_1002 = arith.select %eq3A_999, %bitcast_convert_type3A_828, %broadcast_in_dim3A_1001 : vector<16xi1>, vector<16xf32>
      %swap3A_1003 = arith.constant 78 : i32
      %swap3A_1004 = arith.index_cast %swap3A_1003 : i32 to index
      %swap3A_1005 = arith.constant 0 : index
      %swap3A_1006 = tpu.vector_load %arg6[%swap3A_1004, %swap3A_1005] {strides = array<i32>} : memref<80x16xf32, #tpu.memory_space<vmem>>, vector<1x16xf32>,
      %swap3A_1007 = vector.shape_cast %swap3A_1006 : vector<1x16xf32> to vector<16xf32>
      %swap3A_1008 = vector.shape_cast %select_n3A_1002 : vector<16xf32> to vector<1x16xf32>
      tpu.vector_store %arg6[%swap3A_1004, %swap3A_1005], %swap3A_1008 {strides = array<i32>} : memref<80x16xf32, #tpu.memory_space<vmem>>, vector<1x16xf32>,
      %eq3A_1009 = arith.constant 15 : i32
      %eq3A_1010 = vector.broadcast %eq3A_1009 : i32 to vector<16xi32>
      %eq3A_1011 = arith.cmpi eq, %iota3A, %eq3A_1010 : vector<16xi32>
      %jit3A_1012 = arith.constant 0.000000e+00 : f32
      %broadcast_in_dim3A_1013 = vector.broadcast %jit3A_1012 : f32 to vector<16xf32>
      %select_n3A_1014 = arith.select %eq3A_1011, %bitcast_convert_type3A_828, %broadcast_in_dim3A_1013 : vector<16xi1>, vector<16xf32>
      %swap3A_1015 = arith.constant 79 : i32
      %swap3A_1016 = arith.index_cast %swap3A_1015 : i32 to index
      %swap3A_1017 = arith.constant 0 : index
      %swap3A_1018 = tpu.vector_load %arg6[%swap3A_1016, %swap3A_1017] {strides = array<i32>} : memref<80x16xf32, #tpu.memory_space<vmem>>, vector<1x16xf32>,
      %swap3A_1019 = vector.shape_cast %swap3A_1018 : vector<1x16xf32> to vector<16xf32>
      %swap3A_1020 = vector.shape_cast %select_n3A_1014 : vector<16xf32> to vector<1x16xf32>
      tpu.vector_store %arg6[%swap3A_1016, %swap3A_1017], %swap3A_1020 {strides = array<i32>} : memref<80x16xf32, #tpu.memory_space<vmem>>, vector<1x16xf32>,
      %run_scoped3A = arith.constant 0 : i32
      "tpu.region"() ({
        %run_scoped3A_1022 = tpu.sem_alloc : memref<!tpu.dma_semaphore, #tpu.memory_space<semaphore_mem>>
        %dma_start3A = arith.constant 0 : i32
        %dma_start3A_1023 = tpu.memref_slice %arg5[%run_scoped3A, %dma_start3A] : memref<3x80xi32, #tpu.memory_space<vmem>> -> memref<1x80xi32, #tpu.memory_space<vmem>>
        %dma_start3A_1024 = tpu.memref_squeeze %dma_start3A_1023 : memref<1x80xi32, #tpu.memory_space<vmem>> -> memref<80xi32, #tpu.memory_space<vmem>>
        %dma_start3A_1025 = arith.constant 0 : i32
        %dma_start3A_1026 = arith.constant 0 : i32
        %dma_start3A_1027 = tpu.memref_slice %arg7[%dma_start3A_1025, %dma_start3A_1026] : memref<10240x16xf32, #tpu.memory_space<vmem_shared>> -> memref<10240x16xf32, #tpu.memory_space<vmem_shared>>
        tpu.enqueue_indirect_dma source(%arg6 : memref<80x16xf32, #tpu.memory_space<vmem>>) target(%dma_start3A_1027 : memref<10240x16xf32, #tpu.memory_space<vmem_shared>>) offsets(%dma_start3A_1024 : memref<80xi32, #tpu.memory_space<vmem>>) semaphore(%run_scoped3A_1022 : memref<!tpu.dma_semaphore, #tpu.memory_space<semaphore_mem>>) {add = true}
        %dma_wait3A = arith.constant 0 : i32
        %dma_wait3A_1028 = tpu.memref_slice %arg5[%run_scoped3A, %dma_wait3A] : memref<3x80xi32, #tpu.memory_space<vmem>> -> memref<1x80xi32, #tpu.memory_space<vmem>>
        %dma_wait3A_1029 = tpu.memref_squeeze %dma_wait3A_1028 : memref<1x80xi32, #tpu.memory_space<vmem>> -> memref<80xi32, #tpu.memory_space<vmem>>
        %dma_wait3A_1030 = arith.constant 0 : i32
        %dma_wait3A_1031 = arith.constant 0 : i32
        %dma_wait3A_1032 = tpu.memref_slice %arg7[%dma_wait3A_1030, %dma_wait3A_1031] : memref<10240x16xf32, #tpu.memory_space<vmem_shared>> -> memref<10240x16xf32, #tpu.memory_space<vmem_shared>>
        tpu.wait_indirect_dma semaphore(%run_scoped3A_1022 : memref<!tpu.dma_semaphore, #tpu.memory_space<semaphore_mem>>) src(%arg6 : memref<80x16xf32, #tpu.memory_space<vmem>>) dst(%dma_wait3A_1032 : memref<10240x16xf32, #tpu.memory_space<vmem_shared>>)
        tpu.yield
      }) : () -> ()
      %run_scoped3A_1021 = arith.constant 1 : i32
      "tpu.region"() ({
        %run_scoped3A_1022 = tpu.sem_alloc : memref<!tpu.dma_semaphore, #tpu.memory_space<semaphore_mem>>
        %dma_start3A = arith.constant 0 : i32
        %dma_start3A_1023 = tpu.memref_slice %arg5[%run_scoped3A_1021, %dma_start3A] : memref<3x80xi32, #tpu.memory_space<vmem>> -> memref<1x80xi32, #tpu.memory_space<vmem>>
        %dma_start3A_1024 = tpu.memref_squeeze %dma_start3A_1023 : memref<1x80xi32, #tpu.memory_space<vmem>> -> memref<80xi32, #tpu.memory_space<vmem>>
        %dma_start3A_1025 = arith.constant 0 : i32
        %dma_start3A_1026 = arith.constant 0 : i32
        %dma_start3A_1027 = tpu.memref_slice %arg8[%dma_start3A_1025, %dma_start3A_1026] : memref<10240x16xf32, #tpu.memory_space<vmem_shared>> -> memref<10240x16xf32, #tpu.memory_space<vmem_shared>>
        tpu.enqueue_indirect_dma source(%arg6 : memref<80x16xf32, #tpu.memory_space<vmem>>) target(%dma_start3A_1027 : memref<10240x16xf32, #tpu.memory_space<vmem_shared>>) offsets(%dma_start3A_1024 : memref<80xi32, #tpu.memory_space<vmem>>) semaphore(%run_scoped3A_1022 : memref<!tpu.dma_semaphore, #tpu.memory_space<semaphore_mem>>) {add = true}
        %dma_wait3A = arith.constant 0 : i32
        %dma_wait3A_1028 = tpu.memref_slice %arg5[%run_scoped3A_1021, %dma_wait3A] : memref<3x80xi32, #tpu.memory_space<vmem>> -> memref<1x80xi32, #tpu.memory_space<vmem>>
        %dma_wait3A_1029 = tpu.memref_squeeze %dma_wait3A_1028 : memref<1x80xi32, #tpu.memory_space<vmem>> -> memref<80xi32, #tpu.memory_space<vmem>>
        %dma_wait3A_1030 = arith.constant 0 : i32
        %dma_wait3A_1031 = arith.constant 0 : i32
        %dma_wait3A_1032 = tpu.memref_slice %arg8[%dma_wait3A_1030, %dma_wait3A_1031] : memref<10240x16xf32, #tpu.memory_space<vmem_shared>> -> memref<10240x16xf32, #tpu.memory_space<vmem_shared>>
        tpu.wait_indirect_dma semaphore(%run_scoped3A_1022 : memref<!tpu.dma_semaphore, #tpu.memory_space<semaphore_mem>>) src(%arg6 : memref<80x16xf32, #tpu.memory_space<vmem>>) dst(%dma_wait3A_1032 : memref<10240x16xf32, #tpu.memory_space<vmem_shared>>)
        tpu.yield
      }) : () -> ()
    }
    %scan3A_10 = arith.constant 125 : i32
    %barrier3A_11 = arith.constant 0 : index
    tpu.barrier barrier_id(%barrier3A_11)
    %mul3A_12 = arith.constant 640 : i32
    %mul3A_13 = arith.muli %arg1, %mul3A_12 : i32
    %mul3A_14 = arith.constant 2 : i32
    %mul3A_15 = arith.muli %arg0, %mul3A_14 : i32
    %mul3A_16 = arith.constant 10240 : i32
    %mul3A_17 = arith.muli %mul3A_15, %mul3A_16 : i32
    %mul3A_18 = arith.constant 640 : i32
    %mul3A_19 = arith.muli %arg1, %mul3A_18 : i32
    %add3A_20 = arith.addi %mul3A_17, %mul3A_19 : i32
    "tpu.region"() ({
      %run_scoped3A = tpu.sem_alloc : memref<!tpu.dma_semaphore, #tpu.memory_space<semaphore_mem>>
      %dma_start3A = arith.constant 0 : i32
      %dma_start3A_32 = tpu.memref_slice %arg4[%add3A_20, %dma_start3A] : memref<40960x16xf32, #tpu.memory_space<hbm>> -> memref<640x16xf32, #tpu.memory_space<hbm>>
      %dma_start3A_33 = arith.constant 0 : i32
      %dma_start3A_34 = tpu.memref_slice %arg7[%mul3A_13, %dma_start3A_33] : memref<10240x16xf32, #tpu.memory_space<vmem_shared>> -> memref<640x16xf32, #tpu.memory_space<vmem_shared>>
      tpu.enqueue_dma source(%dma_start3A_34 : memref<640x16xf32, #tpu.memory_space<vmem_shared>>) target(%dma_start3A_32 : memref<640x16xf32, #tpu.memory_space<hbm>>) target_semaphore(%run_scoped3A : memref<!tpu.dma_semaphore, #tpu.memory_space<semaphore_mem>>)
      %dma_wait3A = arith.constant 0 : i32
      %dma_wait3A_35 = tpu.memref_slice %arg4[%add3A_20, %dma_wait3A] : memref<40960x16xf32, #tpu.memory_space<hbm>> -> memref<640x16xf32, #tpu.memory_space<hbm>>
      %dma_wait3A_36 = arith.constant 0 : i32
      %dma_wait3A_37 = tpu.memref_slice %arg7[%mul3A_13, %dma_wait3A_36] : memref<10240x16xf32, #tpu.memory_space<vmem_shared>> -> memref<640x16xf32, #tpu.memory_space<vmem_shared>>
      tpu.wait_dma2 semaphore(%run_scoped3A : memref<!tpu.dma_semaphore, #tpu.memory_space<semaphore_mem>>) src(%dma_wait3A_37 : memref<640x16xf32, #tpu.memory_space<vmem_shared>>) dst(%dma_wait3A_35 : memref<640x16xf32, #tpu.memory_space<hbm>>)
      tpu.yield
    }) : () -> ()
    %mul3A_21 = arith.constant 640 : i32
    %mul3A_22 = arith.muli %arg1, %mul3A_21 : i32
    %mul3A_23 = arith.constant 2 : i32
    %mul3A_24 = arith.muli %arg0, %mul3A_23 : i32
    %add3A_25 = arith.constant 1 : i32
    %add3A_26 = arith.addi %mul3A_24, %add3A_25 : i32
    %mul3A_27 = arith.constant 10240 : i32
    %mul3A_28 = arith.muli %add3A_26, %mul3A_27 : i32
    %mul3A_29 = arith.constant 640 : i32
    %mul3A_30 = arith.muli %arg1, %mul3A_29 : i32
    %add3A_31 = arith.addi %mul3A_28, %mul3A_30 : i32
    "tpu.region"() ({
      %run_scoped3A = tpu.sem_alloc : memref<!tpu.dma_semaphore, #tpu.memory_space<semaphore_mem>>
      %dma_start3A = arith.constant 0 : i32
      %dma_start3A_32 = tpu.memref_slice %arg4[%add3A_31, %dma_start3A] : memref<40960x16xf32, #tpu.memory_space<hbm>> -> memref<640x16xf32, #tpu.memory_space<hbm>>
      %dma_start3A_33 = arith.constant 0 : i32
      %dma_start3A_34 = tpu.memref_slice %arg8[%mul3A_22, %dma_start3A_33] : memref<10240x16xf32, #tpu.memory_space<vmem_shared>> -> memref<640x16xf32, #tpu.memory_space<vmem_shared>>
      tpu.enqueue_dma source(%dma_start3A_34 : memref<640x16xf32, #tpu.memory_space<vmem_shared>>) target(%dma_start3A_32 : memref<640x16xf32, #tpu.memory_space<hbm>>) target_semaphore(%run_scoped3A : memref<!tpu.dma_semaphore, #tpu.memory_space<semaphore_mem>>)
      %dma_wait3A = arith.constant 0 : i32
      %dma_wait3A_35 = tpu.memref_slice %arg4[%add3A_31, %dma_wait3A] : memref<40960x16xf32, #tpu.memory_space<hbm>> -> memref<640x16xf32, #tpu.memory_space<hbm>>
      %dma_wait3A_36 = arith.constant 0 : i32
      %dma_wait3A_37 = tpu.memref_slice %arg8[%mul3A_22, %dma_wait3A_36] : memref<10240x16xf32, #tpu.memory_space<vmem_shared>> -> memref<640x16xf32, #tpu.memory_space<vmem_shared>>
      tpu.wait_dma2 semaphore(%run_scoped3A : memref<!tpu.dma_semaphore, #tpu.memory_space<semaphore_mem>>) src(%dma_wait3A_37 : memref<640x16xf32, #tpu.memory_space<vmem_shared>>) dst(%dma_wait3A_35 : memref<640x16xf32, #tpu.memory_space<hbm>>)
      tpu.yield
    }) : () -> ()
    return
  }
}

#map = affine_map<(d0, d1) -> (0, 0)>
#map1 = affine_map<(d0, d1) -> (0, 0, 0)>
module attributes {stable_mosaic.version = 14 : i64} {
  func.func @_hop_kernel(%arg0: i32, %arg1: i32, %arg2: memref<20000x128xf32, #tpu.memory_space<hbm>>, %arg3: memref<8000x2x80xi32, #tpu.memory_space<hbm>>, %arg4: memref<640x128xf32, #tpu.memory_space<hbm>>, %arg5: memref<2x10240x128xf32, #tpu.memory_space<hbm>>, %arg6: memref<50x2x80xi32, #tpu.memory_space<vmem>>, %arg7: memref<80x128xf32, #tpu.memory_space<vmem>>, %arg8: memref<80x128xf32, #tpu.memory_space<vmem>>, %arg9: memref<10240x128xf32, #tpu.memory_space<vmem_shared>>, %arg10: memref<!tpu.dma_semaphore, #tpu.memory_space<semaphore_mem>>, %arg11: memref<!tpu.dma_semaphore, #tpu.memory_space<semaphore_mem>>, %arg12: memref<!tpu.dma_semaphore, #tpu.memory_space<semaphore_mem>>, %arg13: memref<!tpu.dma_semaphore, #tpu.memory_space<semaphore_mem>>) attributes {dimension_semantics = [#tpu.dimension_semantics<core_parallel>, #tpu.dimension_semantics<subcore_parallel>], iteration_bounds = array<i64: 2, 16>, scalar_prefetch = 0 : i64, scratch_operands = 8 : i64, tpu.core_type = #tpu.core_type<sc_vector_subcore>, window_params = [{transform_indices = #map}, {transform_indices = #map1}, {transform_indices = #map}, {transform_indices = #map1}]} {
    %mul3A = arith.constant 640 : i32
    %mul3A_0 = arith.muli %arg1, %mul3A : i32
    "tpu.region"() ({
      %run_scoped3A = tpu.sem_alloc : memref<!tpu.dma_semaphore, #tpu.memory_space<semaphore_mem>>
      %dma_start3A = arith.constant 0 : i32
      %dma_start3A_14 = tpu.memref_slice %arg9[%mul3A_0, %dma_start3A] : memref<10240x128xf32, #tpu.memory_space<vmem_shared>> -> memref<640x128xf32, #tpu.memory_space<vmem_shared>>
      tpu.enqueue_dma source(%arg4 : memref<640x128xf32, #tpu.memory_space<hbm>>) target(%dma_start3A_14 : memref<640x128xf32, #tpu.memory_space<vmem_shared>>) target_semaphore(%run_scoped3A : memref<!tpu.dma_semaphore, #tpu.memory_space<semaphore_mem>>)
      %dma_wait3A = arith.constant 0 : i32
      %dma_wait3A_15 = tpu.memref_slice %arg9[%mul3A_0, %dma_wait3A] : memref<10240x128xf32, #tpu.memory_space<vmem_shared>> -> memref<640x128xf32, #tpu.memory_space<vmem_shared>>
      tpu.wait_dma2 semaphore(%run_scoped3A : memref<!tpu.dma_semaphore, #tpu.memory_space<semaphore_mem>>) src(%arg4 : memref<640x128xf32, #tpu.memory_space<hbm>>) dst(%dma_wait3A_15 : memref<640x128xf32, #tpu.memory_space<vmem_shared>>)
      tpu.yield
    }) : () -> ()
    %barrier3A = arith.constant 0 : index
    tpu.barrier barrier_id(%barrier3A)
    %mul3A_1 = arith.constant 4000 : i32
    %mul3A_2 = arith.muli %arg0, %mul3A_1 : i32
    %mul3A_3 = arith.constant 250 : i32
    %mul3A_4 = arith.muli %arg1, %mul3A_3 : i32
    %add3A = arith.addi %mul3A_2, %mul3A_4 : i32
    %scan3A = arith.constant 0 : i32
    %scan3A_5 = arith.constant 5 : i32
    %scan3A_6 = arith.addi %scan3A, %scan3A_5 : i32
    %scan3A_7 = arith.constant 1 : i32
    scf.for %scan3A_14 = %scan3A to %scan3A_6 step %scan3A_7  : i32 {
      %mul3A_15 = arith.constant 1 : i32
      %mul3A_16 = arith.muli %scan3A_14, %mul3A_15 : i32
      %add3A_17 = arith.constant 0 : i32
      %add3A_18 = arith.addi %add3A_17, %mul3A_16 : i32
      %mul3A_19 = arith.constant 50 : i32
      %mul3A_20 = arith.muli %add3A_18, %mul3A_19 : i32
      %add3A_21 = arith.addi %add3A, %mul3A_20 : i32
      "tpu.region"() ({
        %run_scoped3A = tpu.sem_alloc : memref<!tpu.dma_semaphore, #tpu.memory_space<semaphore_mem>>
        %dma_start3A_89 = arith.constant 0 : i32
        %dma_start3A_90 = arith.constant 0 : i32
        %dma_start3A_91 = tpu.memref_slice %arg3[%add3A_21, %dma_start3A_89, %dma_start3A_90] : memref<8000x2x80xi32, #tpu.memory_space<hbm>> -> memref<50x2x80xi32, #tpu.memory_space<hbm>>
        %dma_start3A_92 = arith.constant 0 : i32
        %dma_start3A_93 = arith.constant 0 : i32
        %dma_start3A_94 = tpu.memref_slice %arg3[%add3A_21, %dma_start3A_92, %dma_start3A_93] : memref<8000x2x80xi32, #tpu.memory_space<hbm>> -> memref<50x2x80xi32, #tpu.memory_space<hbm>>
        tpu.enqueue_dma source(%dma_start3A_94 : memref<50x2x80xi32, #tpu.memory_space<hbm>>) target(%arg6 : memref<50x2x80xi32, #tpu.memory_space<vmem>>) target_semaphore(%run_scoped3A : memref<!tpu.dma_semaphore, #tpu.memory_space<semaphore_mem>>)
        %dma_wait3A_95 = arith.constant 0 : i32
        %dma_wait3A_96 = arith.constant 0 : i32
        %dma_wait3A_97 = tpu.memref_slice %arg3[%add3A_21, %dma_wait3A_95, %dma_wait3A_96] : memref<8000x2x80xi32, #tpu.memory_space<hbm>> -> memref<50x2x80xi32, #tpu.memory_space<hbm>>
        %dma_wait3A_98 = arith.constant 0 : i32
        %dma_wait3A_99 = arith.constant 0 : i32
        %dma_wait3A_100 = tpu.memref_slice %arg3[%add3A_21, %dma_wait3A_98, %dma_wait3A_99] : memref<8000x2x80xi32, #tpu.memory_space<hbm>> -> memref<50x2x80xi32, #tpu.memory_space<hbm>>
        tpu.wait_dma2 semaphore(%run_scoped3A : memref<!tpu.dma_semaphore, #tpu.memory_space<semaphore_mem>>) src(%dma_wait3A_100 : memref<50x2x80xi32, #tpu.memory_space<hbm>>) dst(%arg6 : memref<50x2x80xi32, #tpu.memory_space<vmem>>)
        tpu.yield
      }) : () -> ()
      %dma_start3A = arith.constant 0 : i32
      %dma_start3A_22 = arith.constant 0 : i32
      %dma_start3A_23 = arith.constant 0 : i32
      %dma_start3A_24 = tpu.memref_slice %arg6[%dma_start3A, %dma_start3A_22, %dma_start3A_23] : memref<50x2x80xi32, #tpu.memory_space<vmem>> -> memref<1x1x80xi32, #tpu.memory_space<vmem>>
      %dma_start3A_25 = tpu.memref_squeeze %dma_start3A_24 : memref<1x1x80xi32, #tpu.memory_space<vmem>> -> memref<80xi32, #tpu.memory_space<vmem>>
      %dma_start3A_26 = arith.constant 0 : i32
      %dma_start3A_27 = arith.constant 0 : i32
      %dma_start3A_28 = tpu.memref_slice %arg2[%dma_start3A_26, %dma_start3A_27] : memref<20000x128xf32, #tpu.memory_space<hbm>> -> memref<20000x128xf32, #tpu.memory_space<hbm>>
      tpu.enqueue_indirect_dma source(%dma_start3A_28 : memref<20000x128xf32, #tpu.memory_space<hbm>>) target(%arg7 : memref<80x128xf32, #tpu.memory_space<vmem>>) offsets(%dma_start3A_25 : memref<80xi32, #tpu.memory_space<vmem>>) semaphore(%arg10 : memref<!tpu.dma_semaphore, #tpu.memory_space<semaphore_mem>>)
      %dma_start3A_29 = arith.constant 1 : i32
      %dma_start3A_30 = arith.constant 0 : i32
      %dma_start3A_31 = arith.constant 0 : i32
      %dma_start3A_32 = tpu.memref_slice %arg6[%dma_start3A_29, %dma_start3A_30, %dma_start3A_31] : memref<50x2x80xi32, #tpu.memory_space<vmem>> -> memref<1x1x80xi32, #tpu.memory_space<vmem>>
      %dma_start3A_33 = tpu.memref_squeeze %dma_start3A_32 : memref<1x1x80xi32, #tpu.memory_space<vmem>> -> memref<80xi32, #tpu.memory_space<vmem>>
      %dma_start3A_34 = arith.constant 0 : i32
      %dma_start3A_35 = arith.constant 0 : i32
      %dma_start3A_36 = tpu.memref_slice %arg2[%dma_start3A_34, %dma_start3A_35] : memref<20000x128xf32, #tpu.memory_space<hbm>> -> memref<20000x128xf32, #tpu.memory_space<hbm>>
      tpu.enqueue_indirect_dma source(%dma_start3A_36 : memref<20000x128xf32, #tpu.memory_space<hbm>>) target(%arg8 : memref<80x128xf32, #tpu.memory_space<vmem>>) offsets(%dma_start3A_33 : memref<80xi32, #tpu.memory_space<vmem>>) semaphore(%arg11 : memref<!tpu.dma_semaphore, #tpu.memory_space<semaphore_mem>>)
      %dma_wait3A = arith.constant 0 : i32
      %dma_wait3A_37 = arith.constant 0 : i32
      %dma_wait3A_38 = arith.constant 0 : i32
      %dma_wait3A_39 = tpu.memref_slice %arg6[%dma_wait3A, %dma_wait3A_37, %dma_wait3A_38] : memref<50x2x80xi32, #tpu.memory_space<vmem>> -> memref<1x1x80xi32, #tpu.memory_space<vmem>>
      %dma_wait3A_40 = tpu.memref_squeeze %dma_wait3A_39 : memref<1x1x80xi32, #tpu.memory_space<vmem>> -> memref<80xi32, #tpu.memory_space<vmem>>
      %dma_wait3A_41 = arith.constant 0 : i32
      %dma_wait3A_42 = arith.constant 0 : i32
      %dma_wait3A_43 = tpu.memref_slice %arg2[%dma_wait3A_41, %dma_wait3A_42] : memref<20000x128xf32, #tpu.memory_space<hbm>> -> memref<20000x128xf32, #tpu.memory_space<hbm>>
      tpu.wait_indirect_dma semaphore(%arg10 : memref<!tpu.dma_semaphore, #tpu.memory_space<semaphore_mem>>) src(%dma_wait3A_43 : memref<20000x128xf32, #tpu.memory_space<hbm>>) dst(%arg7 : memref<80x128xf32, #tpu.memory_space<vmem>>)
      %dma_start3A_44 = arith.constant 0 : i32
      %dma_start3A_45 = arith.constant 1 : i32
      %dma_start3A_46 = arith.constant 0 : i32
      %dma_start3A_47 = tpu.memref_slice %arg6[%dma_start3A_44, %dma_start3A_45, %dma_start3A_46] : memref<50x2x80xi32, #tpu.memory_space<vmem>> -> memref<1x1x80xi32, #tpu.memory_space<vmem>>
      %dma_start3A_48 = tpu.memref_squeeze %dma_start3A_47 : memref<1x1x80xi32, #tpu.memory_space<vmem>> -> memref<80xi32, #tpu.memory_space<vmem>>
      %dma_start3A_49 = arith.constant 0 : i32
      %dma_start3A_50 = arith.constant 0 : i32
      %dma_start3A_51 = tpu.memref_slice %arg9[%dma_start3A_49, %dma_start3A_50] : memref<10240x128xf32, #tpu.memory_space<vmem_shared>> -> memref<10240x128xf32, #tpu.memory_space<vmem_shared>>
      tpu.enqueue_indirect_dma source(%arg7 : memref<80x128xf32, #tpu.memory_space<vmem>>) target(%dma_start3A_51 : memref<10240x128xf32, #tpu.memory_space<vmem_shared>>) offsets(%dma_start3A_48 : memref<80xi32, #tpu.memory_space<vmem>>) semaphore(%arg12 : memref<!tpu.dma_semaphore, #tpu.memory_space<semaphore_mem>>) {add = true}
      %scan3A_52 = arith.constant 0 : i32
      %scan3A_53 = arith.constant 24 : i32
      %scan3A_54 = arith.addi %scan3A_52, %scan3A_53 : i32
      %scan3A_55 = arith.constant 1 : i32
      scf.for %scan3A_89 = %scan3A_52 to %scan3A_54 step %scan3A_55  : i32 {
        %mul3A_90 = arith.constant 1 : i32
        %mul3A_91 = arith.muli %scan3A_89, %mul3A_90 : i32
        %add3A_92 = arith.constant 0 : i32
        %add3A_93 = arith.addi %add3A_92, %mul3A_91 : i32
        %mul3A_94 = arith.constant 2 : i32
        %mul3A_95 = arith.muli %mul3A_94, %add3A_93 : i32
        %add3A_96 = arith.constant 2 : i32
        %add3A_97 = arith.addi %mul3A_95, %add3A_96 : i32
        %add3A_98 = arith.constant 0 : i32
        %add3A_99 = arith.addi %add3A_97, %add3A_98 : i32
        %dma_wait3A_100 = arith.constant 0 : i32
        %dma_wait3A_101 = arith.constant 1 : i32
        %dma_wait3A_102 = arith.constant 0 : i32
        %dma_wait3A_103 = tpu.memref_slice %arg6[%dma_wait3A_100, %dma_wait3A_101, %dma_wait3A_102] : memref<50x2x80xi32, #tpu.memory_space<vmem>> -> memref<1x1x80xi32, #tpu.memory_space<vmem>>
        %dma_wait3A_104 = tpu.memref_squeeze %dma_wait3A_103 : memref<1x1x80xi32, #tpu.memory_space<vmem>> -> memref<80xi32, #tpu.memory_space<vmem>>
        %dma_wait3A_105 = arith.constant 0 : i32
        %dma_wait3A_106 = arith.constant 0 : i32
        %dma_wait3A_107 = tpu.memref_slice %arg9[%dma_wait3A_105, %dma_wait3A_106] : memref<10240x128xf32, #tpu.memory_space<vmem_shared>> -> memref<10240x128xf32, #tpu.memory_space<vmem_shared>>
        tpu.wait_indirect_dma semaphore(%arg12 : memref<!tpu.dma_semaphore, #tpu.memory_space<semaphore_mem>>) src(%arg7 : memref<80x128xf32, #tpu.memory_space<vmem>>) dst(%dma_wait3A_107 : memref<10240x128xf32, #tpu.memory_space<vmem_shared>>)
        %dma_start3A_108 = arith.constant 0 : i32
        %dma_start3A_109 = arith.constant 0 : i32
        %dma_start3A_110 = tpu.memref_slice %arg6[%add3A_99, %dma_start3A_108, %dma_start3A_109] : memref<50x2x80xi32, #tpu.memory_space<vmem>> -> memref<1x1x80xi32, #tpu.memory_space<vmem>>
        %dma_start3A_111 = tpu.memref_squeeze %dma_start3A_110 : memref<1x1x80xi32, #tpu.memory_space<vmem>> -> memref<80xi32, #tpu.memory_space<vmem>>
        %dma_start3A_112 = arith.constant 0 : i32
        %dma_start3A_113 = arith.constant 0 : i32
        %dma_start3A_114 = tpu.memref_slice %arg2[%dma_start3A_112, %dma_start3A_113] : memref<20000x128xf32, #tpu.memory_space<hbm>> -> memref<20000x128xf32, #tpu.memory_space<hbm>>
        tpu.enqueue_indirect_dma source(%dma_start3A_114 : memref<20000x128xf32, #tpu.memory_space<hbm>>) target(%arg7 : memref<80x128xf32, #tpu.memory_space<vmem>>) offsets(%dma_start3A_111 : memref<80xi32, #tpu.memory_space<vmem>>) semaphore(%arg10 : memref<!tpu.dma_semaphore, #tpu.memory_space<semaphore_mem>>)
        %dma_wait3A_115 = arith.constant 0 : i32
        %dma_wait3A_116 = arith.constant 0 : i32
        %dma_wait3A_117 = arith.constant 0 : i32
        %dma_wait3A_118 = tpu.memref_slice %arg6[%dma_wait3A_115, %dma_wait3A_116, %dma_wait3A_117] : memref<50x2x80xi32, #tpu.memory_space<vmem>> -> memref<1x1x80xi32, #tpu.memory_space<vmem>>
        %dma_wait3A_119 = tpu.memref_squeeze %dma_wait3A_118 : memref<1x1x80xi32, #tpu.memory_space<vmem>> -> memref<80xi32, #tpu.memory_space<vmem>>
        %dma_wait3A_120 = arith.constant 0 : i32
        %dma_wait3A_121 = arith.constant 0 : i32
        %dma_wait3A_122 = tpu.memref_slice %arg2[%dma_wait3A_120, %dma_wait3A_121] : memref<20000x128xf32, #tpu.memory_space<hbm>> -> memref<20000x128xf32, #tpu.memory_space<hbm>>
        tpu.wait_indirect_dma semaphore(%arg11 : memref<!tpu.dma_semaphore, #tpu.memory_space<semaphore_mem>>) src(%dma_wait3A_122 : memref<20000x128xf32, #tpu.memory_space<hbm>>) dst(%arg8 : memref<80x128xf32, #tpu.memory_space<vmem>>)
        %sub3A = arith.constant 1 : i32
        %sub3A_123 = arith.subi %add3A_99, %sub3A : i32
        %dma_start3A_124 = arith.constant 1 : i32
        %dma_start3A_125 = arith.constant 0 : i32
        %dma_start3A_126 = tpu.memref_slice %arg6[%sub3A_123, %dma_start3A_124, %dma_start3A_125] : memref<50x2x80xi32, #tpu.memory_space<vmem>> -> memref<1x1x80xi32, #tpu.memory_space<vmem>>
        %dma_start3A_127 = tpu.memref_squeeze %dma_start3A_126 : memref<1x1x80xi32, #tpu.memory_space<vmem>> -> memref<80xi32, #tpu.memory_space<vmem>>
        %dma_start3A_128 = arith.constant 0 : i32
        %dma_start3A_129 = arith.constant 0 : i32
        %dma_start3A_130 = tpu.memref_slice %arg9[%dma_start3A_128, %dma_start3A_129] : memref<10240x128xf32, #tpu.memory_space<vmem_shared>> -> memref<10240x128xf32, #tpu.memory_space<vmem_shared>>
        tpu.enqueue_indirect_dma source(%arg8 : memref<80x128xf32, #tpu.memory_space<vmem>>) target(%dma_start3A_130 : memref<10240x128xf32, #tpu.memory_space<vmem_shared>>) offsets(%dma_start3A_127 : memref<80xi32, #tpu.memory_space<vmem>>) semaphore(%arg13 : memref<!tpu.dma_semaphore, #tpu.memory_space<semaphore_mem>>) {add = true}
        %add3A_131 = arith.constant 1 : i32
        %add3A_132 = arith.addi %add3A_97, %add3A_131 : i32
        %dma_wait3A_133 = arith.constant 0 : i32
        %dma_wait3A_134 = arith.constant 1 : i32
        %dma_wait3A_135 = arith.constant 0 : i32
        %dma_wait3A_136 = tpu.memref_slice %arg6[%dma_wait3A_133, %dma_wait3A_134, %dma_wait3A_135] : memref<50x2x80xi32, #tpu.memory_space<vmem>> -> memref<1x1x80xi32, #tpu.memory_space<vmem>>
        %dma_wait3A_137 = tpu.memref_squeeze %dma_wait3A_136 : memref<1x1x80xi32, #tpu.memory_space<vmem>> -> memref<80xi32, #tpu.memory_space<vmem>>
        %dma_wait3A_138 = arith.constant 0 : i32
        %dma_wait3A_139 = arith.constant 0 : i32
        %dma_wait3A_140 = tpu.memref_slice %arg9[%dma_wait3A_138, %dma_wait3A_139] : memref<10240x128xf32, #tpu.memory_space<vmem_shared>> -> memref<10240x128xf32, #tpu.memory_space<vmem_shared>>
        tpu.wait_indirect_dma semaphore(%arg13 : memref<!tpu.dma_semaphore, #tpu.memory_space<semaphore_mem>>) src(%arg8 : memref<80x128xf32, #tpu.memory_space<vmem>>) dst(%dma_wait3A_140 : memref<10240x128xf32, #tpu.memory_space<vmem_shared>>)
        %dma_start3A_141 = arith.constant 0 : i32
        %dma_start3A_142 = arith.constant 0 : i32
        %dma_start3A_143 = tpu.memref_slice %arg6[%add3A_132, %dma_start3A_141, %dma_start3A_142] : memref<50x2x80xi32, #tpu.memory_space<vmem>> -> memref<1x1x80xi32, #tpu.memory_space<vmem>>
        %dma_start3A_144 = tpu.memref_squeeze %dma_start3A_143 : memref<1x1x80xi32, #tpu.memory_space<vmem>> -> memref<80xi32, #tpu.memory_space<vmem>>
        %dma_start3A_145 = arith.constant 0 : i32
        %dma_start3A_146 = arith.constant 0 : i32
        %dma_start3A_147 = tpu.memref_slice %arg2[%dma_start3A_145, %dma_start3A_146] : memref<20000x128xf32, #tpu.memory_space<hbm>> -> memref<20000x128xf32, #tpu.memory_space<hbm>>
        tpu.enqueue_indirect_dma source(%dma_start3A_147 : memref<20000x128xf32, #tpu.memory_space<hbm>>) target(%arg8 : memref<80x128xf32, #tpu.memory_space<vmem>>) offsets(%dma_start3A_144 : memref<80xi32, #tpu.memory_space<vmem>>) semaphore(%arg11 : memref<!tpu.dma_semaphore, #tpu.memory_space<semaphore_mem>>)
        %dma_wait3A_148 = arith.constant 0 : i32
        %dma_wait3A_149 = arith.constant 0 : i32
        %dma_wait3A_150 = arith.constant 0 : i32
        %dma_wait3A_151 = tpu.memref_slice %arg6[%dma_wait3A_148, %dma_wait3A_149, %dma_wait3A_150] : memref<50x2x80xi32, #tpu.memory_space<vmem>> -> memref<1x1x80xi32, #tpu.memory_space<vmem>>
        %dma_wait3A_152 = tpu.memref_squeeze %dma_wait3A_151 : memref<1x1x80xi32, #tpu.memory_space<vmem>> -> memref<80xi32, #tpu.memory_space<vmem>>
        %dma_wait3A_153 = arith.constant 0 : i32
        %dma_wait3A_154 = arith.constant 0 : i32
        %dma_wait3A_155 = tpu.memref_slice %arg2[%dma_wait3A_153, %dma_wait3A_154] : memref<20000x128xf32, #tpu.memory_space<hbm>> -> memref<20000x128xf32, #tpu.memory_space<hbm>>
        tpu.wait_indirect_dma semaphore(%arg10 : memref<!tpu.dma_semaphore, #tpu.memory_space<semaphore_mem>>) src(%dma_wait3A_155 : memref<20000x128xf32, #tpu.memory_space<hbm>>) dst(%arg7 : memref<80x128xf32, #tpu.memory_space<vmem>>)
        %sub3A_156 = arith.constant 1 : i32
        %sub3A_157 = arith.subi %add3A_132, %sub3A_156 : i32
        %dma_start3A_158 = arith.constant 1 : i32
        %dma_start3A_159 = arith.constant 0 : i32
        %dma_start3A_160 = tpu.memref_slice %arg6[%sub3A_157, %dma_start3A_158, %dma_start3A_159] : memref<50x2x80xi32, #tpu.memory_space<vmem>> -> memref<1x1x80xi32, #tpu.memory_space<vmem>>
        %dma_start3A_161 = tpu.memref_squeeze %dma_start3A_160 : memref<1x1x80xi32, #tpu.memory_space<vmem>> -> memref<80xi32, #tpu.memory_space<vmem>>
        %dma_start3A_162 = arith.constant 0 : i32
        %dma_start3A_163 = arith.constant 0 : i32
        %dma_start3A_164 = tpu.memref_slice %arg9[%dma_start3A_162, %dma_start3A_163] : memref<10240x128xf32, #tpu.memory_space<vmem_shared>> -> memref<10240x128xf32, #tpu.memory_space<vmem_shared>>
        tpu.enqueue_indirect_dma source(%arg7 : memref<80x128xf32, #tpu.memory_space<vmem>>) target(%dma_start3A_164 : memref<10240x128xf32, #tpu.memory_space<vmem_shared>>) offsets(%dma_start3A_161 : memref<80xi32, #tpu.memory_space<vmem>>) semaphore(%arg12 : memref<!tpu.dma_semaphore, #tpu.memory_space<semaphore_mem>>) {add = true}
      }
      %scan3A_56 = arith.constant 24 : i32
      %dma_wait3A_57 = arith.constant 0 : i32
      %dma_wait3A_58 = arith.constant 0 : i32
      %dma_wait3A_59 = arith.constant 0 : i32
      %dma_wait3A_60 = tpu.memref_slice %arg6[%dma_wait3A_57, %dma_wait3A_58, %dma_wait3A_59] : memref<50x2x80xi32, #tpu.memory_space<vmem>> -> memref<1x1x80xi32, #tpu.memory_space<vmem>>
      %dma_wait3A_61 = tpu.memref_squeeze %dma_wait3A_60 : memref<1x1x80xi32, #tpu.memory_space<vmem>> -> memref<80xi32, #tpu.memory_space<vmem>>
      %dma_wait3A_62 = arith.constant 0 : i32
      %dma_wait3A_63 = arith.constant 0 : i32
      %dma_wait3A_64 = tpu.memref_slice %arg2[%dma_wait3A_62, %dma_wait3A_63] : memref<20000x128xf32, #tpu.memory_space<hbm>> -> memref<20000x128xf32, #tpu.memory_space<hbm>>
      tpu.wait_indirect_dma semaphore(%arg11 : memref<!tpu.dma_semaphore, #tpu.memory_space<semaphore_mem>>) src(%dma_wait3A_64 : memref<20000x128xf32, #tpu.memory_space<hbm>>) dst(%arg8 : memref<80x128xf32, #tpu.memory_space<vmem>>)
      %dma_start3A_65 = arith.constant 49 : i32
      %dma_start3A_66 = arith.constant 1 : i32
      %dma_start3A_67 = arith.constant 0 : i32
      %dma_start3A_68 = tpu.memref_slice %arg6[%dma_start3A_65, %dma_start3A_66, %dma_start3A_67] : memref<50x2x80xi32, #tpu.memory_space<vmem>> -> memref<1x1x80xi32, #tpu.memory_space<vmem>>
      %dma_start3A_69 = tpu.memref_squeeze %dma_start3A_68 : memref<1x1x80xi32, #tpu.memory_space<vmem>> -> memref<80xi32, #tpu.memory_space<vmem>>
      %dma_start3A_70 = arith.constant 0 : i32
      %dma_start3A_71 = arith.constant 0 : i32
      %dma_start3A_72 = tpu.memref_slice %arg9[%dma_start3A_70, %dma_start3A_71] : memref<10240x128xf32, #tpu.memory_space<vmem_shared>> -> memref<10240x128xf32, #tpu.memory_space<vmem_shared>>
      tpu.enqueue_indirect_dma source(%arg8 : memref<80x128xf32, #tpu.memory_space<vmem>>) target(%dma_start3A_72 : memref<10240x128xf32, #tpu.memory_space<vmem_shared>>) offsets(%dma_start3A_69 : memref<80xi32, #tpu.memory_space<vmem>>) semaphore(%arg13 : memref<!tpu.dma_semaphore, #tpu.memory_space<semaphore_mem>>) {add = true}
      %dma_wait3A_73 = arith.constant 0 : i32
      %dma_wait3A_74 = arith.constant 1 : i32
      %dma_wait3A_75 = arith.constant 0 : i32
      %dma_wait3A_76 = tpu.memref_slice %arg6[%dma_wait3A_73, %dma_wait3A_74, %dma_wait3A_75] : memref<50x2x80xi32, #tpu.memory_space<vmem>> -> memref<1x1x80xi32, #tpu.memory_space<vmem>>
      %dma_wait3A_77 = tpu.memref_squeeze %dma_wait3A_76 : memref<1x1x80xi32, #tpu.memory_space<vmem>> -> memref<80xi32, #tpu.memory_space<vmem>>
      %dma_wait3A_78 = arith.constant 0 : i32
      %dma_wait3A_79 = arith.constant 0 : i32
      %dma_wait3A_80 = tpu.memref_slice %arg9[%dma_wait3A_78, %dma_wait3A_79] : memref<10240x128xf32, #tpu.memory_space<vmem_shared>> -> memref<10240x128xf32, #tpu.memory_space<vmem_shared>>
      tpu.wait_indirect_dma semaphore(%arg12 : memref<!tpu.dma_semaphore, #tpu.memory_space<semaphore_mem>>) src(%arg7 : memref<80x128xf32, #tpu.memory_space<vmem>>) dst(%dma_wait3A_80 : memref<10240x128xf32, #tpu.memory_space<vmem_shared>>)
      %dma_wait3A_81 = arith.constant 0 : i32
      %dma_wait3A_82 = arith.constant 1 : i32
      %dma_wait3A_83 = arith.constant 0 : i32
      %dma_wait3A_84 = tpu.memref_slice %arg6[%dma_wait3A_81, %dma_wait3A_82, %dma_wait3A_83] : memref<50x2x80xi32, #tpu.memory_space<vmem>> -> memref<1x1x80xi32, #tpu.memory_space<vmem>>
      %dma_wait3A_85 = tpu.memref_squeeze %dma_wait3A_84 : memref<1x1x80xi32, #tpu.memory_space<vmem>> -> memref<80xi32, #tpu.memory_space<vmem>>
      %dma_wait3A_86 = arith.constant 0 : i32
      %dma_wait3A_87 = arith.constant 0 : i32
      %dma_wait3A_88 = tpu.memref_slice %arg9[%dma_wait3A_86, %dma_wait3A_87] : memref<10240x128xf32, #tpu.memory_space<vmem_shared>> -> memref<10240x128xf32, #tpu.memory_space<vmem_shared>>
      tpu.wait_indirect_dma semaphore(%arg13 : memref<!tpu.dma_semaphore, #tpu.memory_space<semaphore_mem>>) src(%arg8 : memref<80x128xf32, #tpu.memory_space<vmem>>) dst(%dma_wait3A_88 : memref<10240x128xf32, #tpu.memory_space<vmem_shared>>)
    }
    %scan3A_8 = arith.constant 5 : i32
    %barrier3A_9 = arith.constant 0 : index
    tpu.barrier barrier_id(%barrier3A_9)
    %mul3A_10 = arith.constant 640 : i32
    %mul3A_11 = arith.muli %arg1, %mul3A_10 : i32
    %mul3A_12 = arith.constant 640 : i32
    %mul3A_13 = arith.muli %arg1, %mul3A_12 : i32
    "tpu.region"() ({
      %run_scoped3A = tpu.sem_alloc : memref<!tpu.dma_semaphore, #tpu.memory_space<semaphore_mem>>
      %dma_start3A = arith.constant 0 : i32
      %dma_start3A_14 = tpu.memref_slice %arg5[%arg0, %mul3A_13, %dma_start3A] : memref<2x10240x128xf32, #tpu.memory_space<hbm>> -> memref<1x640x128xf32, #tpu.memory_space<hbm>>
      %dma_start3A_15 = tpu.memref_squeeze %dma_start3A_14 : memref<1x640x128xf32, #tpu.memory_space<hbm>> -> memref<640x128xf32, #tpu.memory_space<hbm>>
      %dma_start3A_16 = arith.constant 0 : i32
      %dma_start3A_17 = tpu.memref_slice %arg9[%mul3A_11, %dma_start3A_16] : memref<10240x128xf32, #tpu.memory_space<vmem_shared>> -> memref<640x128xf32, #tpu.memory_space<vmem_shared>>
      tpu.enqueue_dma source(%dma_start3A_17 : memref<640x128xf32, #tpu.memory_space<vmem_shared>>) target(%dma_start3A_15 : memref<640x128xf32, #tpu.memory_space<hbm>>) target_semaphore(%run_scoped3A : memref<!tpu.dma_semaphore, #tpu.memory_space<semaphore_mem>>)
      %dma_wait3A = arith.constant 0 : i32
      %dma_wait3A_18 = tpu.memref_slice %arg5[%arg0, %mul3A_13, %dma_wait3A] : memref<2x10240x128xf32, #tpu.memory_space<hbm>> -> memref<1x640x128xf32, #tpu.memory_space<hbm>>
      %dma_wait3A_19 = tpu.memref_squeeze %dma_wait3A_18 : memref<1x640x128xf32, #tpu.memory_space<hbm>> -> memref<640x128xf32, #tpu.memory_space<hbm>>
      %dma_wait3A_20 = arith.constant 0 : i32
      %dma_wait3A_21 = tpu.memref_slice %arg9[%mul3A_11, %dma_wait3A_20] : memref<10240x128xf32, #tpu.memory_space<vmem_shared>> -> memref<640x128xf32, #tpu.memory_space<vmem_shared>>
      tpu.wait_dma2 semaphore(%run_scoped3A : memref<!tpu.dma_semaphore, #tpu.memory_space<semaphore_mem>>) src(%dma_wait3A_21 : memref<640x128xf32, #tpu.memory_space<vmem_shared>>) dst(%dma_wait3A_19 : memref<640x128xf32, #tpu.memory_space<hbm>>)
      tpu.yield
    }) : () -> ()
    return
  }
}

#map = affine_map<(d0, d1) -> (0, 0)>
#map1 = affine_map<(d0, d1) -> (0, 0, 0)>
module attributes {stable_mosaic.version = 14 : i64} {
  func.func @_hop_kernel(%arg0: i32, %arg1: i32, %arg2: memref<20000x128xf32, #tpu.memory_space<hbm>>, %arg3: memref<8000x2x80xi32, #tpu.memory_space<hbm>>, %arg4: memref<640x128xf32, #tpu.memory_space<hbm>>, %arg5: memref<2x10240x128xf32, #tpu.memory_space<hbm>>, %arg6: memref<50x2x80xi32, #tpu.memory_space<vmem>>, %arg7: memref<80x128xf32, #tpu.memory_space<vmem>>, %arg8: memref<80x128xf32, #tpu.memory_space<vmem>>, %arg9: memref<10240x128xf32, #tpu.memory_space<vmem_shared>>, %arg10: memref<!tpu.dma_semaphore, #tpu.memory_space<semaphore_mem>>, %arg11: memref<!tpu.dma_semaphore, #tpu.memory_space<semaphore_mem>>, %arg12: memref<!tpu.dma_semaphore, #tpu.memory_space<semaphore_mem>>, %arg13: memref<!tpu.dma_semaphore, #tpu.memory_space<semaphore_mem>>) attributes {dimension_semantics = [#tpu.dimension_semantics<core_parallel>, #tpu.dimension_semantics<subcore_parallel>], iteration_bounds = array<i64: 2, 16>, scalar_prefetch = 0 : i64, scratch_operands = 8 : i64, tpu.core_type = #tpu.core_type<sc_vector_subcore>, window_params = [{transform_indices = #map}, {transform_indices = #map1}, {transform_indices = #map}, {transform_indices = #map1}]} {
    %mul3A = arith.constant 640 : i32
    %mul3A_0 = arith.muli %arg1, %mul3A : i32
    "tpu.region"() ({
      %run_scoped3A = tpu.sem_alloc : memref<!tpu.dma_semaphore, #tpu.memory_space<semaphore_mem>>
      %dma_start3A = arith.constant 0 : i32
      %dma_start3A_14 = tpu.memref_slice %arg9[%mul3A_0, %dma_start3A] : memref<10240x128xf32, #tpu.memory_space<vmem_shared>> -> memref<640x128xf32, #tpu.memory_space<vmem_shared>>
      tpu.enqueue_dma source(%arg4 : memref<640x128xf32, #tpu.memory_space<hbm>>) target(%dma_start3A_14 : memref<640x128xf32, #tpu.memory_space<vmem_shared>>) target_semaphore(%run_scoped3A : memref<!tpu.dma_semaphore, #tpu.memory_space<semaphore_mem>>)
      %dma_wait3A = arith.constant 0 : i32
      %dma_wait3A_15 = tpu.memref_slice %arg9[%mul3A_0, %dma_wait3A] : memref<10240x128xf32, #tpu.memory_space<vmem_shared>> -> memref<640x128xf32, #tpu.memory_space<vmem_shared>>
      tpu.wait_dma2 semaphore(%run_scoped3A : memref<!tpu.dma_semaphore, #tpu.memory_space<semaphore_mem>>) src(%arg4 : memref<640x128xf32, #tpu.memory_space<hbm>>) dst(%dma_wait3A_15 : memref<640x128xf32, #tpu.memory_space<vmem_shared>>)
      tpu.yield
    }) : () -> ()
    %barrier3A = arith.constant 0 : index
    tpu.barrier barrier_id(%barrier3A)
    %mul3A_1 = arith.constant 4000 : i32
    %mul3A_2 = arith.muli %arg0, %mul3A_1 : i32
    %mul3A_3 = arith.constant 250 : i32
    %mul3A_4 = arith.muli %arg1, %mul3A_3 : i32
    %add3A = arith.addi %mul3A_2, %mul3A_4 : i32
    %scan3A = arith.constant 0 : i32
    %scan3A_5 = arith.constant 5 : i32
    %scan3A_6 = arith.addi %scan3A, %scan3A_5 : i32
    %scan3A_7 = arith.constant 1 : i32
    scf.for %scan3A_14 = %scan3A to %scan3A_6 step %scan3A_7  : i32 {
      %mul3A_15 = arith.constant 1 : i32
      %mul3A_16 = arith.muli %scan3A_14, %mul3A_15 : i32
      %add3A_17 = arith.constant 0 : i32
      %add3A_18 = arith.addi %add3A_17, %mul3A_16 : i32
      %mul3A_19 = arith.constant 50 : i32
      %mul3A_20 = arith.muli %add3A_18, %mul3A_19 : i32
      %add3A_21 = arith.addi %add3A, %mul3A_20 : i32
      "tpu.region"() ({
        %run_scoped3A = tpu.sem_alloc : memref<!tpu.dma_semaphore, #tpu.memory_space<semaphore_mem>>
        %dma_start3A_89 = arith.constant 0 : i32
        %dma_start3A_90 = arith.constant 0 : i32
        %dma_start3A_91 = tpu.memref_slice %arg3[%add3A_21, %dma_start3A_89, %dma_start3A_90] : memref<8000x2x80xi32, #tpu.memory_space<hbm>> -> memref<50x2x80xi32, #tpu.memory_space<hbm>>
        %dma_start3A_92 = arith.constant 0 : i32
        %dma_start3A_93 = arith.constant 0 : i32
        %dma_start3A_94 = tpu.memref_slice %arg3[%add3A_21, %dma_start3A_92, %dma_start3A_93] : memref<8000x2x80xi32, #tpu.memory_space<hbm>> -> memref<50x2x80xi32, #tpu.memory_space<hbm>>
        tpu.enqueue_dma source(%dma_start3A_94 : memref<50x2x80xi32, #tpu.memory_space<hbm>>) target(%arg6 : memref<50x2x80xi32, #tpu.memory_space<vmem>>) target_semaphore(%run_scoped3A : memref<!tpu.dma_semaphore, #tpu.memory_space<semaphore_mem>>)
        %dma_wait3A_95 = arith.constant 0 : i32
        %dma_wait3A_96 = arith.constant 0 : i32
        %dma_wait3A_97 = tpu.memref_slice %arg3[%add3A_21, %dma_wait3A_95, %dma_wait3A_96] : memref<8000x2x80xi32, #tpu.memory_space<hbm>> -> memref<50x2x80xi32, #tpu.memory_space<hbm>>
        %dma_wait3A_98 = arith.constant 0 : i32
        %dma_wait3A_99 = arith.constant 0 : i32
        %dma_wait3A_100 = tpu.memref_slice %arg3[%add3A_21, %dma_wait3A_98, %dma_wait3A_99] : memref<8000x2x80xi32, #tpu.memory_space<hbm>> -> memref<50x2x80xi32, #tpu.memory_space<hbm>>
        tpu.wait_dma2 semaphore(%run_scoped3A : memref<!tpu.dma_semaphore, #tpu.memory_space<semaphore_mem>>) src(%dma_wait3A_100 : memref<50x2x80xi32, #tpu.memory_space<hbm>>) dst(%arg6 : memref<50x2x80xi32, #tpu.memory_space<vmem>>)
        tpu.yield
      }) : () -> ()
      %dma_start3A = arith.constant 0 : i32
      %dma_start3A_22 = arith.constant 0 : i32
      %dma_start3A_23 = arith.constant 0 : i32
      %dma_start3A_24 = tpu.memref_slice %arg6[%dma_start3A, %dma_start3A_22, %dma_start3A_23] : memref<50x2x80xi32, #tpu.memory_space<vmem>> -> memref<1x1x80xi32, #tpu.memory_space<vmem>>
      %dma_start3A_25 = tpu.memref_squeeze %dma_start3A_24 : memref<1x1x80xi32, #tpu.memory_space<vmem>> -> memref<80xi32, #tpu.memory_space<vmem>>
      %dma_start3A_26 = arith.constant 0 : i32
      %dma_start3A_27 = arith.constant 0 : i32
      %dma_start3A_28 = tpu.memref_slice %arg2[%dma_start3A_26, %dma_start3A_27] : memref<20000x128xf32, #tpu.memory_space<hbm>> -> memref<20000x128xf32, #tpu.memory_space<hbm>>
      tpu.enqueue_indirect_dma source(%dma_start3A_28 : memref<20000x128xf32, #tpu.memory_space<hbm>>) target(%arg7 : memref<80x128xf32, #tpu.memory_space<vmem>>) offsets(%dma_start3A_25 : memref<80xi32, #tpu.memory_space<vmem>>) semaphore(%arg10 : memref<!tpu.dma_semaphore, #tpu.memory_space<semaphore_mem>>)
      %dma_start3A_29 = arith.constant 1 : i32
      %dma_start3A_30 = arith.constant 0 : i32
      %dma_start3A_31 = arith.constant 0 : i32
      %dma_start3A_32 = tpu.memref_slice %arg6[%dma_start3A_29, %dma_start3A_30, %dma_start3A_31] : memref<50x2x80xi32, #tpu.memory_space<vmem>> -> memref<1x1x80xi32, #tpu.memory_space<vmem>>
      %dma_start3A_33 = tpu.memref_squeeze %dma_start3A_32 : memref<1x1x80xi32, #tpu.memory_space<vmem>> -> memref<80xi32, #tpu.memory_space<vmem>>
      %dma_start3A_34 = arith.constant 0 : i32
      %dma_start3A_35 = arith.constant 0 : i32
      %dma_start3A_36 = tpu.memref_slice %arg2[%dma_start3A_34, %dma_start3A_35] : memref<20000x128xf32, #tpu.memory_space<hbm>> -> memref<20000x128xf32, #tpu.memory_space<hbm>>
      tpu.enqueue_indirect_dma source(%dma_start3A_36 : memref<20000x128xf32, #tpu.memory_space<hbm>>) target(%arg8 : memref<80x128xf32, #tpu.memory_space<vmem>>) offsets(%dma_start3A_33 : memref<80xi32, #tpu.memory_space<vmem>>) semaphore(%arg11 : memref<!tpu.dma_semaphore, #tpu.memory_space<semaphore_mem>>)
      %dma_wait3A = arith.constant 0 : i32
      %dma_wait3A_37 = arith.constant 0 : i32
      %dma_wait3A_38 = arith.constant 0 : i32
      %dma_wait3A_39 = tpu.memref_slice %arg6[%dma_wait3A, %dma_wait3A_37, %dma_wait3A_38] : memref<50x2x80xi32, #tpu.memory_space<vmem>> -> memref<1x1x80xi32, #tpu.memory_space<vmem>>
      %dma_wait3A_40 = tpu.memref_squeeze %dma_wait3A_39 : memref<1x1x80xi32, #tpu.memory_space<vmem>> -> memref<80xi32, #tpu.memory_space<vmem>>
      %dma_wait3A_41 = arith.constant 0 : i32
      %dma_wait3A_42 = arith.constant 0 : i32
      %dma_wait3A_43 = tpu.memref_slice %arg2[%dma_wait3A_41, %dma_wait3A_42] : memref<20000x128xf32, #tpu.memory_space<hbm>> -> memref<20000x128xf32, #tpu.memory_space<hbm>>
      tpu.wait_indirect_dma semaphore(%arg10 : memref<!tpu.dma_semaphore, #tpu.memory_space<semaphore_mem>>) src(%dma_wait3A_43 : memref<20000x128xf32, #tpu.memory_space<hbm>>) dst(%arg7 : memref<80x128xf32, #tpu.memory_space<vmem>>)
      %dma_start3A_44 = arith.constant 0 : i32
      %dma_start3A_45 = arith.constant 1 : i32
      %dma_start3A_46 = arith.constant 0 : i32
      %dma_start3A_47 = tpu.memref_slice %arg6[%dma_start3A_44, %dma_start3A_45, %dma_start3A_46] : memref<50x2x80xi32, #tpu.memory_space<vmem>> -> memref<1x1x80xi32, #tpu.memory_space<vmem>>
      %dma_start3A_48 = tpu.memref_squeeze %dma_start3A_47 : memref<1x1x80xi32, #tpu.memory_space<vmem>> -> memref<80xi32, #tpu.memory_space<vmem>>
      %dma_start3A_49 = arith.constant 0 : i32
      %dma_start3A_50 = arith.constant 0 : i32
      %dma_start3A_51 = tpu.memref_slice %arg9[%dma_start3A_49, %dma_start3A_50] : memref<10240x128xf32, #tpu.memory_space<vmem_shared>> -> memref<10240x128xf32, #tpu.memory_space<vmem_shared>>
      tpu.enqueue_indirect_dma source(%arg7 : memref<80x128xf32, #tpu.memory_space<vmem>>) target(%dma_start3A_51 : memref<10240x128xf32, #tpu.memory_space<vmem_shared>>) offsets(%dma_start3A_48 : memref<80xi32, #tpu.memory_space<vmem>>) semaphore(%arg12 : memref<!tpu.dma_semaphore, #tpu.memory_space<semaphore_mem>>) {add = true}
      %scan3A_52 = arith.constant 0 : i32
      %scan3A_53 = arith.constant 24 : i32
      %scan3A_54 = arith.addi %scan3A_52, %scan3A_53 : i32
      %scan3A_55 = arith.constant 1 : i32
      scf.for %scan3A_89 = %scan3A_52 to %scan3A_54 step %scan3A_55  : i32 {
        %mul3A_90 = arith.constant 1 : i32
        %mul3A_91 = arith.muli %scan3A_89, %mul3A_90 : i32
        %add3A_92 = arith.constant 0 : i32
        %add3A_93 = arith.addi %add3A_92, %mul3A_91 : i32
        %mul3A_94 = arith.constant 2 : i32
        %mul3A_95 = arith.muli %mul3A_94, %add3A_93 : i32
        %add3A_96 = arith.constant 2 : i32
        %add3A_97 = arith.addi %mul3A_95, %add3A_96 : i32
        %add3A_98 = arith.constant 0 : i32
        %add3A_99 = arith.addi %add3A_97, %add3A_98 : i32
        %dma_wait3A_100 = arith.constant 0 : i32
        %dma_wait3A_101 = arith.constant 1 : i32
        %dma_wait3A_102 = arith.constant 0 : i32
        %dma_wait3A_103 = tpu.memref_slice %arg6[%dma_wait3A_100, %dma_wait3A_101, %dma_wait3A_102] : memref<50x2x80xi32, #tpu.memory_space<vmem>> -> memref<1x1x80xi32, #tpu.memory_space<vmem>>
        %dma_wait3A_104 = tpu.memref_squeeze %dma_wait3A_103 : memref<1x1x80xi32, #tpu.memory_space<vmem>> -> memref<80xi32, #tpu.memory_space<vmem>>
        %dma_wait3A_105 = arith.constant 0 : i32
        %dma_wait3A_106 = arith.constant 0 : i32
        %dma_wait3A_107 = tpu.memref_slice %arg9[%dma_wait3A_105, %dma_wait3A_106] : memref<10240x128xf32, #tpu.memory_space<vmem_shared>> -> memref<10240x128xf32, #tpu.memory_space<vmem_shared>>
        tpu.wait_indirect_dma semaphore(%arg12 : memref<!tpu.dma_semaphore, #tpu.memory_space<semaphore_mem>>) src(%arg7 : memref<80x128xf32, #tpu.memory_space<vmem>>) dst(%dma_wait3A_107 : memref<10240x128xf32, #tpu.memory_space<vmem_shared>>)
        %dma_start3A_108 = arith.constant 0 : i32
        %dma_start3A_109 = arith.constant 0 : i32
        %dma_start3A_110 = tpu.memref_slice %arg6[%add3A_99, %dma_start3A_108, %dma_start3A_109] : memref<50x2x80xi32, #tpu.memory_space<vmem>> -> memref<1x1x80xi32, #tpu.memory_space<vmem>>
        %dma_start3A_111 = tpu.memref_squeeze %dma_start3A_110 : memref<1x1x80xi32, #tpu.memory_space<vmem>> -> memref<80xi32, #tpu.memory_space<vmem>>
        %dma_start3A_112 = arith.constant 0 : i32
        %dma_start3A_113 = arith.constant 0 : i32
        %dma_start3A_114 = tpu.memref_slice %arg2[%dma_start3A_112, %dma_start3A_113] : memref<20000x128xf32, #tpu.memory_space<hbm>> -> memref<20000x128xf32, #tpu.memory_space<hbm>>
        tpu.enqueue_indirect_dma source(%dma_start3A_114 : memref<20000x128xf32, #tpu.memory_space<hbm>>) target(%arg7 : memref<80x128xf32, #tpu.memory_space<vmem>>) offsets(%dma_start3A_111 : memref<80xi32, #tpu.memory_space<vmem>>) semaphore(%arg10 : memref<!tpu.dma_semaphore, #tpu.memory_space<semaphore_mem>>)
        %dma_wait3A_115 = arith.constant 0 : i32
        %dma_wait3A_116 = arith.constant 0 : i32
        %dma_wait3A_117 = arith.constant 0 : i32
        %dma_wait3A_118 = tpu.memref_slice %arg6[%dma_wait3A_115, %dma_wait3A_116, %dma_wait3A_117] : memref<50x2x80xi32, #tpu.memory_space<vmem>> -> memref<1x1x80xi32, #tpu.memory_space<vmem>>
        %dma_wait3A_119 = tpu.memref_squeeze %dma_wait3A_118 : memref<1x1x80xi32, #tpu.memory_space<vmem>> -> memref<80xi32, #tpu.memory_space<vmem>>
        %dma_wait3A_120 = arith.constant 0 : i32
        %dma_wait3A_121 = arith.constant 0 : i32
        %dma_wait3A_122 = tpu.memref_slice %arg2[%dma_wait3A_120, %dma_wait3A_121] : memref<20000x128xf32, #tpu.memory_space<hbm>> -> memref<20000x128xf32, #tpu.memory_space<hbm>>
        tpu.wait_indirect_dma semaphore(%arg11 : memref<!tpu.dma_semaphore, #tpu.memory_space<semaphore_mem>>) src(%dma_wait3A_122 : memref<20000x128xf32, #tpu.memory_space<hbm>>) dst(%arg8 : memref<80x128xf32, #tpu.memory_space<vmem>>)
        %sub3A = arith.constant 1 : i32
        %sub3A_123 = arith.subi %add3A_99, %sub3A : i32
        %dma_start3A_124 = arith.constant 1 : i32
        %dma_start3A_125 = arith.constant 0 : i32
        %dma_start3A_126 = tpu.memref_slice %arg6[%sub3A_123, %dma_start3A_124, %dma_start3A_125] : memref<50x2x80xi32, #tpu.memory_space<vmem>> -> memref<1x1x80xi32, #tpu.memory_space<vmem>>
        %dma_start3A_127 = tpu.memref_squeeze %dma_start3A_126 : memref<1x1x80xi32, #tpu.memory_space<vmem>> -> memref<80xi32, #tpu.memory_space<vmem>>
        %dma_start3A_128 = arith.constant 0 : i32
        %dma_start3A_129 = arith.constant 0 : i32
        %dma_start3A_130 = tpu.memref_slice %arg9[%dma_start3A_128, %dma_start3A_129] : memref<10240x128xf32, #tpu.memory_space<vmem_shared>> -> memref<10240x128xf32, #tpu.memory_space<vmem_shared>>
        tpu.enqueue_indirect_dma source(%arg8 : memref<80x128xf32, #tpu.memory_space<vmem>>) target(%dma_start3A_130 : memref<10240x128xf32, #tpu.memory_space<vmem_shared>>) offsets(%dma_start3A_127 : memref<80xi32, #tpu.memory_space<vmem>>) semaphore(%arg13 : memref<!tpu.dma_semaphore, #tpu.memory_space<semaphore_mem>>) {add = true}
        %add3A_131 = arith.constant 1 : i32
        %add3A_132 = arith.addi %add3A_97, %add3A_131 : i32
        %dma_wait3A_133 = arith.constant 0 : i32
        %dma_wait3A_134 = arith.constant 1 : i32
        %dma_wait3A_135 = arith.constant 0 : i32
        %dma_wait3A_136 = tpu.memref_slice %arg6[%dma_wait3A_133, %dma_wait3A_134, %dma_wait3A_135] : memref<50x2x80xi32, #tpu.memory_space<vmem>> -> memref<1x1x80xi32, #tpu.memory_space<vmem>>
        %dma_wait3A_137 = tpu.memref_squeeze %dma_wait3A_136 : memref<1x1x80xi32, #tpu.memory_space<vmem>> -> memref<80xi32, #tpu.memory_space<vmem>>
        %dma_wait3A_138 = arith.constant 0 : i32
        %dma_wait3A_139 = arith.constant 0 : i32
        %dma_wait3A_140 = tpu.memref_slice %arg9[%dma_wait3A_138, %dma_wait3A_139] : memref<10240x128xf32, #tpu.memory_space<vmem_shared>> -> memref<10240x128xf32, #tpu.memory_space<vmem_shared>>
        tpu.wait_indirect_dma semaphore(%arg13 : memref<!tpu.dma_semaphore, #tpu.memory_space<semaphore_mem>>) src(%arg8 : memref<80x128xf32, #tpu.memory_space<vmem>>) dst(%dma_wait3A_140 : memref<10240x128xf32, #tpu.memory_space<vmem_shared>>)
        %dma_start3A_141 = arith.constant 0 : i32
        %dma_start3A_142 = arith.constant 0 : i32
        %dma_start3A_143 = tpu.memref_slice %arg6[%add3A_132, %dma_start3A_141, %dma_start3A_142] : memref<50x2x80xi32, #tpu.memory_space<vmem>> -> memref<1x1x80xi32, #tpu.memory_space<vmem>>
        %dma_start3A_144 = tpu.memref_squeeze %dma_start3A_143 : memref<1x1x80xi32, #tpu.memory_space<vmem>> -> memref<80xi32, #tpu.memory_space<vmem>>
        %dma_start3A_145 = arith.constant 0 : i32
        %dma_start3A_146 = arith.constant 0 : i32
        %dma_start3A_147 = tpu.memref_slice %arg2[%dma_start3A_145, %dma_start3A_146] : memref<20000x128xf32, #tpu.memory_space<hbm>> -> memref<20000x128xf32, #tpu.memory_space<hbm>>
        tpu.enqueue_indirect_dma source(%dma_start3A_147 : memref<20000x128xf32, #tpu.memory_space<hbm>>) target(%arg8 : memref<80x128xf32, #tpu.memory_space<vmem>>) offsets(%dma_start3A_144 : memref<80xi32, #tpu.memory_space<vmem>>) semaphore(%arg11 : memref<!tpu.dma_semaphore, #tpu.memory_space<semaphore_mem>>)
        %dma_wait3A_148 = arith.constant 0 : i32
        %dma_wait3A_149 = arith.constant 0 : i32
        %dma_wait3A_150 = arith.constant 0 : i32
        %dma_wait3A_151 = tpu.memref_slice %arg6[%dma_wait3A_148, %dma_wait3A_149, %dma_wait3A_150] : memref<50x2x80xi32, #tpu.memory_space<vmem>> -> memref<1x1x80xi32, #tpu.memory_space<vmem>>
        %dma_wait3A_152 = tpu.memref_squeeze %dma_wait3A_151 : memref<1x1x80xi32, #tpu.memory_space<vmem>> -> memref<80xi32, #tpu.memory_space<vmem>>
        %dma_wait3A_153 = arith.constant 0 : i32
        %dma_wait3A_154 = arith.constant 0 : i32
        %dma_wait3A_155 = tpu.memref_slice %arg2[%dma_wait3A_153, %dma_wait3A_154] : memref<20000x128xf32, #tpu.memory_space<hbm>> -> memref<20000x128xf32, #tpu.memory_space<hbm>>
        tpu.wait_indirect_dma semaphore(%arg10 : memref<!tpu.dma_semaphore, #tpu.memory_space<semaphore_mem>>) src(%dma_wait3A_155 : memref<20000x128xf32, #tpu.memory_space<hbm>>) dst(%arg7 : memref<80x128xf32, #tpu.memory_space<vmem>>)
        %sub3A_156 = arith.constant 1 : i32
        %sub3A_157 = arith.subi %add3A_132, %sub3A_156 : i32
        %dma_start3A_158 = arith.constant 1 : i32
        %dma_start3A_159 = arith.constant 0 : i32
        %dma_start3A_160 = tpu.memref_slice %arg6[%sub3A_157, %dma_start3A_158, %dma_start3A_159] : memref<50x2x80xi32, #tpu.memory_space<vmem>> -> memref<1x1x80xi32, #tpu.memory_space<vmem>>
        %dma_start3A_161 = tpu.memref_squeeze %dma_start3A_160 : memref<1x1x80xi32, #tpu.memory_space<vmem>> -> memref<80xi32, #tpu.memory_space<vmem>>
        %dma_start3A_162 = arith.constant 0 : i32
        %dma_start3A_163 = arith.constant 0 : i32
        %dma_start3A_164 = tpu.memref_slice %arg9[%dma_start3A_162, %dma_start3A_163] : memref<10240x128xf32, #tpu.memory_space<vmem_shared>> -> memref<10240x128xf32, #tpu.memory_space<vmem_shared>>
        tpu.enqueue_indirect_dma source(%arg7 : memref<80x128xf32, #tpu.memory_space<vmem>>) target(%dma_start3A_164 : memref<10240x128xf32, #tpu.memory_space<vmem_shared>>) offsets(%dma_start3A_161 : memref<80xi32, #tpu.memory_space<vmem>>) semaphore(%arg12 : memref<!tpu.dma_semaphore, #tpu.memory_space<semaphore_mem>>) {add = true}
      }
      %scan3A_56 = arith.constant 24 : i32
      %dma_wait3A_57 = arith.constant 0 : i32
      %dma_wait3A_58 = arith.constant 0 : i32
      %dma_wait3A_59 = arith.constant 0 : i32
      %dma_wait3A_60 = tpu.memref_slice %arg6[%dma_wait3A_57, %dma_wait3A_58, %dma_wait3A_59] : memref<50x2x80xi32, #tpu.memory_space<vmem>> -> memref<1x1x80xi32, #tpu.memory_space<vmem>>
      %dma_wait3A_61 = tpu.memref_squeeze %dma_wait3A_60 : memref<1x1x80xi32, #tpu.memory_space<vmem>> -> memref<80xi32, #tpu.memory_space<vmem>>
      %dma_wait3A_62 = arith.constant 0 : i32
      %dma_wait3A_63 = arith.constant 0 : i32
      %dma_wait3A_64 = tpu.memref_slice %arg2[%dma_wait3A_62, %dma_wait3A_63] : memref<20000x128xf32, #tpu.memory_space<hbm>> -> memref<20000x128xf32, #tpu.memory_space<hbm>>
      tpu.wait_indirect_dma semaphore(%arg11 : memref<!tpu.dma_semaphore, #tpu.memory_space<semaphore_mem>>) src(%dma_wait3A_64 : memref<20000x128xf32, #tpu.memory_space<hbm>>) dst(%arg8 : memref<80x128xf32, #tpu.memory_space<vmem>>)
      %dma_start3A_65 = arith.constant 49 : i32
      %dma_start3A_66 = arith.constant 1 : i32
      %dma_start3A_67 = arith.constant 0 : i32
      %dma_start3A_68 = tpu.memref_slice %arg6[%dma_start3A_65, %dma_start3A_66, %dma_start3A_67] : memref<50x2x80xi32, #tpu.memory_space<vmem>> -> memref<1x1x80xi32, #tpu.memory_space<vmem>>
      %dma_start3A_69 = tpu.memref_squeeze %dma_start3A_68 : memref<1x1x80xi32, #tpu.memory_space<vmem>> -> memref<80xi32, #tpu.memory_space<vmem>>
      %dma_start3A_70 = arith.constant 0 : i32
      %dma_start3A_71 = arith.constant 0 : i32
      %dma_start3A_72 = tpu.memref_slice %arg9[%dma_start3A_70, %dma_start3A_71] : memref<10240x128xf32, #tpu.memory_space<vmem_shared>> -> memref<10240x128xf32, #tpu.memory_space<vmem_shared>>
      tpu.enqueue_indirect_dma source(%arg8 : memref<80x128xf32, #tpu.memory_space<vmem>>) target(%dma_start3A_72 : memref<10240x128xf32, #tpu.memory_space<vmem_shared>>) offsets(%dma_start3A_69 : memref<80xi32, #tpu.memory_space<vmem>>) semaphore(%arg13 : memref<!tpu.dma_semaphore, #tpu.memory_space<semaphore_mem>>) {add = true}
      %dma_wait3A_73 = arith.constant 0 : i32
      %dma_wait3A_74 = arith.constant 1 : i32
      %dma_wait3A_75 = arith.constant 0 : i32
      %dma_wait3A_76 = tpu.memref_slice %arg6[%dma_wait3A_73, %dma_wait3A_74, %dma_wait3A_75] : memref<50x2x80xi32, #tpu.memory_space<vmem>> -> memref<1x1x80xi32, #tpu.memory_space<vmem>>
      %dma_wait3A_77 = tpu.memref_squeeze %dma_wait3A_76 : memref<1x1x80xi32, #tpu.memory_space<vmem>> -> memref<80xi32, #tpu.memory_space<vmem>>
      %dma_wait3A_78 = arith.constant 0 : i32
      %dma_wait3A_79 = arith.constant 0 : i32
      %dma_wait3A_80 = tpu.memref_slice %arg9[%dma_wait3A_78, %dma_wait3A_79] : memref<10240x128xf32, #tpu.memory_space<vmem_shared>> -> memref<10240x128xf32, #tpu.memory_space<vmem_shared>>
      tpu.wait_indirect_dma semaphore(%arg12 : memref<!tpu.dma_semaphore, #tpu.memory_space<semaphore_mem>>) src(%arg7 : memref<80x128xf32, #tpu.memory_space<vmem>>) dst(%dma_wait3A_80 : memref<10240x128xf32, #tpu.memory_space<vmem_shared>>)
      %dma_wait3A_81 = arith.constant 0 : i32
      %dma_wait3A_82 = arith.constant 1 : i32
      %dma_wait3A_83 = arith.constant 0 : i32
      %dma_wait3A_84 = tpu.memref_slice %arg6[%dma_wait3A_81, %dma_wait3A_82, %dma_wait3A_83] : memref<50x2x80xi32, #tpu.memory_space<vmem>> -> memref<1x1x80xi32, #tpu.memory_space<vmem>>
      %dma_wait3A_85 = tpu.memref_squeeze %dma_wait3A_84 : memref<1x1x80xi32, #tpu.memory_space<vmem>> -> memref<80xi32, #tpu.memory_space<vmem>>
      %dma_wait3A_86 = arith.constant 0 : i32
      %dma_wait3A_87 = arith.constant 0 : i32
      %dma_wait3A_88 = tpu.memref_slice %arg9[%dma_wait3A_86, %dma_wait3A_87] : memref<10240x128xf32, #tpu.memory_space<vmem_shared>> -> memref<10240x128xf32, #tpu.memory_space<vmem_shared>>
      tpu.wait_indirect_dma semaphore(%arg13 : memref<!tpu.dma_semaphore, #tpu.memory_space<semaphore_mem>>) src(%arg8 : memref<80x128xf32, #tpu.memory_space<vmem>>) dst(%dma_wait3A_88 : memref<10240x128xf32, #tpu.memory_space<vmem_shared>>)
    }
    %scan3A_8 = arith.constant 5 : i32
    %barrier3A_9 = arith.constant 0 : index
    tpu.barrier barrier_id(%barrier3A_9)
    %mul3A_10 = arith.constant 640 : i32
    %mul3A_11 = arith.muli %arg1, %mul3A_10 : i32
    %mul3A_12 = arith.constant 640 : i32
    %mul3A_13 = arith.muli %arg1, %mul3A_12 : i32
    "tpu.region"() ({
      %run_scoped3A = tpu.sem_alloc : memref<!tpu.dma_semaphore, #tpu.memory_space<semaphore_mem>>
      %dma_start3A = arith.constant 0 : i32
      %dma_start3A_14 = tpu.memref_slice %arg5[%arg0, %mul3A_13, %dma_start3A] : memref<2x10240x128xf32, #tpu.memory_space<hbm>> -> memref<1x640x128xf32, #tpu.memory_space<hbm>>
      %dma_start3A_15 = tpu.memref_squeeze %dma_start3A_14 : memref<1x640x128xf32, #tpu.memory_space<hbm>> -> memref<640x128xf32, #tpu.memory_space<hbm>>
      %dma_start3A_16 = arith.constant 0 : i32
      %dma_start3A_17 = tpu.memref_slice %arg9[%mul3A_11, %dma_start3A_16] : memref<10240x128xf32, #tpu.memory_space<vmem_shared>> -> memref<640x128xf32, #tpu.memory_space<vmem_shared>>
      tpu.enqueue_dma source(%dma_start3A_17 : memref<640x128xf32, #tpu.memory_space<vmem_shared>>) target(%dma_start3A_15 : memref<640x128xf32, #tpu.memory_space<hbm>>) target_semaphore(%run_scoped3A : memref<!tpu.dma_semaphore, #tpu.memory_space<semaphore_mem>>)
      %dma_wait3A = arith.constant 0 : i32
      %dma_wait3A_18 = tpu.memref_slice %arg5[%arg0, %mul3A_13, %dma_wait3A] : memref<2x10240x128xf32, #tpu.memory_space<hbm>> -> memref<1x640x128xf32, #tpu.memory_space<hbm>>
      %dma_wait3A_19 = tpu.memref_squeeze %dma_wait3A_18 : memref<1x640x128xf32, #tpu.memory_space<hbm>> -> memref<640x128xf32, #tpu.memory_space<hbm>>
      %dma_wait3A_20 = arith.constant 0 : i32
      %dma_wait3A_21 = tpu.memref_slice %arg9[%mul3A_11, %dma_wait3A_20] : memref<10240x128xf32, #tpu.memory_space<vmem_shared>> -> memref<640x128xf32, #tpu.memory_space<vmem_shared>>
      tpu.wait_dma2 semaphore(%run_scoped3A : memref<!tpu.dma_semaphore, #tpu.memory_space<semaphore_mem>>) src(%dma_wait3A_21 : memref<640x128xf32, #tpu.memory_space<vmem_shared>>) dst(%dma_wait3A_19 : memref<640x128xf32, #tpu.memory_space<hbm>>)
      tpu.yield
    }) : () -> ()
    return
  }
}

module attributes {stable_mosaic.version = 14 : i64} {
  func.func @_scale1_body(%arg0: i32, %arg1: memref<2x2x1000x16xf32, #tpu.memory_space<vmem>>, %arg2: memref<1000x128xf32, #tpu.memory_space<vmem>>, %arg3: memref<2x1000x128xf32, #tpu.memory_space<vmem>>, %arg4: memref<1000x1xf32, #tpu.memory_space<vmem>>, %arg5: memref<1000x1xf32, #tpu.memory_space<vmem>>) attributes {dimension_semantics = [#tpu.dimension_semantics<arbitrary>], iteration_bounds = array<i64: 10>, scalar_prefetch = 0 : i64, scratch_operands = 0 : i64, tpu.core_type = #tpu.core_type<tc>, window_params = [{transform_indices = @transform_0, window_bounds = array<i64: 2, 2, 1000, 16>}, {transform_indices = @transform_1, window_bounds = array<i64: 1000, 128>}, {transform_indices = @transform_2, window_bounds = array<i64: 2, 1000, 128>}, {transform_indices = @transform_3, window_bounds = array<i64: 1000, 1>}, {transform_indices = @transform_4, window_bounds = array<i64: 1000, 1>}]} {
    %get3A = arith.constant 0 : index
    %get3A_0 = arith.constant 0 : index
    %get3A_1 = arith.constant 0 : index
    %get3A_2 = arith.constant 0 : index
    %get3A_3 = vector.load %arg1[%get3A, %get3A_0, %get3A_1, %get3A_2] : memref<2x2x1000x16xf32, #tpu.memory_space<vmem>>, vector<2x2x1000x16xf32>
    %slice3A = vector.extract_strided_slice %get3A_3 {offsets = [0, 0, 0, 0], sizes = [2, 1, 1000, 16], strides = [1, 1, 1, 1]} : vector<2x2x1000x16xf32> to vector<2x1x1000x16xf32>
    %squeeze3A = vector.shape_cast %slice3A : vector<2x1x1000x16xf32> to vector<2x1000x16xf32>
    %reduce_sum3A = arith.constant dense<0.000000e+00> : vector<1000xf32>
    %reduce_sum3A_4 = vector.multi_reduction <add>, %squeeze3A, %reduce_sum3A [0, 2] : vector<2x1000x16xf32> to vector<1000xf32>
    %slice3A_5 = vector.extract_strided_slice %get3A_3 {offsets = [0, 1, 0, 0], sizes = [2, 1, 1000, 16], strides = [1, 1, 1, 1]} : vector<2x2x1000x16xf32> to vector<2x1x1000x16xf32>
    %squeeze3A_6 = vector.shape_cast %slice3A_5 : vector<2x1x1000x16xf32> to vector<2x1000x16xf32>
    %reduce_sum3A_7 = arith.constant dense<0.000000e+00> : vector<1000xf32>
    %reduce_sum3A_8 = vector.multi_reduction <add>, %squeeze3A_6, %reduce_sum3A_7 [0, 2] : vector<2x1000x16xf32> to vector<1000xf32>
    %div3A = arith.constant 1.000000e+00 : f32
    %div3A_9 = vector.broadcast %div3A : f32 to vector<1000xf32>
    %div3A_10 = arith.divf %div3A_9, %reduce_sum3A_4 : vector<1000xf32>
    %div3A_11 = arith.constant 1.000000e+00 : f32
    %div3A_12 = vector.broadcast %div3A_11 : f32 to vector<1000xf32>
    %div3A_13 = arith.divf %div3A_12, %reduce_sum3A_8 : vector<1000xf32>
    %get3A_14 = arith.constant 0 : index
    %get3A_15 = arith.constant 0 : index
    %get3A_16 = vector.load %arg2[%get3A_14, %get3A_15] : memref<1000x128xf32, #tpu.memory_space<vmem>>, vector<1000x128xf32>
    %broadcast_in_dim3A = vector.shape_cast %div3A_10 : vector<1000xf32> to vector<1000x1xf32>
    %mul3A = vector.broadcast %broadcast_in_dim3A : vector<1000x1xf32> to vector<1000x128xf32>
    %mul3A_17 = arith.mulf %get3A_16, %mul3A : vector<1000x128xf32>
    %broadcast_in_dim3A_18 = vector.shape_cast %div3A_13 : vector<1000xf32> to vector<1000x1xf32>
    %mul3A_19 = vector.broadcast %broadcast_in_dim3A_18 : vector<1000x1xf32> to vector<1000x128xf32>
    %mul3A_20 = arith.mulf %get3A_16, %mul3A_19 : vector<1000x128xf32>
    %slice3A_21 = vector.extract_strided_slice %mul3A_17 {offsets = [0, 0], sizes = [1000, 64], strides = [1, 1]} : vector<1000x128xf32> to vector<1000x64xf32>
    %slice3A_22 = vector.extract_strided_slice %mul3A_20 {offsets = [0, 0], sizes = [1000, 64], strides = [1, 1]} : vector<1000x128xf32> to vector<1000x64xf32>
    %concatenate3A = tpu.concatenate %slice3A_21, %slice3A_22 in 1 : vector<1000x64xf32>, vector<1000x64xf32> -> vector<1000x128xf32>
    %swap3A = arith.constant 0 : index
    %swap3A_23 = arith.constant 0 : index
    %swap3A_24 = arith.constant 0 : index
    %swap3A_25 = vector.load %arg3[%swap3A, %swap3A_23, %swap3A_24] : memref<2x1000x128xf32, #tpu.memory_space<vmem>>, vector<1x1000x128xf32>
    %swap3A_26 = vector.shape_cast %swap3A_25 : vector<1x1000x128xf32> to vector<1000x128xf32>
    %swap3A_27 = vector.shape_cast %concatenate3A : vector<1000x128xf32> to vector<1x1000x128xf32>
    tpu.vector_store %arg3[%swap3A, %swap3A_23, %swap3A_24], %swap3A_27 {strides = array<i32>} : memref<2x1000x128xf32, #tpu.memory_space<vmem>>, vector<1x1000x128xf32>,
    %slice3A_28 = vector.extract_strided_slice %mul3A_17 {offsets = [0, 64], sizes = [1000, 64], strides = [1, 1]} : vector<1000x128xf32> to vector<1000x64xf32>
    %slice3A_29 = vector.extract_strided_slice %mul3A_20 {offsets = [0, 64], sizes = [1000, 64], strides = [1, 1]} : vector<1000x128xf32> to vector<1000x64xf32>
    %concatenate3A_30 = tpu.concatenate %slice3A_28, %slice3A_29 in 1 : vector<1000x64xf32>, vector<1000x64xf32> -> vector<1000x128xf32>
    %swap3A_31 = arith.constant 1 : index
    %swap3A_32 = arith.constant 0 : index
    %swap3A_33 = arith.constant 0 : index
    %swap3A_34 = vector.load %arg3[%swap3A_31, %swap3A_32, %swap3A_33] : memref<2x1000x128xf32, #tpu.memory_space<vmem>>, vector<1x1000x128xf32>
    %swap3A_35 = vector.shape_cast %swap3A_34 : vector<1x1000x128xf32> to vector<1000x128xf32>
    %swap3A_36 = vector.shape_cast %concatenate3A_30 : vector<1000x128xf32> to vector<1x1000x128xf32>
    tpu.vector_store %arg3[%swap3A_31, %swap3A_32, %swap3A_33], %swap3A_36 {strides = array<i32>} : memref<2x1000x128xf32, #tpu.memory_space<vmem>>, vector<1x1000x128xf32>,
    %broadcast_in_dim3A_37 = vector.shape_cast %div3A_10 : vector<1000xf32> to vector<1000x1xf32>
    %swap3A_38 = arith.constant 0 : index
    %swap3A_39 = arith.constant 0 : index
    %swap3A_40 = vector.load %arg4[%swap3A_38, %swap3A_39] : memref<1000x1xf32, #tpu.memory_space<vmem>>, vector<1000x1xf32>
    tpu.vector_store %arg4[%swap3A_38, %swap3A_39], %broadcast_in_dim3A_37 {strides = array<i32>} : memref<1000x1xf32, #tpu.memory_space<vmem>>, vector<1000x1xf32>,
    %broadcast_in_dim3A_41 = vector.shape_cast %div3A_13 : vector<1000xf32> to vector<1000x1xf32>
    %swap3A_42 = arith.constant 0 : index
    %swap3A_43 = arith.constant 0 : index
    %swap3A_44 = vector.load %arg5[%swap3A_42, %swap3A_43] : memref<1000x1xf32, #tpu.memory_space<vmem>>, vector<1000x1xf32>
    tpu.vector_store %arg5[%swap3A_42, %swap3A_43], %broadcast_in_dim3A_41 {strides = array<i32>} : memref<1000x1xf32, #tpu.memory_space<vmem>>, vector<1000x1xf32>,
    return
  }
  func.func @transform_0(%arg0: i32) -> (i32, i32, i32, i32) {
    %c0_i32 = arith.constant 0 : i32
    %c0_i32_0 = arith.constant 0 : i32
    %c0_i32_1 = arith.constant 0 : i32
    %c0_i32_2 = arith.constant 0 : i32
    return %c0_i32, %c0_i32_0, %arg0, %c0_i32_1 : i32, i32, i32, i32
  }
  func.func @transform_1(%arg0: i32) -> (i32, i32) {
    %c0_i32 = arith.constant 0 : i32
    %c0_i32_0 = arith.constant 0 : i32
    return %arg0, %c0_i32 : i32, i32
  }
  func.func @transform_2(%arg0: i32) -> (i32, i32, i32) {
    %c0_i32 = arith.constant 0 : i32
    %c0_i32_0 = arith.constant 0 : i32
    %c0_i32_1 = arith.constant 0 : i32
    return %c0_i32, %arg0, %c0_i32_0 : i32, i32, i32
  }
  func.func @transform_3(%arg0: i32) -> (i32, i32) {
    %c0_i32 = arith.constant 0 : i32
    %c0_i32_0 = arith.constant 0 : i32
    return %arg0, %c0_i32 : i32, i32
  }
  func.func @transform_4(%arg0: i32) -> (i32, i32) {
    %c0_i32 = arith.constant 0 : i32
    %c0_i32_0 = arith.constant 0 : i32
    return %arg0, %c0_i32 : i32, i32
  }
}

module attributes {stable_mosaic.version = 14 : i64} {
  func.func @_scale2_body(%arg0: i32, %arg1: memref<2x1000x128xf32, #tpu.memory_space<vmem>>, %arg2: memref<1000x1xf32, #tpu.memory_space<vmem>>, %arg3: memref<1000x1xf32, #tpu.memory_space<vmem>>, %arg4: memref<2x1000x128xf32, #tpu.memory_space<vmem>>) attributes {dimension_semantics = [#tpu.dimension_semantics<arbitrary>], iteration_bounds = array<i64: 10>, scalar_prefetch = 0 : i64, scratch_operands = 0 : i64, tpu.core_type = #tpu.core_type<tc>, window_params = [{transform_indices = @transform_0, window_bounds = array<i64: 2, 1000, 128>}, {transform_indices = @transform_1, window_bounds = array<i64: 1000, 1>}, {transform_indices = @transform_2, window_bounds = array<i64: 1000, 1>}, {transform_indices = @transform_3, window_bounds = array<i64: 2, 1000, 128>}]} {
    %get3A = arith.constant 0 : index
    %get3A_0 = arith.constant 0 : index
    %get3A_1 = vector.load %arg2[%get3A, %get3A_0] : memref<1000x1xf32, #tpu.memory_space<vmem>>, vector<1000x1xf32>
    %get3A_2 = arith.constant 0 : index
    %get3A_3 = arith.constant 0 : index
    %get3A_4 = vector.load %arg3[%get3A_2, %get3A_3] : memref<1000x1xf32, #tpu.memory_space<vmem>>, vector<1000x1xf32>
    %get3A_5 = arith.constant 0 : index
    %get3A_6 = arith.constant 0 : index
    %get3A_7 = arith.constant 0 : index
    %get3A_8 = vector.load %arg1[%get3A_5, %get3A_6, %get3A_7] : memref<2x1000x128xf32, #tpu.memory_space<vmem>>, vector<1x1000x128xf32>
    %get3A_9 = vector.shape_cast %get3A_8 : vector<1x1000x128xf32> to vector<1000x128xf32>
    %slice3A = vector.extract_strided_slice %get3A_9 {offsets = [0, 0], sizes = [1000, 64], strides = [1, 1]} : vector<1000x128xf32> to vector<1000x64xf32>
    %mul3A = vector.broadcast %get3A_1 : vector<1000x1xf32> to vector<1000x64xf32>
    %mul3A_10 = arith.mulf %slice3A, %mul3A : vector<1000x64xf32>
    %slice3A_11 = vector.extract_strided_slice %get3A_9 {offsets = [0, 64], sizes = [1000, 64], strides = [1, 1]} : vector<1000x128xf32> to vector<1000x64xf32>
    %mul3A_12 = vector.broadcast %get3A_4 : vector<1000x1xf32> to vector<1000x64xf32>
    %mul3A_13 = arith.mulf %slice3A_11, %mul3A_12 : vector<1000x64xf32>
    %concatenate3A = tpu.concatenate %mul3A_10, %mul3A_13 in 1 : vector<1000x64xf32>, vector<1000x64xf32> -> vector<1000x128xf32>
    %swap3A = arith.constant 0 : index
    %swap3A_14 = arith.constant 0 : index
    %swap3A_15 = arith.constant 0 : index
    %swap3A_16 = vector.load %arg4[%swap3A, %swap3A_14, %swap3A_15] : memref<2x1000x128xf32, #tpu.memory_space<vmem>>, vector<1x1000x128xf32>
    %swap3A_17 = vector.shape_cast %swap3A_16 : vector<1x1000x128xf32> to vector<1000x128xf32>
    %swap3A_18 = vector.shape_cast %concatenate3A : vector<1000x128xf32> to vector<1x1000x128xf32>
    tpu.vector_store %arg4[%swap3A, %swap3A_14, %swap3A_15], %swap3A_18 {strides = array<i32>} : memref<2x1000x128xf32, #tpu.memory_space<vmem>>, vector<1x1000x128xf32>,
    %get3A_19 = arith.constant 1 : index
    %get3A_20 = arith.constant 0 : index
    %get3A_21 = arith.constant 0 : index
    %get3A_22 = vector.load %arg1[%get3A_19, %get3A_20, %get3A_21] : memref<2x1000x128xf32, #tpu.memory_space<vmem>>, vector<1x1000x128xf32>
    %get3A_23 = vector.shape_cast %get3A_22 : vector<1x1000x128xf32> to vector<1000x128xf32>
    %slice3A_24 = vector.extract_strided_slice %get3A_23 {offsets = [0, 0], sizes = [1000, 64], strides = [1, 1]} : vector<1000x128xf32> to vector<1000x64xf32>
    %mul3A_25 = vector.broadcast %get3A_1 : vector<1000x1xf32> to vector<1000x64xf32>
    %mul3A_26 = arith.mulf %slice3A_24, %mul3A_25 : vector<1000x64xf32>
    %slice3A_27 = vector.extract_strided_slice %get3A_23 {offsets = [0, 64], sizes = [1000, 64], strides = [1, 1]} : vector<1000x128xf32> to vector<1000x64xf32>
    %mul3A_28 = vector.broadcast %get3A_4 : vector<1000x1xf32> to vector<1000x64xf32>
    %mul3A_29 = arith.mulf %slice3A_27, %mul3A_28 : vector<1000x64xf32>
    %concatenate3A_30 = tpu.concatenate %mul3A_26, %mul3A_29 in 1 : vector<1000x64xf32>, vector<1000x64xf32> -> vector<1000x128xf32>
    %swap3A_31 = arith.constant 1 : index
    %swap3A_32 = arith.constant 0 : index
    %swap3A_33 = arith.constant 0 : index
    %swap3A_34 = vector.load %arg4[%swap3A_31, %swap3A_32, %swap3A_33] : memref<2x1000x128xf32, #tpu.memory_space<vmem>>, vector<1x1000x128xf32>
    %swap3A_35 = vector.shape_cast %swap3A_34 : vector<1x1000x128xf32> to vector<1000x128xf32>
    %swap3A_36 = vector.shape_cast %concatenate3A_30 : vector<1000x128xf32> to vector<1x1000x128xf32>
    tpu.vector_store %arg4[%swap3A_31, %swap3A_32, %swap3A_33], %swap3A_36 {strides = array<i32>} : memref<2x1000x128xf32, #tpu.memory_space<vmem>>, vector<1x1000x128xf32>,
    return
  }
  func.func @transform_0(%arg0: i32) -> (i32, i32, i32) {
    %c0_i32 = arith.constant 0 : i32
    %c0_i32_0 = arith.constant 0 : i32
    %c0_i32_1 = arith.constant 0 : i32
    return %c0_i32, %arg0, %c0_i32_0 : i32, i32, i32
  }
  func.func @transform_1(%arg0: i32) -> (i32, i32) {
    %c0_i32 = arith.constant 0 : i32
    %c0_i32_0 = arith.constant 0 : i32
    return %arg0, %c0_i32 : i32, i32
  }
  func.func @transform_2(%arg0: i32) -> (i32, i32) {
    %c0_i32 = arith.constant 0 : i32
    %c0_i32_0 = arith.constant 0 : i32
    return %arg0, %c0_i32 : i32, i32
  }
  func.func @transform_3(%arg0: i32) -> (i32, i32, i32) {
    %c0_i32 = arith.constant 0 : i32
    %c0_i32_0 = arith.constant 0 : i32
    %c0_i32_1 = arith.constant 0 : i32
    return %c0_i32, %arg0, %c0_i32_0 : i32, i32, i32
  }
}

module attributes {stable_mosaic.version = 14 : i64} {
  func.func @_final_body(%arg0: i32, %arg1: memref<1000x128xf32, #tpu.memory_space<vmem>>, %arg2: memref<2x1000x128xf32, #tpu.memory_space<vmem>>, %arg3: memref<2x1000x128xf32, #tpu.memory_space<vmem>>, %arg4: memref<128x256xf32, #tpu.memory_space<vmem>>, %arg5: memref<2x2x2x64x256xf32, #tpu.memory_space<vmem>>, %arg6: memref<1x256xf32, #tpu.memory_space<vmem>>, %arg7: memref<1000x128xf32, #tpu.memory_space<vmem>>) attributes {dimension_semantics = [#tpu.dimension_semantics<arbitrary>], iteration_bounds = array<i64: 10>, scalar_prefetch = 0 : i64, scratch_operands = 0 : i64, tpu.core_type = #tpu.core_type<tc>, window_params = [{transform_indices = @transform_0, window_bounds = array<i64: 1000, 128>}, {transform_indices = @transform_1, window_bounds = array<i64: 2, 1000, 128>}, {transform_indices = @transform_2, window_bounds = array<i64: 2, 1000, 128>}, {pipeline_mode = #tpu.pipeline_mode<synchronous>, transform_indices = @transform_3, window_bounds = array<i64: 128, 256>}, {pipeline_mode = #tpu.pipeline_mode<synchronous>, transform_indices = @transform_4, window_bounds = array<i64: 2, 2, 2, 64, 256>}, {pipeline_mode = #tpu.pipeline_mode<synchronous>, transform_indices = @transform_5, window_bounds = array<i64: 1, 256>}, {transform_indices = @transform_6, window_bounds = array<i64: 1000, 128>}]} {
    %get3A = arith.constant 0 : index
    %get3A_0 = arith.constant 0 : index
    %get3A_1 = vector.load %arg1[%get3A, %get3A_0] : memref<1000x128xf32, #tpu.memory_space<vmem>>, vector<1000x128xf32>
    %get3A_2 = arith.constant 0 : index
    %get3A_3 = arith.constant 0 : index
    %get3A_4 = vector.load %arg4[%get3A_2, %get3A_3] : memref<128x256xf32, #tpu.memory_space<vmem>>, vector<128x256xf32>
    %dot_general3A = arith.constant dense<0.000000e+00> : vector<1000x256xf32>
    %dot_general3A_5 = tpu.matmul %get3A_1, %get3A_4, %dot_general3A {dimension_numbers = #tpu.dot_dimension_numbers<[1], [0], [0], [1], [0, 0, 1, 1], [], []>, transpose_lhs_hint = false} : vector<1000x128xf32>, vector<128x256xf32>, vector<1000x256xf32> -> vector<1000x256xf32>
    %get3A_6 = arith.constant 0 : index
    %get3A_7 = arith.constant 0 : index
    %get3A_8 = arith.constant 0 : index
    %get3A_9 = vector.load %arg2[%get3A_6, %get3A_7, %get3A_8] : memref<2x1000x128xf32, #tpu.memory_space<vmem>>, vector<1x1000x128xf32>
    %get3A_10 = vector.shape_cast %get3A_9 : vector<1x1000x128xf32> to vector<1000x128xf32>
    %slice3A = vector.extract_strided_slice %get3A_10 {offsets = [0, 0], sizes = [1000, 64], strides = [1, 1]} : vector<1000x128xf32> to vector<1000x64xf32>
    %get3A_11 = arith.constant 0 : index
    %get3A_12 = arith.constant 0 : index
    %get3A_13 = arith.constant 0 : index
    %get3A_14 = arith.constant 0 : index
    %get3A_15 = arith.constant 0 : index
    %get3A_16 = vector.load %arg5[%get3A_11, %get3A_12, %get3A_13, %get3A_14, %get3A_15] : memref<2x2x2x64x256xf32, #tpu.memory_space<vmem>>, vector<1x1x1x64x256xf32>
    %get3A_17 = vector.shape_cast %get3A_16 : vector<1x1x1x64x256xf32> to vector<64x256xf32>
    %dot_general3A_18 = arith.constant dense<0.000000e+00> : vector<1000x256xf32>
    %dot_general3A_19 = tpu.matmul %slice3A, %get3A_17, %dot_general3A_18 {dimension_numbers = #tpu.dot_dimension_numbers<[1], [0], [0], [1], [0, 0, 1, 1], [], []>, transpose_lhs_hint = false} : vector<1000x64xf32>, vector<64x256xf32>, vector<1000x256xf32> -> vector<1000x256xf32>
    %add3A = arith.addf %dot_general3A_5, %dot_general3A_19 : vector<1000x256xf32>
    %slice3A_20 = vector.extract_strided_slice %get3A_10 {offsets = [0, 64], sizes = [1000, 64], strides = [1, 1]} : vector<1000x128xf32> to vector<1000x64xf32>
    %get3A_21 = arith.constant 0 : index
    %get3A_22 = arith.constant 0 : index
    %get3A_23 = arith.constant 1 : index
    %get3A_24 = arith.constant 0 : index
    %get3A_25 = arith.constant 0 : index
    %get3A_26 = vector.load %arg5[%get3A_21, %get3A_22, %get3A_23, %get3A_24, %get3A_25] : memref<2x2x2x64x256xf32, #tpu.memory_space<vmem>>, vector<1x1x1x64x256xf32>
    %get3A_27 = vector.shape_cast %get3A_26 : vector<1x1x1x64x256xf32> to vector<64x256xf32>
    %dot_general3A_28 = arith.constant dense<0.000000e+00> : vector<1000x256xf32>
    %dot_general3A_29 = tpu.matmul %slice3A_20, %get3A_27, %dot_general3A_28 {dimension_numbers = #tpu.dot_dimension_numbers<[1], [0], [0], [1], [0, 0, 1, 1], [], []>, transpose_lhs_hint = false} : vector<1000x64xf32>, vector<64x256xf32>, vector<1000x256xf32> -> vector<1000x256xf32>
    %add3A_30 = arith.addf %add3A, %dot_general3A_29 : vector<1000x256xf32>
    %get3A_31 = arith.constant 1 : index
    %get3A_32 = arith.constant 0 : index
    %get3A_33 = arith.constant 0 : index
    %get3A_34 = vector.load %arg2[%get3A_31, %get3A_32, %get3A_33] : memref<2x1000x128xf32, #tpu.memory_space<vmem>>, vector<1x1000x128xf32>
    %get3A_35 = vector.shape_cast %get3A_34 : vector<1x1000x128xf32> to vector<1000x128xf32>
    %slice3A_36 = vector.extract_strided_slice %get3A_35 {offsets = [0, 0], sizes = [1000, 64], strides = [1, 1]} : vector<1000x128xf32> to vector<1000x64xf32>
    %get3A_37 = arith.constant 0 : index
    %get3A_38 = arith.constant 1 : index
    %get3A_39 = arith.constant 0 : index
    %get3A_40 = arith.constant 0 : index
    %get3A_41 = arith.constant 0 : index
    %get3A_42 = vector.load %arg5[%get3A_37, %get3A_38, %get3A_39, %get3A_40, %get3A_41] : memref<2x2x2x64x256xf32, #tpu.memory_space<vmem>>, vector<1x1x1x64x256xf32>
    %get3A_43 = vector.shape_cast %get3A_42 : vector<1x1x1x64x256xf32> to vector<64x256xf32>
    %dot_general3A_44 = arith.constant dense<0.000000e+00> : vector<1000x256xf32>
    %dot_general3A_45 = tpu.matmul %slice3A_36, %get3A_43, %dot_general3A_44 {dimension_numbers = #tpu.dot_dimension_numbers<[1], [0], [0], [1], [0, 0, 1, 1], [], []>, transpose_lhs_hint = false} : vector<1000x64xf32>, vector<64x256xf32>, vector<1000x256xf32> -> vector<1000x256xf32>
    %add3A_46 = arith.addf %add3A_30, %dot_general3A_45 : vector<1000x256xf32>
    %slice3A_47 = vector.extract_strided_slice %get3A_35 {offsets = [0, 64], sizes = [1000, 64], strides = [1, 1]} : vector<1000x128xf32> to vector<1000x64xf32>
    %get3A_48 = arith.constant 0 : index
    %get3A_49 = arith.constant 1 : index
    %get3A_50 = arith.constant 1 : index
    %get3A_51 = arith.constant 0 : index
    %get3A_52 = arith.constant 0 : index
    %get3A_53 = vector.load %arg5[%get3A_48, %get3A_49, %get3A_50, %get3A_51, %get3A_52] : memref<2x2x2x64x256xf32, #tpu.memory_space<vmem>>, vector<1x1x1x64x256xf32>
    %get3A_54 = vector.shape_cast %get3A_53 : vector<1x1x1x64x256xf32> to vector<64x256xf32>
    %dot_general3A_55 = arith.constant dense<0.000000e+00> : vector<1000x256xf32>
    %dot_general3A_56 = tpu.matmul %slice3A_47, %get3A_54, %dot_general3A_55 {dimension_numbers = #tpu.dot_dimension_numbers<[1], [0], [0], [1], [0, 0, 1, 1], [], []>, transpose_lhs_hint = false} : vector<1000x64xf32>, vector<64x256xf32>, vector<1000x256xf32> -> vector<1000x256xf32>
    %add3A_57 = arith.addf %add3A_46, %dot_general3A_56 : vector<1000x256xf32>
    %get3A_58 = arith.constant 0 : index
    %get3A_59 = arith.constant 0 : index
    %get3A_60 = arith.constant 0 : index
    %get3A_61 = vector.load %arg3[%get3A_58, %get3A_59, %get3A_60] : memref<2x1000x128xf32, #tpu.memory_space<vmem>>, vector<1x1000x128xf32>
    %get3A_62 = vector.shape_cast %get3A_61 : vector<1x1000x128xf32> to vector<1000x128xf32>
    %slice3A_63 = vector.extract_strided_slice %get3A_62 {offsets = [0, 0], sizes = [1000, 64], strides = [1, 1]} : vector<1000x128xf32> to vector<1000x64xf32>
    %get3A_64 = arith.constant 1 : index
    %get3A_65 = arith.constant 0 : index
    %get3A_66 = arith.constant 0 : index
    %get3A_67 = arith.constant 0 : index
    %get3A_68 = arith.constant 0 : index
    %get3A_69 = vector.load %arg5[%get3A_64, %get3A_65, %get3A_66, %get3A_67, %get3A_68] : memref<2x2x2x64x256xf32, #tpu.memory_space<vmem>>, vector<1x1x1x64x256xf32>
    %get3A_70 = vector.shape_cast %get3A_69 : vector<1x1x1x64x256xf32> to vector<64x256xf32>
    %dot_general3A_71 = arith.constant dense<0.000000e+00> : vector<1000x256xf32>
    %dot_general3A_72 = tpu.matmul %slice3A_63, %get3A_70, %dot_general3A_71 {dimension_numbers = #tpu.dot_dimension_numbers<[1], [0], [0], [1], [0, 0, 1, 1], [], []>, transpose_lhs_hint = false} : vector<1000x64xf32>, vector<64x256xf32>, vector<1000x256xf32> -> vector<1000x256xf32>
    %add3A_73 = arith.addf %add3A_57, %dot_general3A_72 : vector<1000x256xf32>
    %slice3A_74 = vector.extract_strided_slice %get3A_62 {offsets = [0, 64], sizes = [1000, 64], strides = [1, 1]} : vector<1000x128xf32> to vector<1000x64xf32>
    %get3A_75 = arith.constant 1 : index
    %get3A_76 = arith.constant 0 : index
    %get3A_77 = arith.constant 1 : index
    %get3A_78 = arith.constant 0 : index
    %get3A_79 = arith.constant 0 : index
    %get3A_80 = vector.load %arg5[%get3A_75, %get3A_76, %get3A_77, %get3A_78, %get3A_79] : memref<2x2x2x64x256xf32, #tpu.memory_space<vmem>>, vector<1x1x1x64x256xf32>
    %get3A_81 = vector.shape_cast %get3A_80 : vector<1x1x1x64x256xf32> to vector<64x256xf32>
    %dot_general3A_82 = arith.constant dense<0.000000e+00> : vector<1000x256xf32>
    %dot_general3A_83 = tpu.matmul %slice3A_74, %get3A_81, %dot_general3A_82 {dimension_numbers = #tpu.dot_dimension_numbers<[1], [0], [0], [1], [0, 0, 1, 1], [], []>, transpose_lhs_hint = false} : vector<1000x64xf32>, vector<64x256xf32>, vector<1000x256xf32> -> vector<1000x256xf32>
    %add3A_84 = arith.addf %add3A_73, %dot_general3A_83 : vector<1000x256xf32>
    %get3A_85 = arith.constant 1 : index
    %get3A_86 = arith.constant 0 : index
    %get3A_87 = arith.constant 0 : index
    %get3A_88 = vector.load %arg3[%get3A_85, %get3A_86, %get3A_87] : memref<2x1000x128xf32, #tpu.memory_space<vmem>>, vector<1x1000x128xf32>
    %get3A_89 = vector.shape_cast %get3A_88 : vector<1x1000x128xf32> to vector<1000x128xf32>
    %slice3A_90 = vector.extract_strided_slice %get3A_89 {offsets = [0, 0], sizes = [1000, 64], strides = [1, 1]} : vector<1000x128xf32> to vector<1000x64xf32>
    %get3A_91 = arith.constant 1 : index
    %get3A_92 = arith.constant 1 : index
    %get3A_93 = arith.constant 0 : index
    %get3A_94 = arith.constant 0 : index
    %get3A_95 = arith.constant 0 : index
    %get3A_96 = vector.load %arg5[%get3A_91, %get3A_92, %get3A_93, %get3A_94, %get3A_95] : memref<2x2x2x64x256xf32, #tpu.memory_space<vmem>>, vector<1x1x1x64x256xf32>
    %get3A_97 = vector.shape_cast %get3A_96 : vector<1x1x1x64x256xf32> to vector<64x256xf32>
    %dot_general3A_98 = arith.constant dense<0.000000e+00> : vector<1000x256xf32>
    %dot_general3A_99 = tpu.matmul %slice3A_90, %get3A_97, %dot_general3A_98 {dimension_numbers = #tpu.dot_dimension_numbers<[1], [0], [0], [1], [0, 0, 1, 1], [], []>, transpose_lhs_hint = false} : vector<1000x64xf32>, vector<64x256xf32>, vector<1000x256xf32> -> vector<1000x256xf32>
    %add3A_100 = arith.addf %add3A_84, %dot_general3A_99 : vector<1000x256xf32>
    %slice3A_101 = vector.extract_strided_slice %get3A_89 {offsets = [0, 64], sizes = [1000, 64], strides = [1, 1]} : vector<1000x128xf32> to vector<1000x64xf32>
    %get3A_102 = arith.constant 1 : index
    %get3A_103 = arith.constant 1 : index
    %get3A_104 = arith.constant 1 : index
    %get3A_105 = arith.constant 0 : index
    %get3A_106 = arith.constant 0 : index
    %get3A_107 = vector.load %arg5[%get3A_102, %get3A_103, %get3A_104, %get3A_105, %get3A_106] : memref<2x2x2x64x256xf32, #tpu.memory_space<vmem>>, vector<1x1x1x64x256xf32>
    %get3A_108 = vector.shape_cast %get3A_107 : vector<1x1x1x64x256xf32> to vector<64x256xf32>
    %dot_general3A_109 = arith.constant dense<0.000000e+00> : vector<1000x256xf32>
    %dot_general3A_110 = tpu.matmul %slice3A_101, %get3A_108, %dot_general3A_109 {dimension_numbers = #tpu.dot_dimension_numbers<[1], [0], [0], [1], [0, 0, 1, 1], [], []>, transpose_lhs_hint = false} : vector<1000x64xf32>, vector<64x256xf32>, vector<1000x256xf32> -> vector<1000x256xf32>
    %add3A_111 = arith.addf %add3A_100, %dot_general3A_110 : vector<1000x256xf32>
    %get3A_112 = arith.constant 0 : index
    %get3A_113 = arith.constant 0 : index
    %get3A_114 = vector.load %arg6[%get3A_112, %get3A_113] : memref<1x256xf32, #tpu.memory_space<vmem>>, vector<1x256xf32>
    %add3A_115 = vector.broadcast %get3A_114 : vector<1x256xf32> to vector<1000x256xf32>
    %add3A_116 = arith.addf %add3A_111, %add3A_115 : vector<1000x256xf32>
    %slice3A_117 = vector.extract_strided_slice %add3A_116 {offsets = [0, 0], sizes = [1000, 128], strides = [1, 1]} : vector<1000x256xf32> to vector<1000x128xf32>
    %logistic3A = arith.negf %slice3A_117 : vector<1000x128xf32>
    %logistic3A_118 = math.exp %logistic3A : vector<1000x128xf32>
    %logistic3A_119 = arith.constant 1.000000e+00 : f32
    %logistic3A_120 = vector.broadcast %logistic3A_119 : f32 to vector<1000x128xf32>
    %logistic3A_121 = arith.addf %logistic3A_120, %logistic3A_118 : vector<1000x128xf32>
    %logistic3A_122 = arith.divf %logistic3A_120, %logistic3A_121 : vector<1000x128xf32>
    %slice3A_123 = vector.extract_strided_slice %add3A_116 {offsets = [0, 128], sizes = [1000, 128], strides = [1, 1]} : vector<1000x256xf32> to vector<1000x128xf32>
    %tanh3A = math.tanh %slice3A_123 : vector<1000x128xf32>
    %sub3A = arith.constant 1.000000e+00 : f32
    %sub3A_124 = vector.broadcast %sub3A : f32 to vector<1000x128xf32>
    %sub3A_125 = arith.subf %sub3A_124, %logistic3A_122 : vector<1000x128xf32>
    %mul3A = arith.mulf %sub3A_125, %tanh3A : vector<1000x128xf32>
    %swap3A = arith.constant 0 : index
    %swap3A_126 = arith.constant 0 : index
    %swap3A_127 = vector.load %arg7[%swap3A, %swap3A_126] : memref<1000x128xf32, #tpu.memory_space<vmem>>, vector<1000x128xf32>
    tpu.vector_store %arg7[%swap3A, %swap3A_126], %mul3A {strides = array<i32>} : memref<1000x128xf32, #tpu.memory_space<vmem>>, vector<1000x128xf32>,
    return
  }
  func.func @transform_0(%arg0: i32) -> (i32, i32) {
    %c0_i32 = arith.constant 0 : i32
    %c0_i32_0 = arith.constant 0 : i32
    return %arg0, %c0_i32 : i32, i32
  }
  func.func @transform_1(%arg0: i32) -> (i32, i32, i32) {
    %c0_i32 = arith.constant 0 : i32
    %c0_i32_0 = arith.constant 0 : i32
    %c0_i32_1 = arith.constant 0 : i32
    return %c0_i32, %arg0, %c0_i32_0 : i32, i32, i32
  }
  func.func @transform_2(%arg0: i32) -> (i32, i32, i32) {
    %c0_i32 = arith.constant 0 : i32
    %c0_i32_0 = arith.constant 0 : i32
    %c0_i32_1 = arith.constant 0 : i32
    return %c0_i32, %arg0, %c0_i32_0 : i32, i32, i32
  }
  func.func @transform_3(%arg0: i32) -> (i32, i32) {
    %c0_i32 = arith.constant 0 : i32
    %c0_i32_0 = arith.constant 0 : i32
    %c0_i32_1 = arith.constant 0 : i32
    return %c0_i32, %c0_i32_0 : i32, i32
  }
  func.func @transform_4(%arg0: i32) -> (i32, i32, i32, i32, i32) {
    %c0_i32 = arith.constant 0 : i32
    %c0_i32_0 = arith.constant 0 : i32
    %c0_i32_1 = arith.constant 0 : i32
    %c0_i32_2 = arith.constant 0 : i32
    %c0_i32_3 = arith.constant 0 : i32
    %c0_i32_4 = arith.constant 0 : i32
    return %c0_i32, %c0_i32_0, %c0_i32_1, %c0_i32_2, %c0_i32_3 : i32, i32, i32, i32, i32
  }
  func.func @transform_5(%arg0: i32) -> (i32, i32) {
    %c0_i32 = arith.constant 0 : i32
    %c0_i32_0 = arith.constant 0 : i32
    %c0_i32_1 = arith.constant 0 : i32
    return %c0_i32, %c0_i32_0 : i32, i32
  }
  func.func @transform_6(%arg0: i32) -> (i32, i32) {
    %c0_i32 = arith.constant 0 : i32
    %c0_i32_0 = arith.constant 0 : i32
    return %arg0, %c0_i32 : i32, i32
  }
}

</mosaic_0001>

<sc_bundles>
// kernel: kernel.11.cloned.1.call-start
scs
__scs_entry_jumppad:
0x0: {  	(pc) =	sbr.rel $0x88, $3  }
0x1: {  	(tag) =	ssettag $0x0;
	lr =	simm.s32 $0x1  }
0x2: {  	[smem:$0x3F9A] =	sst lr;
	_ =	strace $0xD0000000  }
0x3: {  	_ = 	snop  }
0x4: {  	_ = 	snop  }
0x5: {  	_ = 	snop  }
0x6: {  	_ = 	snop  }
0x7: {  	_ = 	snop  }
__scs_overlays_trampoline_lowered:
0x8: {  	[smem:$0x3FA9] =	sst s0  }
0x9: {  	[smem:$0x3FAA] =	sst s1  }
0xa: {  	[smem:$0x3FAB] =	sst s2  }
0xb: {  	[smem:$0x3FAC] =	sst s3  }
0xc: {  	[smem:$0x3FAD] =	sst s4  }
0xd: {  	[smem:$0x3FAE] =	sst s5  }
0xe: {  	[smem:$0x3FAF] =	sst s6  }
0xf: {  	[smem:$0x3FB0] =	sst s7  }
0x10: {  	[smem:$0x3FB1] =	sst s8  }
0x11: {  	[smem:$0x3FB2] =	sst s9;
	s0 =	simm.s32 @!p0 $0x0  }
0x12: {  	s1 =	sld [smem:$0x3F98];
	s0 =	simm.s32 @p0 $0x1  }
0x13: {  	[smem:$0x3FB3] =	sst s0;
	s0 =	simm.s32 @!p1 $0x0  }
0x14: {  	s2 =	sld [smem:$0x3F97];
	s0 =	simm.s32 @p1 $0x1  }
0x15: {  	[smem:$0x3FB4] =	sst s0;
	s0 =	simm.s32 @!p2 $0x0  }
0x16: {  	s3 =	sld [smem:$0x3FDB];
	s0 =	simm.s32 @p2 $0x1  }
0x17: {  	s4 =	simm.s32 $0x1BF5;
	[smem:$0x3FB6] =	sst s0  }
0x18: {  	s0 =	sld [smem:$0x3F99];
	_ =	swait.ge [sflag:s4], $0x0  }
0x19: {  	s7 =	sld [smem:$0x3F9A]  }
0x1a: {  	s8 =	sadd.s32 $0xFFFFE003, lr  }
0x1b: {  	s9 =	sadd.s32 $0xFFFFFEF7, lr;
	s5 =	simm.s32 $0xFFFFFFFF;
	p2 =	slt.u32 s8, $0xFFFFF086  }
0x1c: {  	p1 =	slt.u32 s9, $0xF7A;
	s5 =	simm.s32 @!p2 $0x0  }
0x1d: {  	s5 =	simm.s32 @p1 $0x1;
	p0 =	seq.s32 s7, s2  }
0x1e: {  	s7 =	smul.u32 @!p0 $0xF7A, s2;
	p2 =	seq.s32 @!p0 s5, $0x0  }
0x1f: {  	s9 =	smul.u32 $0xF7A, s1;
	s8 =	simm.s32 @!p0 $0x1BF5;
	p2 =	por !p2, p0  }
0x20: {  	[sflag:s8] =	ssyncset.s32 @!p0 $0xFFFFF086;
	s6 =	sadd.s32 @!p0 s3, s7;
	s7 =	simm.s32 @!p0 $0x108  }
0x21: {  	s3 =	sadd.s32 s3, s9;
	s6 =	sadd.s32 @!p0 $0x88, s6;
	s7 =	simm.s32 @p2 $0x1082  }
0x22: {  	[simem:s7], [sflag:s8] =	dma.local @!p0 [hbm:s6], $0xF7A  }
0x23: {  	s9 =	sor.u32 $0xD0000000, s2;
	s6 =	simm.s32 $0x108;
	_ =	swait.ge @!p0 [sflag:s8], $0x0  }
0x24: {  	s3 =	sadd.s32 $0x88, s3;
	s6 =	simm.s32 @!p1 $0x1082;
	[sflag:s4] =	ssyncset.s32 $0xFFFFF086  }
0x25: {  	[simem:s6], [sflag:s4] =	dma.local [hbm:s3], $0xF7A  }
0x26: {  	[smem:$0x3F9A] =	sst s1;
	(tag) =	ssettag s2;
	_ =	strace s9  }
0x27: {  	s1 =	sld [smem:$0x3FAA]  }
0x28: {  	s2 =	sld [smem:$0x3FAB]  }
0x29: {  	s4 =	sld [smem:$0x3FAD]  }
0x2a: {  	p0 =	seq.s32 s5, $0x0;
	s5 =	sld [smem:$0x3FAE]  }
0x2b: {  	s6 =	sld [smem:$0x3FAF]  }
0x2c: {  	s7 =	sld [smem:$0x3FB0]  }
0x2d: {  	s3 =	simm.s32 $0x108;
	s8 =	sld [smem:$0x3FB1]  }
0x2e: {  	s3 =	simm.s32 @!p0 $0x1082;
	s9 =	sld [smem:$0x3FB2]  }
0x2f: {  	lr =	sadd.s32 s0, s3;
	s0 =	sld [smem:$0x3FA9]  }
0x30: {  	s3 =	sld [smem:$0x3FAC]  }
0x31: {  	[smem:$0x3FB5] =	sst s10  }
0x32: {  	s10 =	sld [smem:$0x3FB3];
	_ =	sdelay $0x3  }
0x33: {  	p0 =	seq.s32 s10, $0x1;
	s10 =	sld [smem:$0x3FB5];
	_ =	sdelay $0x3  }
0x34: {  	[smem:$0x3FB5] =	sst s10  }
0x35: {  	s10 =	sld [smem:$0x3FB4];
	_ =	sdelay $0x3  }
0x36: {  	p1 =	seq.s32 s10, $0x1;
	s10 =	sld [smem:$0x3FB5];
	_ =	sdelay $0x3  }
0x37: {  	[smem:$0x3FB5] =	sst s10  }
0x38: {  	s10 =	sld [smem:$0x3FB6]  }
0x39: {  	_ = 	snop;
	(pc) =	sbr.ind lr, $3  }
0x3a: {  	_ = 	snop  }
0x3b: {  	_ = 	snop  }
0x3c: {  	p2 =	seq.s32 s10, $0x1;
	s10 =	sld [smem:$0x3FB5]  }
0x3d: {  	_ =	shalt  }
0x3e: {  	_ =	shalt  }
0x3f: {  	_ =	shalt  }
0x40: {  	_ =	shalt  }
0x41: {  	_ =	shalt  }
0x42: {  	_ =	shalt  }
0x43: {  	_ =	shalt  }
0x44: {  	_ =	shalt  }
0x45: {  	_ =	shalt  }
0x46: {  	_ =	shalt  }
0x47: {  	_ =	shalt  }
0x48: {  	_ =	shalt  }
0x49: {  	_ =	shalt  }
0x4a: {  	_ =	shalt  }
0x4b: {  	_ =	shalt  }
0x4c: {  	_ =	shalt  }
0x4d: {  	_ =	shalt  }
0x4e: {  	_ =	shalt  }
0x4f: {  	_ =	shalt  }
0x50: {  	_ =	shalt  }
0x51: {  	_ =	shalt  }
0x52: {  	_ =	shalt  }
0x53: {  	_ =	shalt  }
0x54: {  	_ =	shalt  }
0x55: {  	_ =	shalt  }
0x56: {  	_ =	shalt  }
0x57: {  	_ =	shalt  }
0x58: {  	_ =	shalt  }
0x59: {  	_ =	shalt  }
0x5a: {  	_ =	shalt  }
0x5b: {  	_ =	shalt  }
0x5c: {  	_ =	shalt  }
0x5d: {  	_ =	shalt  }
0x5e: {  	_ =	shalt  }
0x5f: {  	_ =	shalt  }
0x60: {  	_ =	shalt  }
0x61: {  	_ =	shalt  }
0x62: {  	_ =	shalt  }
0x63: {  	_ =	shalt  }
0x64: {  	_ =	shalt  }
0x65: {  	_ =	shalt  }
0x66: {  	_ =	shalt  }
0x67: {  	_ =	shalt  }
0x68: {  	_ =	shalt  }
0x69: {  	_ =	shalt  }
0x6a: {  	_ =	shalt  }
0x6b: {  	_ =	shalt  }
0x6c: {  	_ =	shalt  }
0x6d: {  	_ =	shalt  }
0x6e: {  	_ =	shalt  }
0x6f: {  	_ =	shalt  }
0x70: {  	_ =	shalt  }
0x71: {  	_ =	shalt  }
0x72: {  	_ =	shalt  }
0x73: {  	_ =	shalt  }
0x74: {  	_ =	shalt  }
0x75: {  	_ =	shalt  }
0x76: {  	_ =	shalt  }
0x77: {  	_ =	shalt  }
0x78: {  	_ =	shalt  }
0x79: {  	_ =	shalt  }
0x7a: {  	_ =	shalt  }
0x7b: {  	_ =	shalt  }
0x7c: {  	_ =	shalt  }
0x7d: {  	_ =	shalt  }
0x7e: {  	_ =	shalt  }
0x7f: {  	_ =	shalt  }
0x80: {  	_ =	shalt  }
0x81: {  	_ =	shalt  }
0x82: {  	_ =	shalt  }
0x83: {  	_ =	shalt  }
0x84: {  	_ =	shalt  }
0x85: {  	_ =	shalt  }
0x86: {  	_ =	shalt  }
0x87: {  	_ =	shalt  }
.Lfunc_end0:
.L_simem_size_0:
called_computation.1_lowered:
.L_overlay_start_0:
0x88: {  	s2 =	sld [smem:$0x3FD9]  }
0x89: {  	s3 =	sld [smem:$0x3FFE];
	_ =	sdelay $0x1  }
0x8a: {  	s1 =	srdreg.scid  }
0x8b: {  	s0 =	sand.u32 $0x1, s1  }
0x8c: {  	s17 =	sshll.u32 s0, $0xA;
	s2 =	sadd.s32 s3, s2  }
0x8d: {  	s2 =	sadd.s32 s2, s17  }
0x8e: {  	[smem:$0x3FC1] =	sst s2  }
0x8f: {  	_ = 	snop  }
0x90: {  	s2 =	sld [smem:$0x3FD0];
	(tm) =	ssettm $0x1  }
0x91: {  	s18 =	sld [smem:$0x3FFB];
	_ =	sdelay $0x3  }
0x92: {  	_ =	strace s18  }
0x93: {  	s3 =	sld [smem:$0x3FFC];
	_ =	sdelay $0x3  }
0x94: {  	_ =	strace s3  }
0x95: {  	s3 =	sld [smem:$0x3FFD];
	_ =	sdelay $0x3  }
0x96: {  	_ =	strace s3  }
0x97: {  	_ =	strace $0x8FFFFFFF  }
0x98: {  	s19 =	sld [smem:$0x3FDB];
	_ =	sdelay $0x1  }
0x99: {  	s4 =	simm.s32 $_scs_section_size  }
0x9a: {  	s5 =	simm.s32 $_size__tile_overlayer_lowered;
	s6 =	simm.s32 $_tile_overlayer_lowered  }
0x9b: {  	s22 =	simm.s32 $0x1BFF;
	s21 =	sshll.u32 s6, $0x1;
	s3 =	sadd.s32 s4, s19  }
0x9c: {  	s7 =	simm.s32 $0x0;
	s20 =	sshll.u32 s5, $0x1;
	s5 =	sadd.s32 s21, s3  }
0x9d: {  	[timem:s7], [sflag:s22] =	dma.local [hbm:s5], s20  }
0x9e: {  	_ =	swait.ge [sflag:s22], s20  }
0x9f: {  	s4 =	ssub.s32 $0x0, s20;
	[sflag:s22] =	ssyncset.done $0x0  }
0xa0: {  	[sflag:s22] =	ssyncadd.s32 s4;
	_ =	sdelay $0x1  }
0xa1: {  	s23 =	simm.s32 $0x1B8B  }
0xa2: {  	_ =	swait.ge [sflag:s23], $0x1  }
0xa3: {  	[sflag:s23] =	ssyncset.done $0x0  }
0xa4: {  	s25 =	simm.s32 $0x1B8E;
	s24 =	sld [smem:$0x3FFE];
	[sflag:s23] =	ssyncadd.s32 $0xFFFFFFFF  }
0xa5: {  	s26 =	simm.s32 $execute0_lowered;
	[smem:$0x3FD2] =	sst s25  }
0xa6: {  	s5 =	sshll.u32 s26, $0x1;
	_ =	strace $0x80000049;
	[dreg:$0x1] =	wrdreg $0xFFFFFFFF  }
0xa7: {  	s28 =	simm.s32 $_size_execute0_lowered;
	s3 =	sadd.s32 s3, s5;
	[dreg:$0x0] =	wrdreg $0x0  }
0xa8: {  	s5 =	sshll.u32 s28, $0x1;
	[dreg:$0x2] =	wrdreg s3  }
0xa9: {  	[dreg:$0x3] =	wrdreg s5  }
0xaa: {  	[dreg:$0x4] =	wrdreg $0xC0  }
0xab: {  	_ =	task [dreg:s7], $0x5FFFF  }
0xac: {  	[dreg:$0x1] =	wrdreg $0xFFFFFFFF  }
0xad: {  	[dreg:$0x0] =	wrdreg $0x60  }
0xae: {  	[dreg:$0x2] =	wrdreg s24  }
0xaf: {  	[dreg:$0x3] =	wrdreg s2  }
0xb0: {  	[dreg:$0x4] =	wrdreg $0x82000  }
0xb1: {  	[dreg:$0x5] =	wrdreg $0x9  }
0xb2: {  	_ =	task.clear_ibuf [dreg:s7], $0x6FFFF;
	_ =	strace $0x90000049  }
0xb3: {  	s29 =	simm.s32 $0x9;
	_ =	strace $0x8000004B  }
0xb4: {  	_ =	swait.ge [sflag:s29], $0x1  }
0xb5: {  	[sflag:s29] =	ssyncadd.s32 $0xFFFFFFFF  }
0xb6: {  	_ =	strace $0x9000004B  }
0xb7: {  	_ =	sfence  }
0xb8: {  	s30 =	sld [smem:$0x0];
	_ =	sdelay $0x2  }
0xb9: {  	s31 =	sshll.u32 s1, $0xD;
	s1 =	sshrl.u32 s1, $0x2  }
0xba: {  	s3 =	sand.u32 $0x4000, s31;
	s1 =	sadd.s32 s1, s30  }
0xbb: {  	s0 =	sor.u32 s3, s0;
	s1 =	sshll.u32 s1, $0x11  }
0xbc: {  	s0 =	sor.u32 s1, s0  }
0xbd: {  	s0 =	sadd.s32 $0x8F2B, s0  }
0xbe: {  	[sflag:s0] =	ssyncadd.remote.s32 $0x1  }
0xbf: {  	_ =	sfence.sel $0xFFFF  }
0xc0: {  	[dreg:$0x0] =	wrdreg $0xFFFFFFFF;
	(pc) =	sbr.abs _section_cstart, $3  }
0xc1: {  	[dreg:$0x1] =	wrdreg $0xFFFFFFFF  }
0xc2: {  	_ =	task.clear_ibuf [dreg:s7], $0x2FFFF;
	_ =	strace $0x9FFFFFFF  }
0xc3: {  	(tm) =	ssettm $0x7FFFFFFF  }
tec
execute0_lowered:
.L_overlay_start_1:
0x0: {  	(tag) =	ssettag $0x1  }
0x1: {  	s7 =	rddreg [dreg:$0x0]  }
0x2: {  	s1 =	rddreg [dreg:$0x1]  }
0x3: {  	s2 =	rddreg [dreg:$0x2];
	s3 =	srdreg.scid  }
0x4: {  	s0 =	rddreg [dreg:$0x3];
	s4 =	simm.s32 $0x0;
	s14 =	simm.s32 $0x3200  }
0x5: {  	s15 =	simm.s32 $0x100;
	s16 =	simm.s32 $0x5A00;
	s17 =	simm.s32 $0x1  }
0x6: {  	s18 =	simm.s32 $0x80;
	s19 =	simm.s32 $0x3;
	s8 =	sand.u32 $0x1, s3  }
0x7: {  	s20 =	simm.s32 $0x2;
	s3 =	stileid.u32;
	s9 =	smul.u32 $0x140000, s8  }
0x8: {  	s21 =	simm.s32 $0x4;
	s22 =	simm.s32 $0x3180;
	s10 =	smul.u32 $0x14000, s3  }
0x9: {  	s23 =	simm.s32 $0x0;
	[smem:$0x7FF] =	sst s4;
	s28 =	smul.u32 $0x50000, s3  }
0xa: {  	s5 =	sadd.s32 $0x11FE00, s7;
	s11 =	ssub.s32 $0x2, s8;
	s8 =	smul.u32 $0xFA0, s8  }
0xb: {  	s6 =	sadd.s32 $0xE1600, s7;
	_ =	strace $0x8000004A;
	s12 =	smul.u32 $0xFA, s3  }
0xc: {  	s31 =	sshll.u32 s3, $0x6;
	s29 =	sshrl.u32 s11, $0x1;
	s9 =	sadd.s32 s10, s9  }
0xd: {  	s11 =	ssub.s32 s11, s29;
	s30 =	sshrl.u32 s28, $0x2;
	s8 =	sadd.s32 s12, s8  }
0xe: {  	s12 =	simm.s32 $0x5;
	s9 =	sshrl.u32 s9, $0x3;
	s13 =	sadd.s32 s30, s2  }
0xf: {  	s10 =	smax.u32 s11, $0x1;
	s9 =	sadd.s32 s9, s7;
	s7 =	sor.u32 $0x1C05, s31  }
0x10: {  	s11 =	sshrl.u32 s13, $0x3;
	s13 =	simm.s32 $0x50;
	s9 =	sadd.s32 $0x2E00, s9  }
.LBB2_1:
0x11: {  	[spmem:s11], [sflag:s7] =	dma.local [hbm:s1], $0x2800  }
0x12: {  	_ =	swait.ge [sflag:s12], $0x2800  }
0x13: {  	[sflag:s12] =	ssyncset.done $0x0  }
0x14: {  	[sflag:s12] =	ssyncadd.s32 $0xFFFFD800  }
0x15: {  	s24 =	simm.s32 $0x0;
	[bflag:$0x0] =	sbarrier.arrive $0xFFFF  }
.LBB2_2:
0x16: {  	s25 =	smul.u32 $0x32, s24;
	_ =	sdelay $0x1  }
0x17: {  	s25 =	sadd.s32 s25, s8  }
0x18: {  	s25 =	sshll.u32 s25, $0x5  }
0x19: {  	s25 =	sadd.s32 s6, s25  }
0x1a: {  	[tilespmem:s4], [sflag:$0x5] =	stream.linear.gather [hbm4b:s25+s4], $0x3200, $0x38;
	[tilespmem:$0x1C200] =	vst v63  }
0x1b: {  	_ =	swait.ge [sflag:s12], $0x3200  }
0x1c: {  	[sflag:s12] =	ssyncset.done $0x0  }
0x1d: {  	[sflag:s12] =	ssyncadd.s32 $0xFFFFCE00  }
0x1e: {  	[tilespmem:s14], [sflag:$0x1] =	stream.indirect.gather [hbm4b:s5+s13], $0x80, s4, s13, $0xb8;
	[tilespmem:$0x1C200] =	vst v63  }
0x1f: {  	_ = 	snop  }
0x20: {  	[tilespmem:s16], [sflag:$0x2] =	stream.indirect.gather [hbm4b:s5+s13], $0x80, s15, s13, $0xb8;
	[tilespmem:$0x1C200] =	vst v63  }
0x21: {  	_ =	swait.ge [sflag:s17], $0x2800  }
0x22: {  	[sflag:s17] =	ssyncset.done $0x0  }
0x23: {  	[sflag:s17] =	ssyncadd.s32 $0xFFFFD800  }
0x24: {  	[spmem:s2] =	stream.indirect.scatter.add.f32 [tilespmem:s14], [sflag:$0x3], $0x80, s18, s13, $0xb8;
	[tilespmem:$0x1C200] =	vst v63  }
0x25: {  	_ =	swait.ge [sflag:s19], $0x2800  }
0x26: {  	[sflag:s19] =	ssyncset.done $0x0  }
0x27: {  	s29 =	simm.s32 $0x200;
	[sflag:s19] =	ssyncadd.s32 $0xFFFFD800  }
0x28: {  	[tilespmem:s14], [sflag:$0x1] =	stream.indirect.gather [hbm4b:s5+s13], $0x80, s29, s13, $0xb8;
	[tilespmem:$0x1C200] =	vst v63  }
0x29: {  	_ =	swait.ge [sflag:s20], $0x2800  }
0x2a: {  	[sflag:s20] =	ssyncset.done $0x0  }
0x2b: {  	s30 =	simm.s32 $0x180;
	[sflag:s20] =	ssyncadd.s32 $0xFFFFD800  }
0x2c: {  	[spmem:s2] =	stream.indirect.scatter.add.f32 [tilespmem:s16], [sflag:$0x4], $0x80, s30, s13, $0xb8;
	[tilespmem:$0x1C200] =	vst v63  }
0x2d: {  	_ =	swait.ge [sflag:s21], $0x2800  }
0x2e: {  	[sflag:s21] =	ssyncset.done $0x0  }
0x2f: {  	s31 =	simm.s32 $0x300;
	[sflag:s21] =	ssyncadd.s32 $0xFFFFD800  }
0x30: {  	[tilespmem:s16], [sflag:$0x2] =	stream.indirect.gather [hbm4b:s5+s13], $0x80, s31, s13, $0xb8;
	[tilespmem:$0x1C200] =	vst v63  }
0x31: {  	_ =	swait.ge [sflag:s17], $0x2800  }
0x32: {  	[sflag:s17] =	ssyncset.done $0x0  }
0x33: {  	s26 =	simm.s32 $0x280;
	s25 =	simm.s32 $0xFFFF4800;
	[sflag:s17] =	ssyncadd.s32 $0xFFFFD800  }
.LBB2_3:
0x34: {  	[spmem:s2] =	stream.indirect.scatter.add.f32 [tilespmem:s14], [sflag:$0x3], $0x80, s26, s13, $0xb8;
	[tilespmem:$0x1C200] =	vst v63  }
0x35: {  	s26 =	smov.u32 s25  }
0x36: {  	p0 =	sne.s32 s25, $0xFFFFF800;
	s25 =	sadd.s32 $0x800, s25;
	_ =	swait.ge [sflag:s19], $0x2800  }
0x37: {  	s26 =	sshra.s32 s26, $0x2;
	[sflag:s19] =	ssyncset.done $0x0  }
0x38: {  	s28 =	sadd.s32 $0x3200, s26;
	[sflag:s19] =	ssyncadd.s32 $0xFFFFD800  }
0x39: {  	[tilespmem:s14], [sflag:$0x1] =	stream.indirect.gather [hbm4b:s5+s13], $0x80, s28, s13, $0xb8;
	[tilespmem:$0x1C200] =	vst v63  }
0x3a: {  	_ =	swait.ge [sflag:s20], $0x2800  }
0x3b: {  	[sflag:s20] =	ssyncset.done $0x0  }
0x3c: {  	s28 =	sadd.s32 $0x3180, s26;
	[sflag:s20] =	ssyncadd.s32 $0xFFFFD800  }
0x3d: {  	[spmem:s2] =	stream.indirect.scatter.add.f32 [tilespmem:s16], [sflag:$0x4], $0x80, s28, s13, $0xb8;
	[tilespmem:$0x1C200] =	vst v63  }
0x3e: {  	_ =	swait.ge [sflag:s21], $0x2800  }
0x3f: {  	[sflag:s21] =	ssyncset.done $0x0  }
.Ltmp0:
0x40: {  	s28 =	sadd.s32 $0x3300, s26;
	[sflag:s21] =	ssyncadd.s32 $0xFFFFD800;
	(pc) =	sbr.rel @p0 .LBB2_3-.Ltmp0, $4  }
0x41: {  	[tilespmem:s16], [sflag:$0x2] =	stream.indirect.gather [hbm4b:s5+s13], $0x80, s28, s13, $0xb8;
	[tilespmem:$0x1C200] =	vst v63  }
0x42: {  	_ =	swait.ge [sflag:s17], $0x2800  }
0x43: {  	[sflag:s17] =	ssyncset.done $0x0  }
0x44: {  	s26 =	sadd.s32 $0x3280, s26;
	[sflag:s17] =	ssyncadd.s32 $0xFFFFD800  }
0x45: {  	[spmem:s2] =	stream.indirect.scatter.add.f32 [tilespmem:s14], [sflag:$0x3], $0x80, s26, s13, $0xb8;
	[tilespmem:$0x1C200] =	vst v63  }
0x46: {  	_ =	swait.ge [sflag:s20], $0x2800  }
0x47: {  	[sflag:s20] =	ssyncset.done $0x0  }
0x48: {  	s24 =	sadd.s32 $0x1, s24;
	[sflag:s20] =	ssyncadd.s32 $0xFFFFD800  }
0x49: {  	[spmem:s2] =	stream.indirect.scatter.add.f32 [tilespmem:s16], [sflag:$0x4], $0x80, s22, s13, $0xb8;
	[tilespmem:$0x1C200] =	vst v63  }
0x4a: {  	p0 =	sne.s32 s24, $0x5;
	_ =	swait.ge [sflag:s19], $0x2800  }
.Ltmp1:
0x4b: {  	[sflag:s19] =	ssyncset.done $0x0;
	(pc) =	sbr.rel @p0 .LBB2_2-.Ltmp1, $4  }
0x4c: {  	[sflag:s19] =	ssyncadd.s32 $0xFFFFD800  }
0x4d: {  	_ =	swait.ge [sflag:s21], $0x2800  }
0x4e: {  	[sflag:s21] =	ssyncset.done $0x0  }
0x4f: {  	[sflag:s21] =	ssyncadd.s32 $0xFFFFD800  }
0x50: {  	s23 =	sadd.s32 $0x1, s23  }
0x51: {  	p0 =	sne.s32 s23, s10  }
.Ltmp2:
0x52: {  	[bflag:$0x0] =	sbarrier.arrive $0xFFFF;
	(pc) =	sbr.rel @p0 .LBB2_1-.Ltmp2, $4  }
0x53: {  	[hbm:s9], [sflag:s7] =	dma.local [spmem:s11], $0x2800  }
0x54: {  	_ =	swait.ge [sflag:s12], $0x2800  }
0x55: {  	[sflag:s12] =	ssyncset.done $0x0  }
0x56: {  	[sflag:s12] =	ssyncadd.s32 $0xFFFFD800  }
0x57: {  	_ =	sfence.sel $0x180000  }
0x58: {  	[bflag:$0x0] =	sbarrier.arrive $0xFFFF  }
0x59: {  	p0 =	sne.s32 s3, $0x0;
	_ =	strace $0x9000004A  }
0x5a: {  	s0 =	sadd.s32 @!p0 $0x100000, s0;
	[bflag:$0x2] =	sbarrier.arrive $0xFFFF  }
0x5b: {  	[sflag:s0] =	ssyncadd.tile.s32 @!p0 $0x1;
	_ =	shalt  }
.Lfunc_end2:
_tile_overlayer_lowered:
.L_overlay_start_2:
0x5c: {  	(tag) =	ssettag $0x2  }
0x5d: {  	s0 =	rddreg [dreg:$0x0];
	s2 =	stileid.u32  }
0x5e: {  	s1 =	rddreg [dreg:$0x1];
	p0 =	sne.s32 s2, $0x0  }
0x5f: {  	s3 =	rddreg [dreg:$0x2];
	[bflag:$0x3] =	sbarrier.arrive $0xFFFF;
	s2 =	simm.s32 @!p0 $0x1C05  }
0x60: {  	[timem:s3], [sflag:s2] =	dma.local @!p0 [hbm:s0], s1  }
0x61: {  	s0 =	simm.s32 @!p0 $0x5  }
0x62: {  	_ =	swait.ge @!p0 [sflag:s0], s1  }
0x63: {  	s1 =	ssub.s32 @!p0 $0x0, s1;
	[sflag:s0] =	ssyncset.done @!p0 $0x0  }
0x64: {  	[sflag:s0] =	ssyncadd.s32 @!p0 s1  }
0x65: {  	[bflag:$0x3] =	sbarrier.arrive $0xFFFF  }
0x66: {  	_ =	shalt  }

// kernel: kernel.14.cloned.1.call-start
scs
__scs_entry_jumppad:
0x0: {  	(pc) =	sbr.rel $0x88, $3  }
0x1: {  	(tag) =	ssettag $0x0;
	lr =	simm.s32 $0x1  }
0x2: {  	[smem:$0x3F9A] =	sst lr;
	_ =	strace $0xD0000000  }
0x3: {  	_ = 	snop  }
0x4: {  	_ = 	snop  }
0x5: {  	_ = 	snop  }
0x6: {  	_ = 	snop  }
0x7: {  	_ = 	snop  }
__scs_overlays_trampoline_lowered:
0x8: {  	[smem:$0x3FA9] =	sst s0  }
0x9: {  	[smem:$0x3FAA] =	sst s1  }
0xa: {  	[smem:$0x3FAB] =	sst s2  }
0xb: {  	[smem:$0x3FAC] =	sst s3  }
0xc: {  	[smem:$0x3FAD] =	sst s4  }
0xd: {  	[smem:$0x3FAE] =	sst s5  }
0xe: {  	[smem:$0x3FAF] =	sst s6  }
0xf: {  	[smem:$0x3FB0] =	sst s7  }
0x10: {  	[smem:$0x3FB1] =	sst s8  }
0x11: {  	[smem:$0x3FB2] =	sst s9;
	s0 =	simm.s32 @!p0 $0x0  }
0x12: {  	s1 =	sld [smem:$0x3F98];
	s0 =	simm.s32 @p0 $0x1  }
0x13: {  	[smem:$0x3FB3] =	sst s0;
	s0 =	simm.s32 @!p1 $0x0  }
0x14: {  	s2 =	sld [smem:$0x3F97];
	s0 =	simm.s32 @p1 $0x1  }
0x15: {  	[smem:$0x3FB4] =	sst s0;
	s0 =	simm.s32 @!p2 $0x0  }
0x16: {  	s3 =	sld [smem:$0x3FDB];
	s0 =	simm.s32 @p2 $0x1  }
0x17: {  	s4 =	simm.s32 $0x1BF5;
	[smem:$0x3FB6] =	sst s0  }
0x18: {  	s0 =	sld [smem:$0x3F99];
	_ =	swait.ge [sflag:s4], $0x0  }
0x19: {  	s7 =	sld [smem:$0x3F9A]  }
0x1a: {  	s8 =	sadd.s32 $0xFFFFE003, lr  }
0x1b: {  	s9 =	sadd.s32 $0xFFFFFEF7, lr;
	s5 =	simm.s32 $0xFFFFFFFF;
	p2 =	slt.u32 s8, $0xFFFFF086  }
0x1c: {  	p1 =	slt.u32 s9, $0xF7A;
	s5 =	simm.s32 @!p2 $0x0  }
0x1d: {  	s5 =	simm.s32 @p1 $0x1;
	p0 =	seq.s32 s7, s2  }
0x1e: {  	s7 =	smul.u32 @!p0 $0xF7A, s2;
	p2 =	seq.s32 @!p0 s5, $0x0  }
0x1f: {  	s9 =	smul.u32 $0xF7A, s1;
	s8 =	simm.s32 @!p0 $0x1BF5;
	p2 =	por !p2, p0  }
0x20: {  	[sflag:s8] =	ssyncset.s32 @!p0 $0xFFFFF086;
	s6 =	sadd.s32 @!p0 s3, s7;
	s7 =	simm.s32 @!p0 $0x108  }
0x21: {  	s3 =	sadd.s32 s3, s9;
	s6 =	sadd.s32 @!p0 $0x88, s6;
	s7 =	simm.s32 @p2 $0x1082  }
0x22: {  	[simem:s7], [sflag:s8] =	dma.local @!p0 [hbm:s6], $0xF7A  }
0x23: {  	s9 =	sor.u32 $0xD0000000, s2;
	s6 =	simm.s32 $0x108;
	_ =	swait.ge @!p0 [sflag:s8], $0x0  }
0x24: {  	s3 =	sadd.s32 $0x88, s3;
	s6 =	simm.s32 @!p1 $0x1082;
	[sflag:s4] =	ssyncset.s32 $0xFFFFF086  }
0x25: {  	[simem:s6], [sflag:s4] =	dma.local [hbm:s3], $0xF7A  }
0x26: {  	[smem:$0x3F9A] =	sst s1;
	(tag) =	ssettag s2;
	_ =	strace s9  }
0x27: {  	s1 =	sld [smem:$0x3FAA]  }
0x28: {  	s2 =	sld [smem:$0x3FAB]  }
0x29: {  	s4 =	sld [smem:$0x3FAD]  }
0x2a: {  	p0 =	seq.s32 s5, $0x0;
	s5 =	sld [smem:$0x3FAE]  }
0x2b: {  	s6 =	sld [smem:$0x3FAF]  }
0x2c: {  	s7 =	sld [smem:$0x3FB0]  }
0x2d: {  	s3 =	simm.s32 $0x108;
	s8 =	sld [smem:$0x3FB1]  }
0x2e: {  	s3 =	simm.s32 @!p0 $0x1082;
	s9 =	sld [smem:$0x3FB2]  }
0x2f: {  	lr =	sadd.s32 s0, s3;
	s0 =	sld [smem:$0x3FA9]  }
0x30: {  	s3 =	sld [smem:$0x3FAC]  }
0x31: {  	[smem:$0x3FB5] =	sst s10  }
0x32: {  	s10 =	sld [smem:$0x3FB3];
	_ =	sdelay $0x3  }
0x33: {  	p0 =	seq.s32 s10, $0x1;
	s10 =	sld [smem:$0x3FB5];
	_ =	sdelay $0x3  }
0x34: {  	[smem:$0x3FB5] =	sst s10  }
0x35: {  	s10 =	sld [smem:$0x3FB4];
	_ =	sdelay $0x3  }
0x36: {  	p1 =	seq.s32 s10, $0x1;
	s10 =	sld [smem:$0x3FB5];
	_ =	sdelay $0x3  }
0x37: {  	[smem:$0x3FB5] =	sst s10  }
0x38: {  	s10 =	sld [smem:$0x3FB6]  }
0x39: {  	_ = 	snop;
	(pc) =	sbr.ind lr, $3  }
0x3a: {  	_ = 	snop  }
0x3b: {  	_ = 	snop  }
0x3c: {  	p2 =	seq.s32 s10, $0x1;
	s10 =	sld [smem:$0x3FB5]  }
0x3d: {  	_ =	shalt  }
0x3e: {  	_ =	shalt  }
0x3f: {  	_ =	shalt  }
0x40: {  	_ =	shalt  }
0x41: {  	_ =	shalt  }
0x42: {  	_ =	shalt  }
0x43: {  	_ =	shalt  }
0x44: {  	_ =	shalt  }
0x45: {  	_ =	shalt  }
0x46: {  	_ =	shalt  }
0x47: {  	_ =	shalt  }
0x48: {  	_ =	shalt  }
0x49: {  	_ =	shalt  }
0x4a: {  	_ =	shalt  }
0x4b: {  	_ =	shalt  }
0x4c: {  	_ =	shalt  }
0x4d: {  	_ =	shalt  }
0x4e: {  	_ =	shalt  }
0x4f: {  	_ =	shalt  }
0x50: {  	_ =	shalt  }
0x51: {  	_ =	shalt  }
0x52: {  	_ =	shalt  }
0x53: {  	_ =	shalt  }
0x54: {  	_ =	shalt  }
0x55: {  	_ =	shalt  }
0x56: {  	_ =	shalt  }
0x57: {  	_ =	shalt  }
0x58: {  	_ =	shalt  }
0x59: {  	_ =	shalt  }
0x5a: {  	_ =	shalt  }
0x5b: {  	_ =	shalt  }
0x5c: {  	_ =	shalt  }
0x5d: {  	_ =	shalt  }
0x5e: {  	_ =	shalt  }
0x5f: {  	_ =	shalt  }
0x60: {  	_ =	shalt  }
0x61: {  	_ =	shalt  }
0x62: {  	_ =	shalt  }
0x63: {  	_ =	shalt  }
0x64: {  	_ =	shalt  }
0x65: {  	_ =	shalt  }
0x66: {  	_ =	shalt  }
0x67: {  	_ =	shalt  }
0x68: {  	_ =	shalt  }
0x69: {  	_ =	shalt  }
0x6a: {  	_ =	shalt  }
0x6b: {  	_ =	shalt  }
0x6c: {  	_ =	shalt  }
0x6d: {  	_ =	shalt  }
0x6e: {  	_ =	shalt  }
0x6f: {  	_ =	shalt  }
0x70: {  	_ =	shalt  }
0x71: {  	_ =	shalt  }
0x72: {  	_ =	shalt  }
0x73: {  	_ =	shalt  }
0x74: {  	_ =	shalt  }
0x75: {  	_ =	shalt  }
0x76: {  	_ =	shalt  }
0x77: {  	_ =	shalt  }
0x78: {  	_ =	shalt  }
0x79: {  	_ =	shalt  }
0x7a: {  	_ =	shalt  }
0x7b: {  	_ =	shalt  }
0x7c: {  	_ =	shalt  }
0x7d: {  	_ =	shalt  }
0x7e: {  	_ =	shalt  }
0x7f: {  	_ =	shalt  }
0x80: {  	_ =	shalt  }
0x81: {  	_ =	shalt  }
0x82: {  	_ =	shalt  }
0x83: {  	_ =	shalt  }
0x84: {  	_ =	shalt  }
0x85: {  	_ =	shalt  }
0x86: {  	_ =	shalt  }
0x87: {  	_ =	shalt  }
.Lfunc_end0:
.L_simem_size_0:
called_computation.2_lowered:
.L_overlay_start_0:
0x88: {  	s2 =	sld [smem:$0x3FD9]  }
0x89: {  	s3 =	sld [smem:$0x3FFE];
	_ =	sdelay $0x1  }
0x8a: {  	s1 =	srdreg.scid  }
0x8b: {  	s0 =	sand.u32 $0x1, s1  }
0x8c: {  	s17 =	sshll.u32 s0, $0xA;
	s2 =	sadd.s32 s3, s2  }
0x8d: {  	s2 =	sadd.s32 s2, s17  }
0x8e: {  	[smem:$0x3FC1] =	sst s2  }
0x8f: {  	_ = 	snop  }
0x90: {  	s2 =	sld [smem:$0x3FD0];
	(tm) =	ssettm $0x1  }
0x91: {  	s18 =	sld [smem:$0x3FFB];
	_ =	sdelay $0x3  }
0x92: {  	_ =	strace s18  }
0x93: {  	s3 =	sld [smem:$0x3FFC];
	_ =	sdelay $0x3  }
0x94: {  	_ =	strace s3  }
0x95: {  	s3 =	sld [smem:$0x3FFD];
	_ =	sdelay $0x3  }
0x96: {  	_ =	strace s3  }
0x97: {  	_ =	strace $0x8FFFFFFF  }
0x98: {  	s19 =	sld [smem:$0x3FDB];
	_ =	sdelay $0x1  }
0x99: {  	s4 =	simm.s32 $_scs_section_size  }
0x9a: {  	s5 =	simm.s32 $_size__tile_overlayer_lowered;
	s6 =	simm.s32 $_tile_overlayer_lowered  }
0x9b: {  	s22 =	simm.s32 $0x1BFF;
	s21 =	sshll.u32 s6, $0x1;
	s3 =	sadd.s32 s4, s19  }
0x9c: {  	s7 =	simm.s32 $0x0;
	s20 =	sshll.u32 s5, $0x1;
	s5 =	sadd.s32 s21, s3  }
0x9d: {  	[timem:s7], [sflag:s22] =	dma.local [hbm:s5], s20  }
0x9e: {  	_ =	swait.ge [sflag:s22], s20  }
0x9f: {  	s4 =	ssub.s32 $0x0, s20;
	[sflag:s22] =	ssyncset.done $0x0  }
0xa0: {  	[sflag:s22] =	ssyncadd.s32 s4;
	_ =	sdelay $0x1  }
0xa1: {  	s23 =	simm.s32 $0x1B8B  }
0xa2: {  	_ =	swait.ge [sflag:s23], $0x1  }
0xa3: {  	[sflag:s23] =	ssyncset.done $0x0  }
0xa4: {  	s25 =	simm.s32 $0x1B8E;
	s24 =	sld [smem:$0x3FFE];
	[sflag:s23] =	ssyncadd.s32 $0xFFFFFFFF  }
0xa5: {  	s26 =	simm.s32 $execute0_lowered;
	[smem:$0x3FD2] =	sst s25  }
0xa6: {  	s5 =	sshll.u32 s26, $0x1;
	_ =	strace $0x8000004C;
	[dreg:$0x1] =	wrdreg $0xFFFFFFFF  }
0xa7: {  	s28 =	simm.s32 $_size_execute0_lowered;
	s3 =	sadd.s32 s3, s5;
	[dreg:$0x0] =	wrdreg $0x0  }
0xa8: {  	s5 =	sshll.u32 s28, $0x1;
	[dreg:$0x2] =	wrdreg s3  }
0xa9: {  	[dreg:$0x3] =	wrdreg s5  }
0xaa: {  	[dreg:$0x4] =	wrdreg $0xC0  }
0xab: {  	_ =	task [dreg:s7], $0x5FFFF  }
0xac: {  	[dreg:$0x1] =	wrdreg $0xFFFFFFFF  }
0xad: {  	[dreg:$0x0] =	wrdreg $0x60  }
0xae: {  	[dreg:$0x2] =	wrdreg s24  }
0xaf: {  	[dreg:$0x3] =	wrdreg s2  }
0xb0: {  	[dreg:$0x4] =	wrdreg $0x82000  }
0xb1: {  	[dreg:$0x5] =	wrdreg $0x9  }
0xb2: {  	_ =	task.clear_ibuf [dreg:s7], $0x6FFFF;
	_ =	strace $0x9000004C  }
0xb3: {  	s29 =	simm.s32 $0x9;
	_ =	strace $0x8000004E  }
0xb4: {  	_ =	swait.ge [sflag:s29], $0x1  }
0xb5: {  	[sflag:s29] =	ssyncadd.s32 $0xFFFFFFFF  }
0xb6: {  	_ =	strace $0x9000004E  }
0xb7: {  	_ =	sfence  }
0xb8: {  	s30 =	sld [smem:$0x0];
	_ =	sdelay $0x2  }
0xb9: {  	s31 =	sshll.u32 s1, $0xD;
	s1 =	sshrl.u32 s1, $0x2  }
0xba: {  	s3 =	sand.u32 $0x4000, s31;
	s1 =	sadd.s32 s1, s30  }
0xbb: {  	s0 =	sor.u32 s3, s0;
	s1 =	sshll.u32 s1, $0x11  }
0xbc: {  	s0 =	sor.u32 s1, s0  }
0xbd: {  	s0 =	sadd.s32 $0x8F2B, s0  }
0xbe: {  	[sflag:s0] =	ssyncadd.remote.s32 $0x1  }
0xbf: {  	_ =	sfence.sel $0xFFFF  }
0xc0: {  	[dreg:$0x0] =	wrdreg $0xFFFFFFFF;
	(pc) =	sbr.abs _section_cstart, $3  }
0xc1: {  	[dreg:$0x1] =	wrdreg $0xFFFFFFFF  }
0xc2: {  	_ =	task.clear_ibuf [dreg:s7], $0x2FFFF;
	_ =	strace $0x9FFFFFFF  }
0xc3: {  	(tm) =	ssettm $0x7FFFFFFF  }
tec
execute0_lowered:
.L_overlay_start_1:
0x0: {  	(tag) =	ssettag $0x1  }
0x1: {  	s7 =	rddreg [dreg:$0x0]  }
0x2: {  	s1 =	rddreg [dreg:$0x1]  }
0x3: {  	s2 =	rddreg [dreg:$0x2];
	s3 =	srdreg.scid  }
0x4: {  	s0 =	rddreg [dreg:$0x3];
	s4 =	simm.s32 $0x0;
	s14 =	simm.s32 $0x3200  }
0x5: {  	s15 =	simm.s32 $0x100;
	s16 =	simm.s32 $0x5A00;
	s17 =	simm.s32 $0x1  }
0x6: {  	s18 =	simm.s32 $0x80;
	s19 =	simm.s32 $0x3;
	s8 =	sand.u32 $0x1, s3  }
0x7: {  	s20 =	simm.s32 $0x2;
	s3 =	stileid.u32;
	s9 =	smul.u32 $0x140000, s8  }
0x8: {  	s21 =	simm.s32 $0x4;
	s22 =	simm.s32 $0x3180;
	s10 =	smul.u32 $0x14000, s3  }
0x9: {  	s23 =	simm.s32 $0x0;
	[smem:$0x7FF] =	sst s4;
	s28 =	smul.u32 $0x50000, s3  }
0xa: {  	s5 =	sadd.s32 $0x52E00, s7;
	s11 =	ssub.s32 $0x2, s8;
	s8 =	smul.u32 $0xFA0, s8  }
0xb: {  	s6 =	sadd.s32 $0xE1600, s7;
	_ =	strace $0x8000004D;
	s12 =	smul.u32 $0xFA, s3  }
0xc: {  	s31 =	sshll.u32 s3, $0x6;
	s29 =	sshrl.u32 s11, $0x1;
	s9 =	sadd.s32 s10, s9  }
0xd: {  	s11 =	ssub.s32 s11, s29;
	s30 =	sshrl.u32 s28, $0x2;
	s8 =	sadd.s32 s12, s8  }
0xe: {  	s12 =	simm.s32 $0x5;
	s9 =	sshrl.u32 s9, $0x3;
	s13 =	sadd.s32 s30, s2  }
0xf: {  	s10 =	smax.u32 s11, $0x1;
	s9 =	sadd.s32 s9, s7;
	s7 =	sor.u32 $0x1C05, s31  }
0x10: {  	s11 =	sshrl.u32 s13, $0x3;
	s13 =	simm.s32 $0x50;
	s9 =	sadd.s32 $0x11FE00, s9  }
.LBB2_1:
0x11: {  	[spmem:s11], [sflag:s7] =	dma.local [hbm:s1], $0x2800  }
0x12: {  	_ =	swait.ge [sflag:s12], $0x2800  }
0x13: {  	[sflag:s12] =	ssyncset.done $0x0  }
0x14: {  	[sflag:s12] =	ssyncadd.s32 $0xFFFFD800  }
0x15: {  	s24 =	simm.s32 $0x0;
	[bflag:$0x0] =	sbarrier.arrive $0xFFFF  }
.LBB2_2:
0x16: {  	s25 =	smul.u32 $0x32, s24;
	_ =	sdelay $0x1  }
0x17: {  	s25 =	sadd.s32 s25, s8  }
0x18: {  	s25 =	sshll.u32 s25, $0x5  }
0x19: {  	s25 =	sadd.s32 s6, s25  }
0x1a: {  	[tilespmem:s4], [sflag:$0x5] =	stream.linear.gather [hbm4b:s25+s4], $0x3200, $0x38;
	[tilespmem:$0x1C200] =	vst v63  }
0x1b: {  	_ =	swait.ge [sflag:s12], $0x3200  }
0x1c: {  	[sflag:s12] =	ssyncset.done $0x0  }
0x1d: {  	[sflag:s12] =	ssyncadd.s32 $0xFFFFCE00  }
0x1e: {  	[tilespmem:s14], [sflag:$0x1] =	stream.indirect.gather [hbm4b:s5+s13], $0x80, s4, s13, $0xb8;
	[tilespmem:$0x1C200] =	vst v63  }
0x1f: {  	_ = 	snop  }
0x20: {  	[tilespmem:s16], [sflag:$0x2] =	stream.indirect.gather [hbm4b:s5+s13], $0x80, s15, s13, $0xb8;
	[tilespmem:$0x1C200] =	vst v63  }
0x21: {  	_ =	swait.ge [sflag:s17], $0x2800  }
0x22: {  	[sflag:s17] =	ssyncset.done $0x0  }
0x23: {  	[sflag:s17] =	ssyncadd.s32 $0xFFFFD800  }
0x24: {  	[spmem:s2] =	stream.indirect.scatter.add.f32 [tilespmem:s14], [sflag:$0x3], $0x80, s18, s13, $0xb8;
	[tilespmem:$0x1C200] =	vst v63  }
0x25: {  	_ =	swait.ge [sflag:s19], $0x2800  }
0x26: {  	[sflag:s19] =	ssyncset.done $0x0  }
0x27: {  	s29 =	simm.s32 $0x200;
	[sflag:s19] =	ssyncadd.s32 $0xFFFFD800  }
0x28: {  	[tilespmem:s14], [sflag:$0x1] =	stream.indirect.gather [hbm4b:s5+s13], $0x80, s29, s13, $0xb8;
	[tilespmem:$0x1C200] =	vst v63  }
0x29: {  	_ =	swait.ge [sflag:s20], $0x2800  }
0x2a: {  	[sflag:s20] =	ssyncset.done $0x0  }
0x2b: {  	s30 =	simm.s32 $0x180;
	[sflag:s20] =	ssyncadd.s32 $0xFFFFD800  }
0x2c: {  	[spmem:s2] =	stream.indirect.scatter.add.f32 [tilespmem:s16], [sflag:$0x4], $0x80, s30, s13, $0xb8;
	[tilespmem:$0x1C200] =	vst v63  }
0x2d: {  	_ =	swait.ge [sflag:s21], $0x2800  }
0x2e: {  	[sflag:s21] =	ssyncset.done $0x0  }
0x2f: {  	s31 =	simm.s32 $0x300;
	[sflag:s21] =	ssyncadd.s32 $0xFFFFD800  }
0x30: {  	[tilespmem:s16], [sflag:$0x2] =	stream.indirect.gather [hbm4b:s5+s13], $0x80, s31, s13, $0xb8;
	[tilespmem:$0x1C200] =	vst v63  }
0x31: {  	_ =	swait.ge [sflag:s17], $0x2800  }
0x32: {  	[sflag:s17] =	ssyncset.done $0x0  }
0x33: {  	s26 =	simm.s32 $0x280;
	s25 =	simm.s32 $0xFFFF4800;
	[sflag:s17] =	ssyncadd.s32 $0xFFFFD800  }
.LBB2_3:
0x34: {  	[spmem:s2] =	stream.indirect.scatter.add.f32 [tilespmem:s14], [sflag:$0x3], $0x80, s26, s13, $0xb8;
	[tilespmem:$0x1C200] =	vst v63  }
0x35: {  	s26 =	smov.u32 s25  }
0x36: {  	p0 =	sne.s32 s25, $0xFFFFF800;
	s25 =	sadd.s32 $0x800, s25;
	_ =	swait.ge [sflag:s19], $0x2800  }
0x37: {  	s26 =	sshra.s32 s26, $0x2;
	[sflag:s19] =	ssyncset.done $0x0  }
0x38: {  	s28 =	sadd.s32 $0x3200, s26;
	[sflag:s19] =	ssyncadd.s32 $0xFFFFD800  }
0x39: {  	[tilespmem:s14], [sflag:$0x1] =	stream.indirect.gather [hbm4b:s5+s13], $0x80, s28, s13, $0xb8;
	[tilespmem:$0x1C200] =	vst v63  }
0x3a: {  	_ =	swait.ge [sflag:s20], $0x2800  }
0x3b: {  	[sflag:s20] =	ssyncset.done $0x0  }
0x3c: {  	s28 =	sadd.s32 $0x3180, s26;
	[sflag:s20] =	ssyncadd.s32 $0xFFFFD800  }
0x3d: {  	[spmem:s2] =	stream.indirect.scatter.add.f32 [tilespmem:s16], [sflag:$0x4], $0x80, s28, s13, $0xb8;
	[tilespmem:$0x1C200] =	vst v63  }
0x3e: {  	_ =	swait.ge [sflag:s21], $0x2800  }
0x3f: {  	[sflag:s21] =	ssyncset.done $0x0  }
.Ltmp0:
0x40: {  	s28 =	sadd.s32 $0x3300, s26;
	[sflag:s21] =	ssyncadd.s32 $0xFFFFD800;
	(pc) =	sbr.rel @p0 .LBB2_3-.Ltmp0, $4  }
0x41: {  	[tilespmem:s16], [sflag:$0x2] =	stream.indirect.gather [hbm4b:s5+s13], $0x80, s28, s13, $0xb8;
	[tilespmem:$0x1C200] =	vst v63  }
0x42: {  	_ =	swait.ge [sflag:s17], $0x2800  }
0x43: {  	[sflag:s17] =	ssyncset.done $0x0  }
0x44: {  	s26 =	sadd.s32 $0x3280, s26;
	[sflag:s17] =	ssyncadd.s32 $0xFFFFD800  }
0x45: {  	[spmem:s2] =	stream.indirect.scatter.add.f32 [tilespmem:s14], [sflag:$0x3], $0x80, s26, s13, $0xb8;
	[tilespmem:$0x1C200] =	vst v63  }
0x46: {  	_ =	swait.ge [sflag:s20], $0x2800  }
0x47: {  	[sflag:s20] =	ssyncset.done $0x0  }
0x48: {  	s24 =	sadd.s32 $0x1, s24;
	[sflag:s20] =	ssyncadd.s32 $0xFFFFD800  }
0x49: {  	[spmem:s2] =	stream.indirect.scatter.add.f32 [tilespmem:s16], [sflag:$0x4], $0x80, s22, s13, $0xb8;
	[tilespmem:$0x1C200] =	vst v63  }
0x4a: {  	p0 =	sne.s32 s24, $0x5;
	_ =	swait.ge [sflag:s19], $0x2800  }
.Ltmp1:
0x4b: {  	[sflag:s19] =	ssyncset.done $0x0;
	(pc) =	sbr.rel @p0 .LBB2_2-.Ltmp1, $4  }
0x4c: {  	[sflag:s19] =	ssyncadd.s32 $0xFFFFD800  }
0x4d: {  	_ =	swait.ge [sflag:s21], $0x2800  }
0x4e: {  	[sflag:s21] =	ssyncset.done $0x0  }
0x4f: {  	[sflag:s21] =	ssyncadd.s32 $0xFFFFD800  }
0x50: {  	s23 =	sadd.s32 $0x1, s23  }
0x51: {  	p0 =	sne.s32 s23, s10  }
.Ltmp2:
0x52: {  	[bflag:$0x0] =	sbarrier.arrive $0xFFFF;
	(pc) =	sbr.rel @p0 .LBB2_1-.Ltmp2, $4  }
0x53: {  	[hbm:s9], [sflag:s7] =	dma.local [spmem:s11], $0x2800  }
0x54: {  	_ =	swait.ge [sflag:s12], $0x2800  }
0x55: {  	[sflag:s12] =	ssyncset.done $0x0  }
0x56: {  	[sflag:s12] =	ssyncadd.s32 $0xFFFFD800  }
0x57: {  	_ =	sfence.sel $0x180000  }
0x58: {  	[bflag:$0x0] =	sbarrier.arrive $0xFFFF  }
0x59: {  	p0 =	sne.s32 s3, $0x0;
	_ =	strace $0x9000004D  }
0x5a: {  	s0 =	sadd.s32 @!p0 $0x100000, s0;
	[bflag:$0x2] =	sbarrier.arrive $0xFFFF  }
0x5b: {  	[sflag:s0] =	ssyncadd.tile.s32 @!p0 $0x1;
	_ =	shalt  }
.Lfunc_end2:
_tile_overlayer_lowered:
.L_overlay_start_2:
0x5c: {  	(tag) =	ssettag $0x2  }
0x5d: {  	s0 =	rddreg [dreg:$0x0];
	s2 =	stileid.u32  }
0x5e: {  	s1 =	rddreg [dreg:$0x1];
	p0 =	sne.s32 s2, $0x0  }
0x5f: {  	s3 =	rddreg [dreg:$0x2];
	[bflag:$0x3] =	sbarrier.arrive $0xFFFF;
	s2 =	simm.s32 @!p0 $0x1C05  }
0x60: {  	[timem:s3], [sflag:s2] =	dma.local @!p0 [hbm:s0], s1  }
0x61: {  	s0 =	simm.s32 @!p0 $0x5  }
0x62: {  	_ =	swait.ge @!p0 [sflag:s0], s1  }
0x63: {  	s1 =	ssub.s32 @!p0 $0x0, s1;
	[sflag:s0] =	ssyncset.done @!p0 $0x0  }
0x64: {  	[sflag:s0] =	ssyncadd.s32 @!p0 s1  }
0x65: {  	[bflag:$0x3] =	sbarrier.arrive $0xFFFF  }
0x66: {  	_ =	shalt  }

// kernel: kernel.8.cloned.1.call-start
scs
__scs_entry_jumppad:
0x0: {  	(pc) =	sbr.rel $0x88, $3  }
0x1: {  	(tag) =	ssettag $0x0;
	lr =	simm.s32 $0x1  }
0x2: {  	[smem:$0x3F9A] =	sst lr;
	_ =	strace $0xD0000000  }
0x3: {  	_ = 	snop  }
0x4: {  	_ = 	snop  }
0x5: {  	_ = 	snop  }
0x6: {  	_ = 	snop  }
0x7: {  	_ = 	snop  }
__scs_overlays_trampoline_lowered:
0x8: {  	[smem:$0x3FA9] =	sst s0  }
0x9: {  	[smem:$0x3FAA] =	sst s1  }
0xa: {  	[smem:$0x3FAB] =	sst s2  }
0xb: {  	[smem:$0x3FAC] =	sst s3  }
0xc: {  	[smem:$0x3FAD] =	sst s4  }
0xd: {  	[smem:$0x3FAE] =	sst s5  }
0xe: {  	[smem:$0x3FAF] =	sst s6  }
0xf: {  	[smem:$0x3FB0] =	sst s7  }
0x10: {  	[smem:$0x3FB1] =	sst s8  }
0x11: {  	[smem:$0x3FB2] =	sst s9;
	s0 =	simm.s32 @!p0 $0x0  }
0x12: {  	s1 =	sld [smem:$0x3F98];
	s0 =	simm.s32 @p0 $0x1  }
0x13: {  	[smem:$0x3FB3] =	sst s0;
	s0 =	simm.s32 @!p1 $0x0  }
0x14: {  	s2 =	sld [smem:$0x3F97];
	s0 =	simm.s32 @p1 $0x1  }
0x15: {  	[smem:$0x3FB4] =	sst s0;
	s0 =	simm.s32 @!p2 $0x0  }
0x16: {  	s3 =	sld [smem:$0x3FDB];
	s0 =	simm.s32 @p2 $0x1  }
0x17: {  	s4 =	simm.s32 $0x1BF5;
	[smem:$0x3FB6] =	sst s0  }
0x18: {  	s0 =	sld [smem:$0x3F99];
	_ =	swait.ge [sflag:s4], $0x0  }
0x19: {  	s7 =	sld [smem:$0x3F9A]  }
0x1a: {  	s8 =	sadd.s32 $0xFFFFE003, lr  }
0x1b: {  	s9 =	sadd.s32 $0xFFFFFEF7, lr;
	s5 =	simm.s32 $0xFFFFFFFF;
	p2 =	slt.u32 s8, $0xFFFFF086  }
0x1c: {  	p1 =	slt.u32 s9, $0xF7A;
	s5 =	simm.s32 @!p2 $0x0  }
0x1d: {  	s5 =	simm.s32 @p1 $0x1;
	p0 =	seq.s32 s7, s2  }
0x1e: {  	s7 =	smul.u32 @!p0 $0xF7A, s2;
	p2 =	seq.s32 @!p0 s5, $0x0  }
0x1f: {  	s9 =	smul.u32 $0xF7A, s1;
	s8 =	simm.s32 @!p0 $0x1BF5;
	p2 =	por !p2, p0  }
0x20: {  	[sflag:s8] =	ssyncset.s32 @!p0 $0xFFFFF086;
	s6 =	sadd.s32 @!p0 s3, s7;
	s7 =	simm.s32 @!p0 $0x108  }
0x21: {  	s3 =	sadd.s32 s3, s9;
	s6 =	sadd.s32 @!p0 $0x88, s6;
	s7 =	simm.s32 @p2 $0x1082  }
0x22: {  	[simem:s7], [sflag:s8] =	dma.local @!p0 [hbm:s6], $0xF7A  }
0x23: {  	s9 =	sor.u32 $0xD0000000, s2;
	s6 =	simm.s32 $0x108;
	_ =	swait.ge @!p0 [sflag:s8], $0x0  }
0x24: {  	s3 =	sadd.s32 $0x88, s3;
	s6 =	simm.s32 @!p1 $0x1082;
	[sflag:s4] =	ssyncset.s32 $0xFFFFF086  }
0x25: {  	[simem:s6], [sflag:s4] =	dma.local [hbm:s3], $0xF7A  }
0x26: {  	[smem:$0x3F9A] =	sst s1;
	(tag) =	ssettag s2;
	_ =	strace s9  }
0x27: {  	s1 =	sld [smem:$0x3FAA]  }
0x28: {  	s2 =	sld [smem:$0x3FAB]  }
0x29: {  	s4 =	sld [smem:$0x3FAD]  }
0x2a: {  	p0 =	seq.s32 s5, $0x0;
	s5 =	sld [smem:$0x3FAE]  }
0x2b: {  	s6 =	sld [smem:$0x3FAF]  }
0x2c: {  	s7 =	sld [smem:$0x3FB0]  }
0x2d: {  	s3 =	simm.s32 $0x108;
	s8 =	sld [smem:$0x3FB1]  }
0x2e: {  	s3 =	simm.s32 @!p0 $0x1082;
	s9 =	sld [smem:$0x3FB2]  }
0x2f: {  	lr =	sadd.s32 s0, s3;
	s0 =	sld [smem:$0x3FA9]  }
0x30: {  	s3 =	sld [smem:$0x3FAC]  }
0x31: {  	[smem:$0x3FB5] =	sst s10  }
0x32: {  	s10 =	sld [smem:$0x3FB3];
	_ =	sdelay $0x3  }
0x33: {  	p0 =	seq.s32 s10, $0x1;
	s10 =	sld [smem:$0x3FB5];
	_ =	sdelay $0x3  }
0x34: {  	[smem:$0x3FB5] =	sst s10  }
0x35: {  	s10 =	sld [smem:$0x3FB4];
	_ =	sdelay $0x3  }
0x36: {  	p1 =	seq.s32 s10, $0x1;
	s10 =	sld [smem:$0x3FB5];
	_ =	sdelay $0x3  }
0x37: {  	[smem:$0x3FB5] =	sst s10  }
0x38: {  	s10 =	sld [smem:$0x3FB6]  }
0x39: {  	_ = 	snop;
	(pc) =	sbr.ind lr, $3  }
0x3a: {  	_ = 	snop  }
0x3b: {  	_ = 	snop  }
0x3c: {  	p2 =	seq.s32 s10, $0x1;
	s10 =	sld [smem:$0x3FB5]  }
0x3d: {  	_ =	shalt  }
0x3e: {  	_ =	shalt  }
0x3f: {  	_ =	shalt  }
0x40: {  	_ =	shalt  }
0x41: {  	_ =	shalt  }
0x42: {  	_ =	shalt  }
0x43: {  	_ =	shalt  }
0x44: {  	_ =	shalt  }
0x45: {  	_ =	shalt  }
0x46: {  	_ =	shalt  }
0x47: {  	_ =	shalt  }
0x48: {  	_ =	shalt  }
0x49: {  	_ =	shalt  }
0x4a: {  	_ =	shalt  }
0x4b: {  	_ =	shalt  }
0x4c: {  	_ =	shalt  }
0x4d: {  	_ =	shalt  }
0x4e: {  	_ =	shalt  }
0x4f: {  	_ =	shalt  }
0x50: {  	_ =	shalt  }
0x51: {  	_ =	shalt  }
0x52: {  	_ =	shalt  }
0x53: {  	_ =	shalt  }
0x54: {  	_ =	shalt  }
0x55: {  	_ =	shalt  }
0x56: {  	_ =	shalt  }
0x57: {  	_ =	shalt  }
0x58: {  	_ =	shalt  }
0x59: {  	_ =	shalt  }
0x5a: {  	_ =	shalt  }
0x5b: {  	_ =	shalt  }
0x5c: {  	_ =	shalt  }
0x5d: {  	_ =	shalt  }
0x5e: {  	_ =	shalt  }
0x5f: {  	_ =	shalt  }
0x60: {  	_ =	shalt  }
0x61: {  	_ =	shalt  }
0x62: {  	_ =	shalt  }
0x63: {  	_ =	shalt  }
0x64: {  	_ =	shalt  }
0x65: {  	_ =	shalt  }
0x66: {  	_ =	shalt  }
0x67: {  	_ =	shalt  }
0x68: {  	_ =	shalt  }
0x69: {  	_ =	shalt  }
0x6a: {  	_ =	shalt  }
0x6b: {  	_ =	shalt  }
0x6c: {  	_ =	shalt  }
0x6d: {  	_ =	shalt  }
0x6e: {  	_ =	shalt  }
0x6f: {  	_ =	shalt  }
0x70: {  	_ =	shalt  }
0x71: {  	_ =	shalt  }
0x72: {  	_ =	shalt  }
0x73: {  	_ =	shalt  }
0x74: {  	_ =	shalt  }
0x75: {  	_ =	shalt  }
0x76: {  	_ =	shalt  }
0x77: {  	_ =	shalt  }
0x78: {  	_ =	shalt  }
0x79: {  	_ =	shalt  }
0x7a: {  	_ =	shalt  }
0x7b: {  	_ =	shalt  }
0x7c: {  	_ =	shalt  }
0x7d: {  	_ =	shalt  }
0x7e: {  	_ =	shalt  }
0x7f: {  	_ =	shalt  }
0x80: {  	_ =	shalt  }
0x81: {  	_ =	shalt  }
0x82: {  	_ =	shalt  }
0x83: {  	_ =	shalt  }
0x84: {  	_ =	shalt  }
0x85: {  	_ =	shalt  }
0x86: {  	_ =	shalt  }
0x87: {  	_ =	shalt  }
.Lfunc_end0:
.L_simem_size_0:
called_computation_lowered:
.L_overlay_start_0:
0x88: {  	s2 =	sld [smem:$0x3FD9]  }
0x89: {  	s3 =	sld [smem:$0x3FFE];
	_ =	sdelay $0x1  }
0x8a: {  	s1 =	srdreg.scid  }
0x8b: {  	s0 =	sand.u32 $0x1, s1  }
0x8c: {  	s17 =	sshll.u32 s0, $0xA;
	s2 =	sadd.s32 s3, s2  }
0x8d: {  	s2 =	sadd.s32 s2, s17  }
0x8e: {  	[smem:$0x3FC1] =	sst s2  }
0x8f: {  	_ = 	snop  }
0x90: {  	s2 =	sld [smem:$0x3FD0];
	(tm) =	ssettm $0x1  }
0x91: {  	s18 =	sld [smem:$0x3FFB];
	_ =	sdelay $0x3  }
0x92: {  	_ =	strace s18  }
0x93: {  	s3 =	sld [smem:$0x3FFC];
	_ =	sdelay $0x3  }
0x94: {  	_ =	strace s3  }
0x95: {  	s3 =	sld [smem:$0x3FFD];
	_ =	sdelay $0x3  }
0x96: {  	_ =	strace s3  }
0x97: {  	_ =	strace $0x8FFFFFFF  }
0x98: {  	s19 =	sld [smem:$0x3FDB];
	_ =	sdelay $0x1  }
0x99: {  	s4 =	simm.s32 $_scs_section_size  }
0x9a: {  	s5 =	simm.s32 $_size__tile_overlayer_lowered;
	s6 =	simm.s32 $_tile_overlayer_lowered  }
0x9b: {  	s22 =	simm.s32 $0x1BFF;
	s21 =	sshll.u32 s6, $0x1;
	s3 =	sadd.s32 s4, s19  }
0x9c: {  	s7 =	simm.s32 $0x0;
	s20 =	sshll.u32 s5, $0x1;
	s5 =	sadd.s32 s21, s3  }
0x9d: {  	[timem:s7], [sflag:s22] =	dma.local [hbm:s5], s20  }
0x9e: {  	_ =	swait.ge [sflag:s22], s20  }
0x9f: {  	s4 =	ssub.s32 $0x0, s20;
	[sflag:s22] =	ssyncset.done $0x0  }
0xa0: {  	[sflag:s22] =	ssyncadd.s32 s4;
	_ =	sdelay $0x1  }
0xa1: {  	s23 =	simm.s32 $0x1B8B  }
0xa2: {  	_ =	swait.ge [sflag:s23], $0x1  }
0xa3: {  	[sflag:s23] =	ssyncset.done $0x0  }
0xa4: {  	s25 =	simm.s32 $0x1B8E;
	s24 =	sld [smem:$0x3FFE];
	[sflag:s23] =	ssyncadd.s32 $0xFFFFFFFF  }
0xa5: {  	s26 =	simm.s32 $execute0_lowered;
	[smem:$0x3FD2] =	sst s25  }
0xa6: {  	s5 =	sshll.u32 s26, $0x1;
	_ =	strace $0x80000046;
	[dreg:$0x1] =	wrdreg $0xFFFFFFFF  }
0xa7: {  	s28 =	simm.s32 $_size_execute0_lowered;
	s3 =	sadd.s32 s3, s5;
	[dreg:$0x0] =	wrdreg $0x0  }
0xa8: {  	s5 =	sshll.u32 s28, $0x1;
	[dreg:$0x2] =	wrdreg s3  }
0xa9: {  	[dreg:$0x3] =	wrdreg s5  }
0xaa: {  	[dreg:$0x4] =	wrdreg $0xC0  }
0xab: {  	_ =	task [dreg:s7], $0x5FFFF  }
0xac: {  	[dreg:$0x1] =	wrdreg $0xFFFFFFFF  }
0xad: {  	[dreg:$0x0] =	wrdreg $0x60  }
0xae: {  	[dreg:$0x2] =	wrdreg s24  }
0xaf: {  	[dreg:$0x3] =	wrdreg s2  }
0xb0: {  	[dreg:$0x4] =	wrdreg $0x2A000  }
0xb1: {  	[dreg:$0x5] =	wrdreg $0x52000  }
0xb2: {  	[dreg:$0x6] =	wrdreg $0x9  }
0xb3: {  	_ =	task.clear_ibuf [dreg:s7], $0x7FFFF;
	_ =	strace $0x90000046  }
0xb4: {  	s29 =	simm.s32 $0x9;
	_ =	strace $0x80000048  }
0xb5: {  	_ =	swait.ge [sflag:s29], $0x1  }
0xb6: {  	[sflag:s29] =	ssyncadd.s32 $0xFFFFFFFF  }
0xb7: {  	_ =	strace $0x90000048  }
0xb8: {  	_ =	sfence  }
0xb9: {  	s30 =	sld [smem:$0x0];
	_ =	sdelay $0x2  }
0xba: {  	s31 =	sshll.u32 s1, $0xD;
	s1 =	sshrl.u32 s1, $0x2  }
0xbb: {  	s3 =	sand.u32 $0x4000, s31;
	s1 =	sadd.s32 s1, s30  }
0xbc: {  	s0 =	sor.u32 s3, s0;
	s1 =	sshll.u32 s1, $0x11  }
0xbd: {  	s0 =	sor.u32 s1, s0  }
0xbe: {  	s0 =	sadd.s32 $0x8F2B, s0  }
0xbf: {  	[sflag:s0] =	ssyncadd.remote.s32 $0x1  }
0xc0: {  	_ =	sfence.sel $0xFFFF  }
0xc1: {  	[dreg:$0x0] =	wrdreg $0xFFFFFFFF;
	(pc) =	sbr.abs _section_cstart, $3  }
0xc2: {  	[dreg:$0x1] =	wrdreg $0xFFFFFFFF  }
0xc3: {  	_ =	task.clear_ibuf [dreg:s7], $0x2FFFF;
	_ =	strace $0x9FFFFFFF  }
0xc4: {  	(tm) =	ssettm $0x7FFFFFFF  }
0xc5: {  	_ =	shalt  }
tec
execute0_lowered:
.L_overlay_start_1:
0x0: {  	(tag) =	ssettag $0x1  }
0x1: {  	s6 =	rddreg [dreg:$0x0]  }
0x2: {  	s1 =	rddreg [dreg:$0x1]  }
0x3: {  	s3 =	rddreg [dreg:$0x2];
	s2 =	srdreg.scid  }
0x4: {  	s0 =	stileid.u32;
	s4 =	rddreg [dreg:$0x3]  }
0x5: {  	s5 =	simm.s32 $0x0;
	s15 =	simm.s32 $0x200;
	s8 =	smul.u32 $0x280, s0  }
0x6: {  	s16 =	simm.s32 $0x80;
	s17 =	simm.s32 $0x0;
	s29 =	smul.u32 $0x14000, s0  }
0x7: {  	s7 =	sand.u32 $0x1, s2;
	s2 =	rddreg [dreg:$0x4];
	s12 =	smul.u32 $0x1F40, s0  }
0x8: {  	[smem:$0x7FF] =	sst s5;
	s30 =	sshll.u32 s0, $0x6;
	s9 =	smul.u32 $0x5000, s7  }
0x9: {  	s10 =	smul.u32 $0x1F400, s7;
	_ =	strace $0x80000047;
	s7 =	ssub.s32 $0x2, s7  }
0xa: {  	vm0 =	vmmov $0x1;
	s28 =	sshrl.u32 s7, $0x1;
	s13 =	sadd.s32 s29, s3;
	s14 =	sadd.s32 s29, s4  }
0xb: {  	vm1 =	vcmask $0x308;
	vm2 =	vcmask $0x70C;
	vm3 =	vcmask $0xB10;
	s8 =	sadd.s32 s8, s9;
	s26 =	sadd.s32 s10, s6;
	s11 =	ssub.s32 s7, s28  }
0xc: {  	vm4 =	vcmask $0xF14;
	vm5 =	vcmask $0x1318;
	vm6 =	vcmask $0x171C;
	s8 =	sshll.u32 s8, $0x4;
	s31 =	sadd.s32 s12, s26;
	s9 =	smax.u32 s11, $0x1  }
0xd: {  	vm7 =	vcmask $0x1B20;
	vm8 =	vcmask $0x1F24;
	vm9 =	vcmask $0x2328;
	s11 =	sshrl.u32 s13, $0x3;
	s12 =	simm.s32 $0x1;
	s13 =	sshrl.u32 s14, $0x3  }
0xe: {  	vm10 =	vcmask $0x272C;
	vm11 =	vcmask $0x2B30;
	vm12 =	vcmask $0x2F34;
	s14 =	simm.s32 $0x50;
	s8 =	sadd.s32 s8, s6;
	s6 =	sor.u32 $0x1C01, s30  }
0xf: {  	vm13 =	vcmask $0x3338;
	vm14 =	vcmask $0x373C;
	vm15 =	vmmov $0x7fff;
	s10 =	sadd.s32 $0x2E00, s31;
	s7 =	sadd.s32 $0x41600, s8;
	s8 =	sadd.s32 $0x69600, s8  }
.LBB2_1:
0x10: {  	[spmem:s11], [sflag:s6] =	dma.local [hbm:s1], $0x2800  }
0x11: {  	_ =	swait.ge [sflag:s12], $0x2800  }
0x12: {  	[sflag:s12] =	ssyncset.done $0x0  }
0x13: {  	[sflag:s12] =	ssyncadd.s32 $0xFFFFD800  }
0x14: {  	[spmem:s13], [sflag:s6] =	dma.local [hbm:s1], $0x2800  }
0x15: {  	_ =	swait.ge [sflag:s12], $0x2800  }
0x16: {  	[sflag:s12] =	ssyncset.done $0x0  }
0x17: {  	[sflag:s12] =	ssyncadd.s32 $0xFFFFD800  }
0x18: {  	s18 =	simm.s32 $0x0;
	[bflag:$0x0] =	sbarrier.arrive $0xFFFF  }
.LBB2_2:
0x19: {  	s19 =	sadd.s32 s18, s10  }
0x1a: {  	[tilespmem:s5], [sflag:$0x1] =	stream.linear.gather [hbm4b:s19+s5], $0x180, $0x38;
	[tilespmem:$0x7A00] =	vst v63  }
0x1b: {  	_ =	swait.ge [sflag:s12], $0x180  }
0x1c: {  	[sflag:s12] =	ssyncset.done $0x0  }
0x1d: {  	[sflag:s12] =	ssyncadd.s32 $0xFFFFFE80  }
0x1e: {  	v0 =	vld [tilespmem:$0x100];
	_ =	sdelay $0x4  }
0x1f: {  	v1 =	vnsel vm0, $0x0, v0  }
0x20: {  	v43 =	vsel vm1, $0x0, v0;
	[tilespmem:$0x200] =	vst v1  }
0x21: {  	v44 =	vsel vm2, $0x0, v0;
	[tilespmem:$0x280] =	vst v43  }
0x22: {  	v45 =	vsel vm3, $0x0, v0;
	[tilespmem:$0x300] =	vst v44  }
0x23: {  	v46 =	vsel vm4, $0x0, v0;
	[tilespmem:$0x380] =	vst v45  }
0x24: {  	v47 =	vsel vm5, $0x0, v0;
	[tilespmem:$0x400] =	vst v46  }
0x25: {  	v48 =	vsel vm6, $0x0, v0;
	[tilespmem:$0x480] =	vst v47  }
0x26: {  	v49 =	vsel vm7, $0x0, v0;
	[tilespmem:$0x500] =	vst v48  }
0x27: {  	v50 =	vsel vm8, $0x0, v0;
	[tilespmem:$0x580] =	vst v49  }
0x28: {  	v51 =	vsel vm9, $0x0, v0;
	[tilespmem:$0x600] =	vst v50  }
0x29: {  	v52 =	vsel vm10, $0x0, v0;
	[tilespmem:$0x680] =	vst v51  }
0x2a: {  	v2 =	vld [tilespmem:$0x110];
	v53 =	vsel vm11, $0x0, v0;
	[tilespmem:$0x700] =	vst v52  }
0x2b: {  	v54 =	vsel vm12, $0x0, v0;
	[tilespmem:$0x780] =	vst v53  }
0x2c: {  	v55 =	vsel vm13, $0x0, v0;
	[tilespmem:$0x800] =	vst v54  }
0x2d: {  	v56 =	vsel vm14, $0x0, v0;
	[tilespmem:$0x880] =	vst v55  }
0x2e: {  	v0 =	vsel vm15, $0x0, v0;
	[tilespmem:$0x900] =	vst v56  }
0x2f: {  	v57 =	vnsel vm0, $0x0, v2;
	[tilespmem:$0x980] =	vst v0  }
0x30: {  	v58 =	vsel vm1, $0x0, v2;
	[tilespmem:$0xA00] =	vst v57  }
0x31: {  	v59 =	vsel vm2, $0x0, v2;
	[tilespmem:$0xA80] =	vst v58  }
0x32: {  	v60 =	vsel vm3, $0x0, v2;
	[tilespmem:$0xB00] =	vst v59  }
0x33: {  	v61 =	vsel vm4, $0x0, v2;
	[tilespmem:$0xB80] =	vst v60  }
0x34: {  	v62 =	vsel vm5, $0x0, v2;
	[tilespmem:$0xC00] =	vst v61  }
0x35: {  	v63 =	vsel vm6, $0x0, v2;
	[tilespmem:$0xC80] =	vst v62  }
0x36: {  	v4 =	vsel vm7, $0x0, v2;
	[tilespmem:$0xD00] =	vst v63  }
0x37: {  	v5 =	vsel vm8, $0x0, v2;
	[tilespmem:$0xD80] =	vst v4  }
0x38: {  	v6 =	vsel vm9, $0x0, v2;
	[tilespmem:$0xE00] =	vst v5  }
0x39: {  	v7 =	vsel vm10, $0x0, v2;
	[tilespmem:$0xE80] =	vst v6  }
0x3a: {  	v9 =	vld [tilespmem:$0x120];
	v8 =	vsel vm11, $0x0, v2;
	[tilespmem:$0xF00] =	vst v7  }
0x3b: {  	v10 =	vsel vm12, $0x0, v2;
	[tilespmem:$0xF80] =	vst v8  }
0x3c: {  	v11 =	vsel vm13, $0x0, v2;
	[tilespmem:$0x1000] =	vst v10  }
0x3d: {  	v12 =	vsel vm14, $0x0, v2;
	[tilespmem:$0x1080] =	vst v11  }
0x3e: {  	v13 =	vsel vm15, $0x0, v2;
	[tilespmem:$0x1100] =	vst v12  }
0x3f: {  	v14 =	vnsel vm0, $0x0, v9;
	[tilespmem:$0x1180] =	vst v13  }
0x40: {  	v15 =	vsel vm1, $0x0, v9;
	[tilespmem:$0x1200] =	vst v14  }
0x41: {  	v16 =	vsel vm2, $0x0, v9;
	[tilespmem:$0x1280] =	vst v15  }
0x42: {  	v17 =	vsel vm3, $0x0, v9;
	[tilespmem:$0x1300] =	vst v16  }
0x43: {  	v18 =	vsel vm4, $0x0, v9;
	[tilespmem:$0x1380] =	vst v17  }
0x44: {  	v19 =	vsel vm5, $0x0, v9;
	[tilespmem:$0x1400] =	vst v18  }
0x45: {  	v20 =	vsel vm6, $0x0, v9;
	[tilespmem:$0x1480] =	vst v19  }
0x46: {  	v21 =	vsel vm7, $0x0, v9;
	[tilespmem:$0x1500] =	vst v20  }
0x47: {  	v22 =	vsel vm8, $0x0, v9;
	[tilespmem:$0x1580] =	vst v21  }
0x48: {  	v23 =	vsel vm9, $0x0, v9;
	[tilespmem:$0x1600] =	vst v22  }
0x49: {  	v24 =	vsel vm10, $0x0, v9;
	[tilespmem:$0x1680] =	vst v23  }
0x4a: {  	v26 =	vld [tilespmem:$0x130];
	v25 =	vsel vm11, $0x0, v9;
	[tilespmem:$0x1700] =	vst v24  }
0x4b: {  	v27 =	vsel vm12, $0x0, v9;
	[tilespmem:$0x1780] =	vst v25  }
0x4c: {  	v28 =	vsel vm13, $0x0, v9;
	[tilespmem:$0x1800] =	vst v27  }
0x4d: {  	v29 =	vsel vm14, $0x0, v9;
	[tilespmem:$0x1880] =	vst v28  }
0x4e: {  	v30 =	vsel vm15, $0x0, v9;
	[tilespmem:$0x1900] =	vst v29  }
0x4f: {  	v31 =	vnsel vm0, $0x0, v26;
	[tilespmem:$0x1980] =	vst v30  }
0x50: {  	v32 =	vsel vm1, $0x0, v26;
	[tilespmem:$0x1A00] =	vst v31  }
0x51: {  	v33 =	vsel vm2, $0x0, v26;
	[tilespmem:$0x1A80] =	vst v32  }
0x52: {  	v34 =	vsel vm3, $0x0, v26;
	[tilespmem:$0x1B00] =	vst v33  }
0x53: {  	v35 =	vsel vm4, $0x0, v26;
	[tilespmem:$0x1B80] =	vst v34  }
0x54: {  	v36 =	vsel vm5, $0x0, v26;
	[tilespmem:$0x1C00] =	vst v35  }
0x55: {  	v37 =	vsel vm6, $0x0, v26;
	[tilespmem:$0x1C80] =	vst v36  }
0x56: {  	v38 =	vsel vm7, $0x0, v26;
	[tilespmem:$0x1D00] =	vst v37  }
0x57: {  	v39 =	vsel vm8, $0x0, v26;
	[tilespmem:$0x1D80] =	vst v38  }
0x58: {  	v40 =	vsel vm9, $0x0, v26;
	[tilespmem:$0x1E00] =	vst v39  }
0x59: {  	v41 =	vsel vm10, $0x0, v26;
	[tilespmem:$0x1E80] =	vst v40  }
0x5a: {  	v42 =	vsel vm11, $0x0, v26;
	[tilespmem:$0x1F00] =	vst v41;
	v43 =	vld [tilespmem:$0x140]  }
0x5b: {  	[tilespmem:$0x1F80] =	vst v42;
	v44 =	vsel vm12, $0x0, v26  }
0x5c: {  	v45 =	vsel vm13, $0x0, v26;
	[tilespmem:$0x2000] =	vst v44  }
0x5d: {  	v46 =	vsel vm14, $0x0, v26;
	[tilespmem:$0x2080] =	vst v45  }
0x5e: {  	v47 =	vsel vm15, $0x0, v26;
	[tilespmem:$0x2100] =	vst v46  }
0x5f: {  	[tilespmem:$0x2180] =	vst v47;
	v48 =	vnsel vm0, $0x0, v43  }
0x60: {  	v49 =	vsel vm1, $0x0, v43;
	[tilespmem:$0x2200] =	vst v48  }
0x61: {  	v50 =	vsel vm2, $0x0, v43;
	[tilespmem:$0x2280] =	vst v49  }
0x62: {  	v51 =	vsel vm3, $0x0, v43;
	[tilespmem:$0x2300] =	vst v50  }
0x63: {  	v52 =	vsel vm4, $0x0, v43;
	[tilespmem:$0x2380] =	vst v51  }
0x64: {  	v53 =	vsel vm5, $0x0, v43;
	[tilespmem:$0x2400] =	vst v52  }
0x65: {  	v54 =	vsel vm6, $0x0, v43;
	[tilespmem:$0x2480] =	vst v53  }
0x66: {  	v55 =	vsel vm7, $0x0, v43;
	[tilespmem:$0x2500] =	vst v54  }
0x67: {  	v56 =	vsel vm8, $0x0, v43;
	[tilespmem:$0x2580] =	vst v55  }
0x68: {  	v57 =	vsel vm9, $0x0, v43;
	[tilespmem:$0x2600] =	vst v56  }
0x69: {  	v58 =	vsel vm10, $0x0, v43;
	[tilespmem:$0x2680] =	vst v57  }
0x6a: {  	v59 =	vsel vm11, $0x0, v43;
	[tilespmem:$0x2700] =	vst v58  }
0x6b: {  	v60 =	vsel vm12, $0x0, v43;
	[tilespmem:$0x2780] =	vst v59  }
0x6c: {  	v61 =	vsel vm13, $0x0, v43;
	[tilespmem:$0x2800] =	vst v60  }
0x6d: {  	v62 =	vsel vm14, $0x0, v43;
	[tilespmem:$0x2880] =	vst v61  }
0x6e: {  	v63 =	vsel vm15, $0x0, v43;
	[tilespmem:$0x2900] =	vst v62  }
0x6f: {  	[tilespmem:$0x2980] =	vst v63  }
0x70: {  	[spmem:s3] =	stream.indirect.scatter.add.f32 [tilespmem:s15], [sflag:$0x1], $0x10, s5, s14, $0xb8;
	[tilespmem:$0x7A00] =	vst v63  }
0x71: {  	_ =	swait.ge [sflag:s12], $0x500  }
0x72: {  	p0 =	sne.s32 s18, $0x1F00;
	[sflag:s12] =	ssyncset.done $0x0  }
.Ltmp0:
0x73: {  	[sflag:s12] =	ssyncadd.s32 $0xFFFFFB00;
	(pc) =	sbr.rel @p0 .LBB2_2-.Ltmp0, $4  }
0x74: {  	[spmem:s4] =	stream.indirect.scatter.add.f32 [tilespmem:s15], [sflag:$0x1], $0x10, s16, s14, $0xb8;
	[tilespmem:$0x7A00] =	vst v63  }
0x75: {  	_ =	swait.ge [sflag:s12], $0x500  }
0x76: {  	[sflag:s12] =	ssyncset.done $0x0  }
0x77: {  	s18 =	sadd.s32 $0x40, s18;
	[sflag:s12] =	ssyncadd.s32 $0xFFFFFB00  }
0x78: {  	[bflag:$0x0] =	sbarrier.arrive $0xFFFF  }
0x79: {  	[hbm:s7], [sflag:s6] =	dma.local [spmem:s11], $0x2800  }
0x7a: {  	s17 =	sadd.s32 $0x1, s17;
	_ =	swait.ge [sflag:s12], $0x2800  }
0x7b: {  	p0 =	sne.s32 s17, s9;
	[sflag:s12] =	ssyncset.done $0x0  }
.Ltmp1:
0x7c: {  	[sflag:s12] =	ssyncadd.s32 $0xFFFFD800;
	(pc) =	sbr.rel @p0 .LBB2_1-.Ltmp1, $4  }
0x7d: {  	[hbm:s8], [sflag:s6] =	dma.local [spmem:s13], $0x2800  }
0x7e: {  	_ =	swait.ge [sflag:s12], $0x2800  }
0x7f: {  	[sflag:s12] =	ssyncset.done $0x0  }
0x80: {  	[sflag:s12] =	ssyncadd.s32 $0xFFFFD800  }
0x81: {  	_ =	sfence.sel $0x180000  }
0x82: {  	[bflag:$0x0] =	sbarrier.arrive $0xFFFF  }
0x83: {  	p0 =	sne.s32 s0, $0x0;
	_ =	strace $0x90000047  }
0x84: {  	s0 =	sadd.s32 @!p0 $0x100000, s2;
	[bflag:$0x2] =	sbarrier.arrive $0xFFFF  }
0x85: {  	[sflag:s0] =	ssyncadd.tile.s32 @!p0 $0x1;
	_ =	shalt  }
.Lfunc_end2:
_tile_overlayer_lowered:
.L_overlay_start_2:
0x86: {  	(tag) =	ssettag $0x2  }
0x87: {  	s0 =	rddreg [dreg:$0x0];
	s2 =	stileid.u32  }
0x88: {  	s1 =	rddreg [dreg:$0x1];
	p0 =	sne.s32 s2, $0x0  }
0x89: {  	s3 =	rddreg [dreg:$0x2];
	[bflag:$0x3] =	sbarrier.arrive $0xFFFF;
	s2 =	simm.s32 @!p0 $0x1C01  }
0x8a: {  	[timem:s3], [sflag:s2] =	dma.local @!p0 [hbm:s0], s1  }
0x8b: {  	s0 =	simm.s32 @!p0 $0x1  }
0x8c: {  	_ =	swait.ge @!p0 [sflag:s0], s1  }
0x8d: {  	s1 =	ssub.s32 @!p0 $0x0, s1;
	[sflag:s0] =	ssyncset.done @!p0 $0x0  }
0x8e: {  	[sflag:s0] =	ssyncadd.s32 @!p0 s1  }
0x8f: {  	[bflag:$0x3] =	sbarrier.arrive $0xFFFF  }
0x90: {  	_ =	shalt  }

</sc_bundles>
